<compile_context>
chip_gen: v7x
topology: tpu7x:2x2x1
jax: 0.10.2.dev20260603
libtpu: 0.0.44.dev20260713+nightly
codegen_flags: <defaults>
</compile_context>

<pallas_src>
import functools
import math

import numpy as np

import jax
import jax.numpy as jnp
from jax import lax
from jax.experimental import pallas as pl
from jax.experimental.pallas import tpu as pltpu
from jax.experimental.pallas import tpu_sc as plsc

N_HEADS = 8
LN_EPS = 1e-5


_NW = 32
_CHUNK = 80


def _emb_kernel_body(n_chunk_per_w, uid_hbm, iid_hbm, ut_hbm, it_hbm,
                     out_hbm, uidx_v, iidx_v, buf0, buf1, sem0, sem1):
    wid = lax.axis_index("s") * 2 + lax.axis_index("c")
    base_chunk = wid * n_chunk_per_w
    pltpu.sync_copy(uid_hbm.at[wid], uidx_v)
    pltpu.sync_copy(iid_hbm.at[wid], iidx_v)
    bufs = (buf0, buf1)
    sems = (sem0, sem1)
    copies = [None, None]
    for j in range(n_chunk_per_w):
        b = j % 2
        if copies[b] is not None:
            copies[b].wait()
        pltpu.async_copy(ut_hbm.at[uidx_v.at[j]], bufs[b], sems[b]).wait()
        pltpu.async_copy(it_hbm.at[iidx_v.at[j]], bufs[b], sems[b],
                         add=True).wait()
        off = pl.multiple_of((base_chunk + j) * _CHUNK, _CHUNK)
        copies[b] = pltpu.async_copy(
            bufs[b], out_hbm.at[pl.ds(off, _CHUNK)], sems[b])
    for c in copies:
        if c is not None:
            c.wait()


def _emb_lookup(uid2, iid2, user_table, item_table):
    nw, n_chunk_per_w, chunk = uid2.shape
    d = user_table.shape[1]
    assert chunk == _CHUNK and nw == _NW
    n_chunks = nw * n_chunk_per_w
    mesh = plsc.VectorSubcoreMesh(core_axis_name="c", subcore_axis_name="s")
    k = pl.kernel(
        functools.partial(_emb_kernel_body, n_chunk_per_w),
        out_type=jax.ShapeDtypeStruct((n_chunks * chunk, d), jnp.float32),
        mesh=mesh,
        scratch_types=[
            pltpu.VMEM((n_chunk_per_w, chunk), jnp.int32),
            pltpu.VMEM((n_chunk_per_w, chunk), jnp.int32),
            pltpu.VMEM((chunk, d), jnp.float32),
            pltpu.VMEM((chunk, d), jnp.float32),
            pltpu.SemaphoreType.DMA,
            pltpu.SemaphoreType.DMA,
        ],
    )
    return k(uid2, iid2, user_table, item_table)




def _dotT(x, w):
    return lax.dot_general(x, w, (((1,), (1,)), ((), ())),
                           preferred_element_type=jnp.float32)


def _layernorm(x, g, b):
    mu = jnp.mean(x, axis=-1, keepdims=True)
    xc = x - mu
    var = jnp.mean(xc * xc, axis=-1, keepdims=True)
    return xc / jnp.sqrt(var + LN_EPS) * g[None, :] + b[None, :]


def _tc_body(S, L, G, n_layers, emb_ref, mask_ref, pool_ref, *refs):
    it = iter(refs)
    inW, inb = next(it), next(it)
    layers = [[next(it) for _ in range(12)] for _ in range(n_layers)]
    outW, outb, hW1, hb1, hW2, hb2 = (next(it) for _ in range(6))
    out_ref = next(it)

    d_emb = emb_ref.shape[-1]
    x = emb_ref[:].reshape(S * L, d_emb)
    x = _dotT(x, inW[:]) + inb[:][None, :]
    d = x.shape[-1]
    dh = d // N_HEADS
    GL = G * L
    mask = mask_ref[:]

    for (Wqkv, bqkv, Wo, bo, ln1g, ln1b, W1, b1, W2, b2, ln2g,
         ln2b) in layers:
        qkv = _dotT(x, Wqkv[:]) + bqkv[:][None, :]
        outs = []
        for h in range(N_HEADS):
            ogs = []
            for g in range(S // G):
                qg = qkv[g * GL:(g + 1) * GL, h * dh:(h + 1) * dh]
                kg = qkv[g * GL:(g + 1) * GL, d + h * dh:d + (h + 1) * dh]
                vg = qkv[g * GL:(g + 1) * GL,
                         2 * d + h * dh:2 * d + (h + 1) * dh]
                sc = lax.dot_general(
                    qg, kg, (((1,), (1,)), ((), ())),
                    preferred_element_type=jnp.float32)
                e = jnp.exp(sc) * mask
                o = lax.dot_general(e, vg, (((1,), (0,)), ((), ())),
                                    preferred_element_type=jnp.float32)
                den = jnp.sum(e, axis=-1, keepdims=True)
                ogs.append(o / den)
            outs.append(jnp.concatenate(ogs, axis=0))
        ao = jnp.concatenate(outs, axis=-1)
        ao = _dotT(ao, Wo[:]) + bo[:][None, :]
        x = _layernorm(x + ao, ln1g[:], ln1b[:])
        ff = jnp.maximum(_dotT(x, W1[:]) + b1[:][None, :], 0.0)
        ff = _dotT(ff, W2[:]) + b2[:][None, :]
        x = _layernorm(x + ff, ln2g[:], ln2b[:])

    x = _dotT(x, outW[:]) + outb[:][None, :]
    pooled = lax.dot_general(pool_ref[:], x, (((1,), (0,)), ((), ())),
                             preferred_element_type=jnp.float32)
    h1 = jnp.maximum(_dotT(pooled, hW1[:]) + hb1[:][None, :], 0.0)
    out_ref[:] = jnp.sum(h1 * hW2[:], axis=-1, keepdims=True) + hb2[0]


def _transformer(emb3, params, S=8, G=4, interpret=False):
    B, L, d_emb = emb3.shape
    assert B % S == 0 and S % G == 0
    n_layers = len(params['layers'])
    d = params['in_proj_W'].shape[0]
    scale = 1.0 / math.sqrt(d // N_HEADS)

    mask = jnp.asarray(np.kron(np.eye(G, dtype=np.float32),
                               np.ones((L, L), dtype=np.float32)))
    pool = jnp.asarray(np.kron(np.eye(S, dtype=np.float32),
                               np.full((1, L), 1.0 / L, np.float32)))

    qscale = jnp.concatenate([
        jnp.full((d,), scale, jnp.float32),
        jnp.ones((2 * d,), jnp.float32)])

    weights = [params['in_proj_W'], params['in_proj_b']]
    for lp in params['layers']:
        weights += [lp['Wqkv'] * qscale[:, None], lp['bqkv'] * qscale,
                    lp['Wo'], lp['bo'],
                    lp['ln1_g'], lp['ln1_b'], lp['W1'], lp['b1'],
                    lp['W2'], lp['b2'], lp['ln2_g'], lp['ln2_b']]
    weights += [params['out_proj_W'], params['out_proj_b'],
                params['head_W1'], params['head_b1'],
                params['head_W2'], params['head_b2']]

    def wspec(w):
        nd = w.ndim
        return pl.BlockSpec(w.shape, lambda i, _n=nd: (0,) * _n)

    in_specs = [pl.BlockSpec((S, L, d_emb), lambda i: (i, 0, 0)),
                wspec(mask), wspec(pool)]
    in_specs += [wspec(w) for w in weights]

    return pl.pallas_call(
        functools.partial(_tc_body, S, L, G, n_layers),
        grid=(B // S,),
        in_specs=in_specs,
        out_specs=pl.BlockSpec((S, 1), lambda i: (i, 0)),
        out_shape=jax.ShapeDtypeStruct((B, 1), jnp.float32),
        compiler_params=pltpu.CompilerParams(
            dimension_semantics=("parallel",)),
        interpret=interpret,
    )(emb3, mask, pool, *weights)


def kernel(user_ids, item_ids, user_table, item_table, params):
    B, L = user_ids.shape
    d_emb = user_table.shape[1]
    n_split = 2
    Bh = B // n_split
    total = Bh * L
    assert total % (_NW * _CHUNK) == 0
    outs = []
    for i in range(n_split):
        uid2 = user_ids[i * Bh:(i + 1) * Bh].astype(jnp.int32).reshape(
            _NW, total // (_NW * _CHUNK), _CHUNK)
        iid2 = item_ids[i * Bh:(i + 1) * Bh].astype(jnp.int32).reshape(
            _NW, total // (_NW * _CHUNK), _CHUNK)
        emb = _emb_lookup(uid2, iid2, user_table, item_table)
        outs.append(_transformer(emb.reshape(Bh, L, d_emb), params))
    return jnp.concatenate(outs, axis=0)

# --- scband reference (transcript-rebuilt; emitter-appended) ---
"""Pipeline reference for scband-nverecommendation-model-64158221467943 (READ-ONLY COPY).

The authoritative reference and input builder live on the scoring server;
editing this copy changes nothing except your own understanding.
"""

import jax, jax.numpy as jnp
import numpy as np

VOCAB = 100000
D_EMB = 128
D_HID = 256
N_LAYERS = 2
N_HEADS = 8
B = 1024
L = 50


def _normal(key, shape, scale=0.02):
    return jax.random.normal(key, shape, dtype=jnp.float32) * scale


def setup_inputs(seed: int = 0):
    key = jax.random.key(seed)
    ks = jax.random.split(key, 64)
    idx = [0]
    def nk():
        k = ks[idx[0]]
        idx[0] += 1
        return k
    user_ids = jax.random.randint(nk(), (B, L), 0, VOCAB)
    item_ids = jax.random.randint(nk(), (B, L), 0, VOCAB)
    user_table = _normal(nk(), (VOCAB, D_EMB), 0.05)
    item_table = _normal(nk(), (VOCAB, D_EMB), 0.05)
    params = {
        'in_proj_W': _normal(nk(), (D_HID, D_EMB)),
        'in_proj_b': jnp.zeros((D_HID,), jnp.float32),
        'out_proj_W': _normal(nk(), (D_EMB, D_HID)),
        'out_proj_b': jnp.zeros((D_EMB,), jnp.float32),
        'head_W1': _normal(nk(), (D_HID, D_EMB)),
        'head_b1': jnp.zeros((D_HID,), jnp.float32),
        'head_W2': _normal(nk(), (1, D_HID)),
        'head_b2': jnp.zeros((1,), jnp.float32),
        'layers': [],
    }
    for _ in range(N_LAYERS):
        params['layers'].append({
            'Wqkv': _normal(nk(), (3 * D_HID, D_HID)),
            'bqkv': jnp.zeros((3 * D_HID,), jnp.float32),
            'Wo': _normal(nk(), (D_HID, D_HID)),
            'bo': jnp.zeros((D_HID,), jnp.float32),
            'ln1_g': jnp.ones((D_HID,), jnp.float32),
            'ln1_b': jnp.zeros((D_HID,), jnp.float32),
            'W1': _normal(nk(), (4 * D_HID, D_HID)),
            'b1': jnp.zeros((4 * D_HID,), jnp.float32),
            'W2': _normal(nk(), (D_HID, 4 * D_HID)),
            'b2': jnp.zeros((D_HID,), jnp.float32),
            'ln2_g': jnp.ones((D_HID,), jnp.float32),
            'ln2_b': jnp.zeros((D_HID,), jnp.float32),
        })
    return {'user_ids': user_ids, 'item_ids': item_ids, 'user_table': user_table, 'item_table': item_table, 'params': params}


def _layernorm(x, g, b, eps=1e-5):
    mu = x.mean(axis=-1, keepdims=True)
    var = ((x - mu) ** 2).mean(axis=-1, keepdims=True)
    return (x - mu) / jnp.sqrt(var + eps) * g + b


def _mha(x, Wqkv, bqkv, Wo, bo):
    Bx, Lx, D = x.shape
    dh = D // N_HEADS
    qkv = x @ Wqkv.T + bqkv
    q, k, v = jnp.split(qkv, 3, axis=-1)
    def rs(t):
        return t.reshape(Bx, Lx, N_HEADS, dh).transpose(0, 2, 1, 3)
    q, k, v = rs(q), rs(k), rs(v)
    scores = (q @ k.transpose(0, 1, 3, 2)) / jnp.sqrt(jnp.float32(dh))
    attn = jax.nn.softmax(scores, axis=-1)
    out = (attn @ v).transpose(0, 2, 1, 3).reshape(Bx, Lx, D)
    return out @ Wo.T + bo


def _forward(user_table, item_table, params, user_ids, item_ids):
    ue = jnp.take(user_table, user_ids, axis=0)
    ie = jnp.take(item_table, item_ids, axis=0)
    x = ue + ie
    x = x @ params['in_proj_W'].T + params['in_proj_b']
    for lp in params['layers']:
        x = _layernorm(x + _mha(x, lp['Wqkv'], lp['bqkv'], lp['Wo'], lp['bo']), lp['ln1_g'], lp['ln1_b'])
        ff = jax.nn.relu(x @ lp['W1'].T + lp['b1']) @ lp['W2'].T + lp['b2']
        x = _layernorm(x + ff, lp['ln2_g'], lp['ln2_b'])
    x = x @ params['out_proj_W'].T + params['out_proj_b']
    pooled = x.mean(axis=1)
    h = jax.nn.relu(pooled @ params['head_W1'].T + params['head_b1'])
    return h @ params['head_W2'].T + params['head_b2']


def reference(user_ids, item_ids, user_table, item_table, params):
    return _forward(user_table, item_table, params, user_ids, item_ids)

if __name__ == "__main__":
    import jax
    _d = setup_inputs()
    print(jax.jit(kernel)(*tuple(_d.values())))

</pallas_src>

<mosaic_0001>
#map = affine_map<(d0, d1) -> (0, 0, 0)>
#map1 = affine_map<(d0, d1) -> (0, 0)>
module attributes {stable_mosaic.version = 14 : i64} {
  func.func @_emb_kernel_body(%arg0: i32, %arg1: i32, %arg2: memref<32x10x80xi32, #tpu.memory_space<hbm>>, %arg3: memref<32x10x80xi32, #tpu.memory_space<hbm>>, %arg4: memref<100000x128xf32, #tpu.memory_space<hbm>>, %arg5: memref<100000x128xf32, #tpu.memory_space<hbm>>, %arg6: memref<25600x128xf32, #tpu.memory_space<hbm>>, %arg7: memref<10x80xi32, #tpu.memory_space<vmem>>, %arg8: memref<10x80xi32, #tpu.memory_space<vmem>>, %arg9: memref<80x128xf32, #tpu.memory_space<vmem>>, %arg10: memref<80x128xf32, #tpu.memory_space<vmem>>, %arg11: memref<!tpu.dma_semaphore, #tpu.memory_space<semaphore_mem>>, %arg12: memref<!tpu.dma_semaphore, #tpu.memory_space<semaphore_mem>>) attributes {dimension_semantics = [#tpu.dimension_semantics<core_parallel>, #tpu.dimension_semantics<subcore_parallel>], iteration_bounds = array<i64: 2, 16>, scalar_prefetch = 0 : i64, scratch_operands = 6 : i64, tpu.core_type = #tpu.core_type<sc_vector_subcore>, window_params = [{transform_indices = #map}, {transform_indices = #map}, {transform_indices = #map1}, {transform_indices = #map1}, {transform_indices = #map1}]} {
    %mul3A = arith.constant 2 : i32
    %mul3A_0 = arith.muli %arg1, %mul3A : i32
    %add3A = arith.addi %mul3A_0, %arg0 : i32
    %mul3A_1 = arith.constant 10 : i32
    %mul3A_2 = arith.muli %add3A, %mul3A_1 : i32
    "tpu.region"() ({
      %run_scoped3A = tpu.sem_alloc : memref<!tpu.dma_semaphore, #tpu.memory_space<semaphore_mem>>
      %dma_start3A_410 = arith.constant 0 : i32
      %dma_start3A_411 = arith.constant 0 : i32
      %dma_start3A_412 = tpu.memref_slice %arg2[%add3A, %dma_start3A_410, %dma_start3A_411] : memref<32x10x80xi32, #tpu.memory_space<hbm>> -> memref<1x10x80xi32, #tpu.memory_space<hbm>>
      %dma_start3A_413 = tpu.memref_squeeze %dma_start3A_412 : memref<1x10x80xi32, #tpu.memory_space<hbm>> -> memref<10x80xi32, #tpu.memory_space<hbm>>
      %dma_start3A_414 = arith.constant 0 : i32
      %dma_start3A_415 = arith.constant 0 : i32
      %dma_start3A_416 = tpu.memref_slice %arg2[%add3A, %dma_start3A_414, %dma_start3A_415] : memref<32x10x80xi32, #tpu.memory_space<hbm>> -> memref<1x10x80xi32, #tpu.memory_space<hbm>>
      %dma_start3A_417 = tpu.memref_squeeze %dma_start3A_416 : memref<1x10x80xi32, #tpu.memory_space<hbm>> -> memref<10x80xi32, #tpu.memory_space<hbm>>
      tpu.enqueue_dma source(%dma_start3A_417 : memref<10x80xi32, #tpu.memory_space<hbm>>) target(%arg7 : memref<10x80xi32, #tpu.memory_space<vmem>>) target_semaphore(%run_scoped3A : memref<!tpu.dma_semaphore, #tpu.memory_space<semaphore_mem>>)
      %dma_wait3A_418 = arith.constant 0 : i32
      %dma_wait3A_419 = arith.constant 0 : i32
      %dma_wait3A_420 = tpu.memref_slice %arg2[%add3A, %dma_wait3A_418, %dma_wait3A_419] : memref<32x10x80xi32, #tpu.memory_space<hbm>> -> memref<1x10x80xi32, #tpu.memory_space<hbm>>
      %dma_wait3A_421 = tpu.memref_squeeze %dma_wait3A_420 : memref<1x10x80xi32, #tpu.memory_space<hbm>> -> memref<10x80xi32, #tpu.memory_space<hbm>>
      %dma_wait3A_422 = arith.constant 0 : i32
      %dma_wait3A_423 = arith.constant 0 : i32
      %dma_wait3A_424 = tpu.memref_slice %arg2[%add3A, %dma_wait3A_422, %dma_wait3A_423] : memref<32x10x80xi32, #tpu.memory_space<hbm>> -> memref<1x10x80xi32, #tpu.memory_space<hbm>>
      %dma_wait3A_425 = tpu.memref_squeeze %dma_wait3A_424 : memref<1x10x80xi32, #tpu.memory_space<hbm>> -> memref<10x80xi32, #tpu.memory_space<hbm>>
      tpu.wait_dma2 semaphore(%run_scoped3A : memref<!tpu.dma_semaphore, #tpu.memory_space<semaphore_mem>>) src(%dma_wait3A_425 : memref<10x80xi32, #tpu.memory_space<hbm>>) dst(%arg7 : memref<10x80xi32, #tpu.memory_space<vmem>>)
      tpu.yield
    }) : () -> ()
    "tpu.region"() ({
      %run_scoped3A = tpu.sem_alloc : memref<!tpu.dma_semaphore, #tpu.memory_space<semaphore_mem>>
      %dma_start3A_410 = arith.constant 0 : i32
      %dma_start3A_411 = arith.constant 0 : i32
      %dma_start3A_412 = tpu.memref_slice %arg3[%add3A, %dma_start3A_410, %dma_start3A_411] : memref<32x10x80xi32, #tpu.memory_space<hbm>> -> memref<1x10x80xi32, #tpu.memory_space<hbm>>
      %dma_start3A_413 = tpu.memref_squeeze %dma_start3A_412 : memref<1x10x80xi32, #tpu.memory_space<hbm>> -> memref<10x80xi32, #tpu.memory_space<hbm>>
      %dma_start3A_414 = arith.constant 0 : i32
      %dma_start3A_415 = arith.constant 0 : i32
      %dma_start3A_416 = tpu.memref_slice %arg3[%add3A, %dma_start3A_414, %dma_start3A_415] : memref<32x10x80xi32, #tpu.memory_space<hbm>> -> memref<1x10x80xi32, #tpu.memory_space<hbm>>
      %dma_start3A_417 = tpu.memref_squeeze %dma_start3A_416 : memref<1x10x80xi32, #tpu.memory_space<hbm>> -> memref<10x80xi32, #tpu.memory_space<hbm>>
      tpu.enqueue_dma source(%dma_start3A_417 : memref<10x80xi32, #tpu.memory_space<hbm>>) target(%arg8 : memref<10x80xi32, #tpu.memory_space<vmem>>) target_semaphore(%run_scoped3A : memref<!tpu.dma_semaphore, #tpu.memory_space<semaphore_mem>>)
      %dma_wait3A_418 = arith.constant 0 : i32
      %dma_wait3A_419 = arith.constant 0 : i32
      %dma_wait3A_420 = tpu.memref_slice %arg3[%add3A, %dma_wait3A_418, %dma_wait3A_419] : memref<32x10x80xi32, #tpu.memory_space<hbm>> -> memref<1x10x80xi32, #tpu.memory_space<hbm>>
      %dma_wait3A_421 = tpu.memref_squeeze %dma_wait3A_420 : memref<1x10x80xi32, #tpu.memory_space<hbm>> -> memref<10x80xi32, #tpu.memory_space<hbm>>
      %dma_wait3A_422 = arith.constant 0 : i32
      %dma_wait3A_423 = arith.constant 0 : i32
      %dma_wait3A_424 = tpu.memref_slice %arg3[%add3A, %dma_wait3A_422, %dma_wait3A_423] : memref<32x10x80xi32, #tpu.memory_space<hbm>> -> memref<1x10x80xi32, #tpu.memory_space<hbm>>
      %dma_wait3A_425 = tpu.memref_squeeze %dma_wait3A_424 : memref<1x10x80xi32, #tpu.memory_space<hbm>> -> memref<10x80xi32, #tpu.memory_space<hbm>>
      tpu.wait_dma2 semaphore(%run_scoped3A : memref<!tpu.dma_semaphore, #tpu.memory_space<semaphore_mem>>) src(%dma_wait3A_425 : memref<10x80xi32, #tpu.memory_space<hbm>>) dst(%arg8 : memref<10x80xi32, #tpu.memory_space<vmem>>)
      tpu.yield
    }) : () -> ()
    %dma_start3A = arith.constant 0 : i32
    %dma_start3A_3 = arith.constant 0 : i32
    %dma_start3A_4 = tpu.memref_slice %arg7[%dma_start3A, %dma_start3A_3] : memref<10x80xi32, #tpu.memory_space<vmem>> -> memref<1x80xi32, #tpu.memory_space<vmem>>
    %dma_start3A_5 = tpu.memref_squeeze %dma_start3A_4 : memref<1x80xi32, #tpu.memory_space<vmem>> -> memref<80xi32, #tpu.memory_space<vmem>>
    %dma_start3A_6 = arith.constant 0 : i32
    %dma_start3A_7 = arith.constant 0 : i32
    %dma_start3A_8 = tpu.memref_slice %arg4[%dma_start3A_6, %dma_start3A_7] : memref<100000x128xf32, #tpu.memory_space<hbm>> -> memref<100000x128xf32, #tpu.memory_space<hbm>>
    tpu.enqueue_indirect_dma source(%dma_start3A_8 : memref<100000x128xf32, #tpu.memory_space<hbm>>) target(%arg9 : memref<80x128xf32, #tpu.memory_space<vmem>>) offsets(%dma_start3A_5 : memref<80xi32, #tpu.memory_space<vmem>>) semaphore(%arg11 : memref<!tpu.dma_semaphore, #tpu.memory_space<semaphore_mem>>)
    %dma_wait3A = arith.constant 0 : i32
    %dma_wait3A_9 = arith.constant 0 : i32
    %dma_wait3A_10 = tpu.memref_slice %arg7[%dma_wait3A, %dma_wait3A_9] : memref<10x80xi32, #tpu.memory_space<vmem>> -> memref<1x80xi32, #tpu.memory_space<vmem>>
    %dma_wait3A_11 = tpu.memref_squeeze %dma_wait3A_10 : memref<1x80xi32, #tpu.memory_space<vmem>> -> memref<80xi32, #tpu.memory_space<vmem>>
    %dma_wait3A_12 = arith.constant 0 : i32
    %dma_wait3A_13 = arith.constant 0 : i32
    %dma_wait3A_14 = tpu.memref_slice %arg4[%dma_wait3A_12, %dma_wait3A_13] : memref<100000x128xf32, #tpu.memory_space<hbm>> -> memref<100000x128xf32, #tpu.memory_space<hbm>>
    tpu.wait_indirect_dma semaphore(%arg11 : memref<!tpu.dma_semaphore, #tpu.memory_space<semaphore_mem>>) src(%dma_wait3A_14 : memref<100000x128xf32, #tpu.memory_space<hbm>>) dst(%arg9 : memref<80x128xf32, #tpu.memory_space<vmem>>)
    %dma_start3A_15 = arith.constant 0 : i32
    %dma_start3A_16 = arith.constant 0 : i32
    %dma_start3A_17 = tpu.memref_slice %arg8[%dma_start3A_15, %dma_start3A_16] : memref<10x80xi32, #tpu.memory_space<vmem>> -> memref<1x80xi32, #tpu.memory_space<vmem>>
    %dma_start3A_18 = tpu.memref_squeeze %dma_start3A_17 : memref<1x80xi32, #tpu.memory_space<vmem>> -> memref<80xi32, #tpu.memory_space<vmem>>
    %dma_start3A_19 = arith.constant 0 : i32
    %dma_start3A_20 = arith.constant 0 : i32
    %dma_start3A_21 = tpu.memref_slice %arg5[%dma_start3A_19, %dma_start3A_20] : memref<100000x128xf32, #tpu.memory_space<hbm>> -> memref<100000x128xf32, #tpu.memory_space<hbm>>
    tpu.enqueue_indirect_dma source(%dma_start3A_21 : memref<100000x128xf32, #tpu.memory_space<hbm>>) target(%arg9 : memref<80x128xf32, #tpu.memory_space<vmem>>) offsets(%dma_start3A_18 : memref<80xi32, #tpu.memory_space<vmem>>) semaphore(%arg11 : memref<!tpu.dma_semaphore, #tpu.memory_space<semaphore_mem>>) {add = true}
    %dma_wait3A_22 = arith.constant 0 : i32
    %dma_wait3A_23 = arith.constant 0 : i32
    %dma_wait3A_24 = tpu.memref_slice %arg8[%dma_wait3A_22, %dma_wait3A_23] : memref<10x80xi32, #tpu.memory_space<vmem>> -> memref<1x80xi32, #tpu.memory_space<vmem>>
    %dma_wait3A_25 = tpu.memref_squeeze %dma_wait3A_24 : memref<1x80xi32, #tpu.memory_space<vmem>> -> memref<80xi32, #tpu.memory_space<vmem>>
    %dma_wait3A_26 = arith.constant 0 : i32
    %dma_wait3A_27 = arith.constant 0 : i32
    %dma_wait3A_28 = tpu.memref_slice %arg5[%dma_wait3A_26, %dma_wait3A_27] : memref<100000x128xf32, #tpu.memory_space<hbm>> -> memref<100000x128xf32, #tpu.memory_space<hbm>>
    tpu.wait_indirect_dma semaphore(%arg11 : memref<!tpu.dma_semaphore, #tpu.memory_space<semaphore_mem>>) src(%dma_wait3A_28 : memref<100000x128xf32, #tpu.memory_space<hbm>>) dst(%arg9 : memref<80x128xf32, #tpu.memory_space<vmem>>)
    %add3A_29 = arith.constant 0 : i32
    %add3A_30 = arith.addi %mul3A_2, %add3A_29 : i32
    %mul3A_31 = arith.constant 80 : i32
    %mul3A_32 = arith.muli %add3A_30, %mul3A_31 : i32
    %multiple_of3A = tpu.assume_multiple %mul3A_32, 80 : i32
    %dma_start3A_33 = arith.constant 0 : i32
    %dma_start3A_34 = tpu.memref_slice %arg6[%multiple_of3A, %dma_start3A_33] : memref<25600x128xf32, #tpu.memory_space<hbm>> -> memref<80x128xf32, #tpu.memory_space<hbm>>
    %dma_start3A_35 = arith.constant 0 : i32
    %dma_start3A_36 = tpu.memref_slice %arg6[%multiple_of3A, %dma_start3A_35] : memref<25600x128xf32, #tpu.memory_space<hbm>> -> memref<80x128xf32, #tpu.memory_space<hbm>>
    tpu.enqueue_dma source(%arg9 : memref<80x128xf32, #tpu.memory_space<vmem>>) target(%dma_start3A_36 : memref<80x128xf32, #tpu.memory_space<hbm>>) target_semaphore(%arg11 : memref<!tpu.dma_semaphore, #tpu.memory_space<semaphore_mem>>)
    %dma_start3A_37 = arith.constant 1 : i32
    %dma_start3A_38 = arith.constant 0 : i32
    %dma_start3A_39 = tpu.memref_slice %arg7[%dma_start3A_37, %dma_start3A_38] : memref<10x80xi32, #tpu.memory_space<vmem>> -> memref<1x80xi32, #tpu.memory_space<vmem>>
    %dma_start3A_40 = tpu.memref_squeeze %dma_start3A_39 : memref<1x80xi32, #tpu.memory_space<vmem>> -> memref<80xi32, #tpu.memory_space<vmem>>
    %dma_start3A_41 = arith.constant 0 : i32
    %dma_start3A_42 = arith.constant 0 : i32
    %dma_start3A_43 = tpu.memref_slice %arg4[%dma_start3A_41, %dma_start3A_42] : memref<100000x128xf32, #tpu.memory_space<hbm>> -> memref<100000x128xf32, #tpu.memory_space<hbm>>
    tpu.enqueue_indirect_dma source(%dma_start3A_43 : memref<100000x128xf32, #tpu.memory_space<hbm>>) target(%arg10 : memref<80x128xf32, #tpu.memory_space<vmem>>) offsets(%dma_start3A_40 : memref<80xi32, #tpu.memory_space<vmem>>) semaphore(%arg12 : memref<!tpu.dma_semaphore, #tpu.memory_space<semaphore_mem>>)
    %dma_wait3A_44 = arith.constant 1 : i32
    %dma_wait3A_45 = arith.constant 0 : i32
    %dma_wait3A_46 = tpu.memref_slice %arg7[%dma_wait3A_44, %dma_wait3A_45] : memref<10x80xi32, #tpu.memory_space<vmem>> -> memref<1x80xi32, #tpu.memory_space<vmem>>
    %dma_wait3A_47 = tpu.memref_squeeze %dma_wait3A_46 : memref<1x80xi32, #tpu.memory_space<vmem>> -> memref<80xi32, #tpu.memory_space<vmem>>
    %dma_wait3A_48 = arith.constant 0 : i32
    %dma_wait3A_49 = arith.constant 0 : i32
    %dma_wait3A_50 = tpu.memref_slice %arg4[%dma_wait3A_48, %dma_wait3A_49] : memref<100000x128xf32, #tpu.memory_space<hbm>> -> memref<100000x128xf32, #tpu.memory_space<hbm>>
    tpu.wait_indirect_dma semaphore(%arg12 : memref<!tpu.dma_semaphore, #tpu.memory_space<semaphore_mem>>) src(%dma_wait3A_50 : memref<100000x128xf32, #tpu.memory_space<hbm>>) dst(%arg10 : memref<80x128xf32, #tpu.memory_space<vmem>>)
    %dma_start3A_51 = arith.constant 1 : i32
    %dma_start3A_52 = arith.constant 0 : i32
    %dma_start3A_53 = tpu.memref_slice %arg8[%dma_start3A_51, %dma_start3A_52] : memref<10x80xi32, #tpu.memory_space<vmem>> -> memref<1x80xi32, #tpu.memory_space<vmem>>
    %dma_start3A_54 = tpu.memref_squeeze %dma_start3A_53 : memref<1x80xi32, #tpu.memory_space<vmem>> -> memref<80xi32, #tpu.memory_space<vmem>>
    %dma_start3A_55 = arith.constant 0 : i32
    %dma_start3A_56 = arith.constant 0 : i32
    %dma_start3A_57 = tpu.memref_slice %arg5[%dma_start3A_55, %dma_start3A_56] : memref<100000x128xf32, #tpu.memory_space<hbm>> -> memref<100000x128xf32, #tpu.memory_space<hbm>>
    tpu.enqueue_indirect_dma source(%dma_start3A_57 : memref<100000x128xf32, #tpu.memory_space<hbm>>) target(%arg10 : memref<80x128xf32, #tpu.memory_space<vmem>>) offsets(%dma_start3A_54 : memref<80xi32, #tpu.memory_space<vmem>>) semaphore(%arg12 : memref<!tpu.dma_semaphore, #tpu.memory_space<semaphore_mem>>) {add = true}
    %dma_wait3A_58 = arith.constant 1 : i32
    %dma_wait3A_59 = arith.constant 0 : i32
    %dma_wait3A_60 = tpu.memref_slice %arg8[%dma_wait3A_58, %dma_wait3A_59] : memref<10x80xi32, #tpu.memory_space<vmem>> -> memref<1x80xi32, #tpu.memory_space<vmem>>
    %dma_wait3A_61 = tpu.memref_squeeze %dma_wait3A_60 : memref<1x80xi32, #tpu.memory_space<vmem>> -> memref<80xi32, #tpu.memory_space<vmem>>
    %dma_wait3A_62 = arith.constant 0 : i32
    %dma_wait3A_63 = arith.constant 0 : i32
    %dma_wait3A_64 = tpu.memref_slice %arg5[%dma_wait3A_62, %dma_wait3A_63] : memref<100000x128xf32, #tpu.memory_space<hbm>> -> memref<100000x128xf32, #tpu.memory_space<hbm>>
    tpu.wait_indirect_dma semaphore(%arg12 : memref<!tpu.dma_semaphore, #tpu.memory_space<semaphore_mem>>) src(%dma_wait3A_64 : memref<100000x128xf32, #tpu.memory_space<hbm>>) dst(%arg10 : memref<80x128xf32, #tpu.memory_space<vmem>>)
    %add3A_65 = arith.constant 1 : i32
    %add3A_66 = arith.addi %mul3A_2, %add3A_65 : i32
    %mul3A_67 = arith.constant 80 : i32
    %mul3A_68 = arith.muli %add3A_66, %mul3A_67 : i32
    %multiple_of3A_69 = tpu.assume_multiple %mul3A_68, 80 : i32
    %dma_start3A_70 = arith.constant 0 : i32
    %dma_start3A_71 = tpu.memref_slice %arg6[%multiple_of3A_69, %dma_start3A_70] : memref<25600x128xf32, #tpu.memory_space<hbm>> -> memref<80x128xf32, #tpu.memory_space<hbm>>
    %dma_start3A_72 = arith.constant 0 : i32
    %dma_start3A_73 = tpu.memref_slice %arg6[%multiple_of3A_69, %dma_start3A_72] : memref<25600x128xf32, #tpu.memory_space<hbm>> -> memref<80x128xf32, #tpu.memory_space<hbm>>
    tpu.enqueue_dma source(%arg10 : memref<80x128xf32, #tpu.memory_space<vmem>>) target(%dma_start3A_73 : memref<80x128xf32, #tpu.memory_space<hbm>>) target_semaphore(%arg12 : memref<!tpu.dma_semaphore, #tpu.memory_space<semaphore_mem>>)
    %dma_wait3A_74 = arith.constant 0 : i32
    %dma_wait3A_75 = tpu.memref_slice %arg6[%multiple_of3A, %dma_wait3A_74] : memref<25600x128xf32, #tpu.memory_space<hbm>> -> memref<80x128xf32, #tpu.memory_space<hbm>>
    %dma_wait3A_76 = arith.constant 0 : i32
    %dma_wait3A_77 = tpu.memref_slice %arg6[%multiple_of3A, %dma_wait3A_76] : memref<25600x128xf32, #tpu.memory_space<hbm>> -> memref<80x128xf32, #tpu.memory_space<hbm>>
    tpu.wait_dma2 semaphore(%arg11 : memref<!tpu.dma_semaphore, #tpu.memory_space<semaphore_mem>>) src(%arg9 : memref<80x128xf32, #tpu.memory_space<vmem>>) dst(%dma_wait3A_77 : memref<80x128xf32, #tpu.memory_space<hbm>>)
    %dma_start3A_78 = arith.constant 2 : i32
    %dma_start3A_79 = arith.constant 0 : i32
    %dma_start3A_80 = tpu.memref_slice %arg7[%dma_start3A_78, %dma_start3A_79] : memref<10x80xi32, #tpu.memory_space<vmem>> -> memref<1x80xi32, #tpu.memory_space<vmem>>
    %dma_start3A_81 = tpu.memref_squeeze %dma_start3A_80 : memref<1x80xi32, #tpu.memory_space<vmem>> -> memref<80xi32, #tpu.memory_space<vmem>>
    %dma_start3A_82 = arith.constant 0 : i32
    %dma_start3A_83 = arith.constant 0 : i32
    %dma_start3A_84 = tpu.memref_slice %arg4[%dma_start3A_82, %dma_start3A_83] : memref<100000x128xf32, #tpu.memory_space<hbm>> -> memref<100000x128xf32, #tpu.memory_space<hbm>>
    tpu.enqueue_indirect_dma source(%dma_start3A_84 : memref<100000x128xf32, #tpu.memory_space<hbm>>) target(%arg9 : memref<80x128xf32, #tpu.memory_space<vmem>>) offsets(%dma_start3A_81 : memref<80xi32, #tpu.memory_space<vmem>>) semaphore(%arg11 : memref<!tpu.dma_semaphore, #tpu.memory_space<semaphore_mem>>)
    %dma_wait3A_85 = arith.constant 2 : i32
    %dma_wait3A_86 = arith.constant 0 : i32
    %dma_wait3A_87 = tpu.memref_slice %arg7[%dma_wait3A_85, %dma_wait3A_86] : memref<10x80xi32, #tpu.memory_space<vmem>> -> memref<1x80xi32, #tpu.memory_space<vmem>>
    %dma_wait3A_88 = tpu.memref_squeeze %dma_wait3A_87 : memref<1x80xi32, #tpu.memory_space<vmem>> -> memref<80xi32, #tpu.memory_space<vmem>>
    %dma_wait3A_89 = arith.constant 0 : i32
    %dma_wait3A_90 = arith.constant 0 : i32
    %dma_wait3A_91 = tpu.memref_slice %arg4[%dma_wait3A_89, %dma_wait3A_90] : memref<100000x128xf32, #tpu.memory_space<hbm>> -> memref<100000x128xf32, #tpu.memory_space<hbm>>
    tpu.wait_indirect_dma semaphore(%arg11 : memref<!tpu.dma_semaphore, #tpu.memory_space<semaphore_mem>>) src(%dma_wait3A_91 : memref<100000x128xf32, #tpu.memory_space<hbm>>) dst(%arg9 : memref<80x128xf32, #tpu.memory_space<vmem>>)
    %dma_start3A_92 = arith.constant 2 : i32
    %dma_start3A_93 = arith.constant 0 : i32
    %dma_start3A_94 = tpu.memref_slice %arg8[%dma_start3A_92, %dma_start3A_93] : memref<10x80xi32, #tpu.memory_space<vmem>> -> memref<1x80xi32, #tpu.memory_space<vmem>>
    %dma_start3A_95 = tpu.memref_squeeze %dma_start3A_94 : memref<1x80xi32, #tpu.memory_space<vmem>> -> memref<80xi32, #tpu.memory_space<vmem>>
    %dma_start3A_96 = arith.constant 0 : i32
    %dma_start3A_97 = arith.constant 0 : i32
    %dma_start3A_98 = tpu.memref_slice %arg5[%dma_start3A_96, %dma_start3A_97] : memref<100000x128xf32, #tpu.memory_space<hbm>> -> memref<100000x128xf32, #tpu.memory_space<hbm>>
    tpu.enqueue_indirect_dma source(%dma_start3A_98 : memref<100000x128xf32, #tpu.memory_space<hbm>>) target(%arg9 : memref<80x128xf32, #tpu.memory_space<vmem>>) offsets(%dma_start3A_95 : memref<80xi32, #tpu.memory_space<vmem>>) semaphore(%arg11 : memref<!tpu.dma_semaphore, #tpu.memory_space<semaphore_mem>>) {add = true}
    %dma_wait3A_99 = arith.constant 2 : i32
    %dma_wait3A_100 = arith.constant 0 : i32
    %dma_wait3A_101 = tpu.memref_slice %arg8[%dma_wait3A_99, %dma_wait3A_100] : memref<10x80xi32, #tpu.memory_space<vmem>> -> memref<1x80xi32, #tpu.memory_space<vmem>>
    %dma_wait3A_102 = tpu.memref_squeeze %dma_wait3A_101 : memref<1x80xi32, #tpu.memory_space<vmem>> -> memref<80xi32, #tpu.memory_space<vmem>>
    %dma_wait3A_103 = arith.constant 0 : i32
    %dma_wait3A_104 = arith.constant 0 : i32
    %dma_wait3A_105 = tpu.memref_slice %arg5[%dma_wait3A_103, %dma_wait3A_104] : memref<100000x128xf32, #tpu.memory_space<hbm>> -> memref<100000x128xf32, #tpu.memory_space<hbm>>
    tpu.wait_indirect_dma semaphore(%arg11 : memref<!tpu.dma_semaphore, #tpu.memory_space<semaphore_mem>>) src(%dma_wait3A_105 : memref<100000x128xf32, #tpu.memory_space<hbm>>) dst(%arg9 : memref<80x128xf32, #tpu.memory_space<vmem>>)
    %add3A_106 = arith.constant 2 : i32
    %add3A_107 = arith.addi %mul3A_2, %add3A_106 : i32
    %mul3A_108 = arith.constant 80 : i32
    %mul3A_109 = arith.muli %add3A_107, %mul3A_108 : i32
    %multiple_of3A_110 = tpu.assume_multiple %mul3A_109, 80 : i32
    %dma_start3A_111 = arith.constant 0 : i32
    %dma_start3A_112 = tpu.memref_slice %arg6[%multiple_of3A_110, %dma_start3A_111] : memref<25600x128xf32, #tpu.memory_space<hbm>> -> memref<80x128xf32, #tpu.memory_space<hbm>>
    %dma_start3A_113 = arith.constant 0 : i32
    %dma_start3A_114 = tpu.memref_slice %arg6[%multiple_of3A_110, %dma_start3A_113] : memref<25600x128xf32, #tpu.memory_space<hbm>> -> memref<80x128xf32, #tpu.memory_space<hbm>>
    tpu.enqueue_dma source(%arg9 : memref<80x128xf32, #tpu.memory_space<vmem>>) target(%dma_start3A_114 : memref<80x128xf32, #tpu.memory_space<hbm>>) target_semaphore(%arg11 : memref<!tpu.dma_semaphore, #tpu.memory_space<semaphore_mem>>)
    %dma_wait3A_115 = arith.constant 0 : i32
    %dma_wait3A_116 = tpu.memref_slice %arg6[%multiple_of3A_69, %dma_wait3A_115] : memref<25600x128xf32, #tpu.memory_space<hbm>> -> memref<80x128xf32, #tpu.memory_space<hbm>>
    %dma_wait3A_117 = arith.constant 0 : i32
    %dma_wait3A_118 = tpu.memref_slice %arg6[%multiple_of3A_69, %dma_wait3A_117] : memref<25600x128xf32, #tpu.memory_space<hbm>> -> memref<80x128xf32, #tpu.memory_space<hbm>>
    tpu.wait_dma2 semaphore(%arg12 : memref<!tpu.dma_semaphore, #tpu.memory_space<semaphore_mem>>) src(%arg10 : memref<80x128xf32, #tpu.memory_space<vmem>>) dst(%dma_wait3A_118 : memref<80x128xf32, #tpu.memory_space<hbm>>)
    %dma_start3A_119 = arith.constant 3 : i32
    %dma_start3A_120 = arith.constant 0 : i32
    %dma_start3A_121 = tpu.memref_slice %arg7[%dma_start3A_119, %dma_start3A_120] : memref<10x80xi32, #tpu.memory_space<vmem>> -> memref<1x80xi32, #tpu.memory_space<vmem>>
    %dma_start3A_122 = tpu.memref_squeeze %dma_start3A_121 : memref<1x80xi32, #tpu.memory_space<vmem>> -> memref<80xi32, #tpu.memory_space<vmem>>
    %dma_start3A_123 = arith.constant 0 : i32
    %dma_start3A_124 = arith.constant 0 : i32
    %dma_start3A_125 = tpu.memref_slice %arg4[%dma_start3A_123, %dma_start3A_124] : memref<100000x128xf32, #tpu.memory_space<hbm>> -> memref<100000x128xf32, #tpu.memory_space<hbm>>
    tpu.enqueue_indirect_dma source(%dma_start3A_125 : memref<100000x128xf32, #tpu.memory_space<hbm>>) target(%arg10 : memref<80x128xf32, #tpu.memory_space<vmem>>) offsets(%dma_start3A_122 : memref<80xi32, #tpu.memory_space<vmem>>) semaphore(%arg12 : memref<!tpu.dma_semaphore, #tpu.memory_space<semaphore_mem>>)
    %dma_wait3A_126 = arith.constant 3 : i32
    %dma_wait3A_127 = arith.constant 0 : i32
    %dma_wait3A_128 = tpu.memref_slice %arg7[%dma_wait3A_126, %dma_wait3A_127] : memref<10x80xi32, #tpu.memory_space<vmem>> -> memref<1x80xi32, #tpu.memory_space<vmem>>
    %dma_wait3A_129 = tpu.memref_squeeze %dma_wait3A_128 : memref<1x80xi32, #tpu.memory_space<vmem>> -> memref<80xi32, #tpu.memory_space<vmem>>
    %dma_wait3A_130 = arith.constant 0 : i32
    %dma_wait3A_131 = arith.constant 0 : i32
    %dma_wait3A_132 = tpu.memref_slice %arg4[%dma_wait3A_130, %dma_wait3A_131] : memref<100000x128xf32, #tpu.memory_space<hbm>> -> memref<100000x128xf32, #tpu.memory_space<hbm>>
    tpu.wait_indirect_dma semaphore(%arg12 : memref<!tpu.dma_semaphore, #tpu.memory_space<semaphore_mem>>) src(%dma_wait3A_132 : memref<100000x128xf32, #tpu.memory_space<hbm>>) dst(%arg10 : memref<80x128xf32, #tpu.memory_space<vmem>>)
    %dma_start3A_133 = arith.constant 3 : i32
    %dma_start3A_134 = arith.constant 0 : i32
    %dma_start3A_135 = tpu.memref_slice %arg8[%dma_start3A_133, %dma_start3A_134] : memref<10x80xi32, #tpu.memory_space<vmem>> -> memref<1x80xi32, #tpu.memory_space<vmem>>
    %dma_start3A_136 = tpu.memref_squeeze %dma_start3A_135 : memref<1x80xi32, #tpu.memory_space<vmem>> -> memref<80xi32, #tpu.memory_space<vmem>>
    %dma_start3A_137 = arith.constant 0 : i32
    %dma_start3A_138 = arith.constant 0 : i32
    %dma_start3A_139 = tpu.memref_slice %arg5[%dma_start3A_137, %dma_start3A_138] : memref<100000x128xf32, #tpu.memory_space<hbm>> -> memref<100000x128xf32, #tpu.memory_space<hbm>>
    tpu.enqueue_indirect_dma source(%dma_start3A_139 : memref<100000x128xf32, #tpu.memory_space<hbm>>) target(%arg10 : memref<80x128xf32, #tpu.memory_space<vmem>>) offsets(%dma_start3A_136 : memref<80xi32, #tpu.memory_space<vmem>>) semaphore(%arg12 : memref<!tpu.dma_semaphore, #tpu.memory_space<semaphore_mem>>) {add = true}
    %dma_wait3A_140 = arith.constant 3 : i32
    %dma_wait3A_141 = arith.constant 0 : i32
    %dma_wait3A_142 = tpu.memref_slice %arg8[%dma_wait3A_140, %dma_wait3A_141] : memref<10x80xi32, #tpu.memory_space<vmem>> -> memref<1x80xi32, #tpu.memory_space<vmem>>
    %dma_wait3A_143 = tpu.memref_squeeze %dma_wait3A_142 : memref<1x80xi32, #tpu.memory_space<vmem>> -> memref<80xi32, #tpu.memory_space<vmem>>
    %dma_wait3A_144 = arith.constant 0 : i32
    %dma_wait3A_145 = arith.constant 0 : i32
    %dma_wait3A_146 = tpu.memref_slice %arg5[%dma_wait3A_144, %dma_wait3A_145] : memref<100000x128xf32, #tpu.memory_space<hbm>> -> memref<100000x128xf32, #tpu.memory_space<hbm>>
    tpu.wait_indirect_dma semaphore(%arg12 : memref<!tpu.dma_semaphore, #tpu.memory_space<semaphore_mem>>) src(%dma_wait3A_146 : memref<100000x128xf32, #tpu.memory_space<hbm>>) dst(%arg10 : memref<80x128xf32, #tpu.memory_space<vmem>>)
    %add3A_147 = arith.constant 3 : i32
    %add3A_148 = arith.addi %mul3A_2, %add3A_147 : i32
    %mul3A_149 = arith.constant 80 : i32
    %mul3A_150 = arith.muli %add3A_148, %mul3A_149 : i32
    %multiple_of3A_151 = tpu.assume_multiple %mul3A_150, 80 : i32
    %dma_start3A_152 = arith.constant 0 : i32
    %dma_start3A_153 = tpu.memref_slice %arg6[%multiple_of3A_151, %dma_start3A_152] : memref<25600x128xf32, #tpu.memory_space<hbm>> -> memref<80x128xf32, #tpu.memory_space<hbm>>
    %dma_start3A_154 = arith.constant 0 : i32
    %dma_start3A_155 = tpu.memref_slice %arg6[%multiple_of3A_151, %dma_start3A_154] : memref<25600x128xf32, #tpu.memory_space<hbm>> -> memref<80x128xf32, #tpu.memory_space<hbm>>
    tpu.enqueue_dma source(%arg10 : memref<80x128xf32, #tpu.memory_space<vmem>>) target(%dma_start3A_155 : memref<80x128xf32, #tpu.memory_space<hbm>>) target_semaphore(%arg12 : memref<!tpu.dma_semaphore, #tpu.memory_space<semaphore_mem>>)
    %dma_wait3A_156 = arith.constant 0 : i32
    %dma_wait3A_157 = tpu.memref_slice %arg6[%multiple_of3A_110, %dma_wait3A_156] : memref<25600x128xf32, #tpu.memory_space<hbm>> -> memref<80x128xf32, #tpu.memory_space<hbm>>
    %dma_wait3A_158 = arith.constant 0 : i32
    %dma_wait3A_159 = tpu.memref_slice %arg6[%multiple_of3A_110, %dma_wait3A_158] : memref<25600x128xf32, #tpu.memory_space<hbm>> -> memref<80x128xf32, #tpu.memory_space<hbm>>
    tpu.wait_dma2 semaphore(%arg11 : memref<!tpu.dma_semaphore, #tpu.memory_space<semaphore_mem>>) src(%arg9 : memref<80x128xf32, #tpu.memory_space<vmem>>) dst(%dma_wait3A_159 : memref<80x128xf32, #tpu.memory_space<hbm>>)
    %dma_start3A_160 = arith.constant 4 : i32
    %dma_start3A_161 = arith.constant 0 : i32
    %dma_start3A_162 = tpu.memref_slice %arg7[%dma_start3A_160, %dma_start3A_161] : memref<10x80xi32, #tpu.memory_space<vmem>> -> memref<1x80xi32, #tpu.memory_space<vmem>>
    %dma_start3A_163 = tpu.memref_squeeze %dma_start3A_162 : memref<1x80xi32, #tpu.memory_space<vmem>> -> memref<80xi32, #tpu.memory_space<vmem>>
    %dma_start3A_164 = arith.constant 0 : i32
    %dma_start3A_165 = arith.constant 0 : i32
    %dma_start3A_166 = tpu.memref_slice %arg4[%dma_start3A_164, %dma_start3A_165] : memref<100000x128xf32, #tpu.memory_space<hbm>> -> memref<100000x128xf32, #tpu.memory_space<hbm>>
    tpu.enqueue_indirect_dma source(%dma_start3A_166 : memref<100000x128xf32, #tpu.memory_space<hbm>>) target(%arg9 : memref<80x128xf32, #tpu.memory_space<vmem>>) offsets(%dma_start3A_163 : memref<80xi32, #tpu.memory_space<vmem>>) semaphore(%arg11 : memref<!tpu.dma_semaphore, #tpu.memory_space<semaphore_mem>>)
    %dma_wait3A_167 = arith.constant 4 : i32
    %dma_wait3A_168 = arith.constant 0 : i32
    %dma_wait3A_169 = tpu.memref_slice %arg7[%dma_wait3A_167, %dma_wait3A_168] : memref<10x80xi32, #tpu.memory_space<vmem>> -> memref<1x80xi32, #tpu.memory_space<vmem>>
    %dma_wait3A_170 = tpu.memref_squeeze %dma_wait3A_169 : memref<1x80xi32, #tpu.memory_space<vmem>> -> memref<80xi32, #tpu.memory_space<vmem>>
    %dma_wait3A_171 = arith.constant 0 : i32
    %dma_wait3A_172 = arith.constant 0 : i32
    %dma_wait3A_173 = tpu.memref_slice %arg4[%dma_wait3A_171, %dma_wait3A_172] : memref<100000x128xf32, #tpu.memory_space<hbm>> -> memref<100000x128xf32, #tpu.memory_space<hbm>>
    tpu.wait_indirect_dma semaphore(%arg11 : memref<!tpu.dma_semaphore, #tpu.memory_space<semaphore_mem>>) src(%dma_wait3A_173 : memref<100000x128xf32, #tpu.memory_space<hbm>>) dst(%arg9 : memref<80x128xf32, #tpu.memory_space<vmem>>)
    %dma_start3A_174 = arith.constant 4 : i32
    %dma_start3A_175 = arith.constant 0 : i32
    %dma_start3A_176 = tpu.memref_slice %arg8[%dma_start3A_174, %dma_start3A_175] : memref<10x80xi32, #tpu.memory_space<vmem>> -> memref<1x80xi32, #tpu.memory_space<vmem>>
    %dma_start3A_177 = tpu.memref_squeeze %dma_start3A_176 : memref<1x80xi32, #tpu.memory_space<vmem>> -> memref<80xi32, #tpu.memory_space<vmem>>
    %dma_start3A_178 = arith.constant 0 : i32
    %dma_start3A_179 = arith.constant 0 : i32
    %dma_start3A_180 = tpu.memref_slice %arg5[%dma_start3A_178, %dma_start3A_179] : memref<100000x128xf32, #tpu.memory_space<hbm>> -> memref<100000x128xf32, #tpu.memory_space<hbm>>
    tpu.enqueue_indirect_dma source(%dma_start3A_180 : memref<100000x128xf32, #tpu.memory_space<hbm>>) target(%arg9 : memref<80x128xf32, #tpu.memory_space<vmem>>) offsets(%dma_start3A_177 : memref<80xi32, #tpu.memory_space<vmem>>) semaphore(%arg11 : memref<!tpu.dma_semaphore, #tpu.memory_space<semaphore_mem>>) {add = true}
    %dma_wait3A_181 = arith.constant 4 : i32
    %dma_wait3A_182 = arith.constant 0 : i32
    %dma_wait3A_183 = tpu.memref_slice %arg8[%dma_wait3A_181, %dma_wait3A_182] : memref<10x80xi32, #tpu.memory_space<vmem>> -> memref<1x80xi32, #tpu.memory_space<vmem>>
    %dma_wait3A_184 = tpu.memref_squeeze %dma_wait3A_183 : memref<1x80xi32, #tpu.memory_space<vmem>> -> memref<80xi32, #tpu.memory_space<vmem>>
    %dma_wait3A_185 = arith.constant 0 : i32
    %dma_wait3A_186 = arith.constant 0 : i32
    %dma_wait3A_187 = tpu.memref_slice %arg5[%dma_wait3A_185, %dma_wait3A_186] : memref<100000x128xf32, #tpu.memory_space<hbm>> -> memref<100000x128xf32, #tpu.memory_space<hbm>>
    tpu.wait_indirect_dma semaphore(%arg11 : memref<!tpu.dma_semaphore, #tpu.memory_space<semaphore_mem>>) src(%dma_wait3A_187 : memref<100000x128xf32, #tpu.memory_space<hbm>>) dst(%arg9 : memref<80x128xf32, #tpu.memory_space<vmem>>)
    %add3A_188 = arith.constant 4 : i32
    %add3A_189 = arith.addi %mul3A_2, %add3A_188 : i32
    %mul3A_190 = arith.constant 80 : i32
    %mul3A_191 = arith.muli %add3A_189, %mul3A_190 : i32
    %multiple_of3A_192 = tpu.assume_multiple %mul3A_191, 80 : i32
    %dma_start3A_193 = arith.constant 0 : i32
    %dma_start3A_194 = tpu.memref_slice %arg6[%multiple_of3A_192, %dma_start3A_193] : memref<25600x128xf32, #tpu.memory_space<hbm>> -> memref<80x128xf32, #tpu.memory_space<hbm>>
    %dma_start3A_195 = arith.constant 0 : i32
    %dma_start3A_196 = tpu.memref_slice %arg6[%multiple_of3A_192, %dma_start3A_195] : memref<25600x128xf32, #tpu.memory_space<hbm>> -> memref<80x128xf32, #tpu.memory_space<hbm>>
    tpu.enqueue_dma source(%arg9 : memref<80x128xf32, #tpu.memory_space<vmem>>) target(%dma_start3A_196 : memref<80x128xf32, #tpu.memory_space<hbm>>) target_semaphore(%arg11 : memref<!tpu.dma_semaphore, #tpu.memory_space<semaphore_mem>>)
    %dma_wait3A_197 = arith.constant 0 : i32
    %dma_wait3A_198 = tpu.memref_slice %arg6[%multiple_of3A_151, %dma_wait3A_197] : memref<25600x128xf32, #tpu.memory_space<hbm>> -> memref<80x128xf32, #tpu.memory_space<hbm>>
    %dma_wait3A_199 = arith.constant 0 : i32
    %dma_wait3A_200 = tpu.memref_slice %arg6[%multiple_of3A_151, %dma_wait3A_199] : memref<25600x128xf32, #tpu.memory_space<hbm>> -> memref<80x128xf32, #tpu.memory_space<hbm>>
    tpu.wait_dma2 semaphore(%arg12 : memref<!tpu.dma_semaphore, #tpu.memory_space<semaphore_mem>>) src(%arg10 : memref<80x128xf32, #tpu.memory_space<vmem>>) dst(%dma_wait3A_200 : memref<80x128xf32, #tpu.memory_space<hbm>>)
    %dma_start3A_201 = arith.constant 5 : i32
    %dma_start3A_202 = arith.constant 0 : i32
    %dma_start3A_203 = tpu.memref_slice %arg7[%dma_start3A_201, %dma_start3A_202] : memref<10x80xi32, #tpu.memory_space<vmem>> -> memref<1x80xi32, #tpu.memory_space<vmem>>
    %dma_start3A_204 = tpu.memref_squeeze %dma_start3A_203 : memref<1x80xi32, #tpu.memory_space<vmem>> -> memref<80xi32, #tpu.memory_space<vmem>>
    %dma_start3A_205 = arith.constant 0 : i32
    %dma_start3A_206 = arith.constant 0 : i32
    %dma_start3A_207 = tpu.memref_slice %arg4[%dma_start3A_205, %dma_start3A_206] : memref<100000x128xf32, #tpu.memory_space<hbm>> -> memref<100000x128xf32, #tpu.memory_space<hbm>>
    tpu.enqueue_indirect_dma source(%dma_start3A_207 : memref<100000x128xf32, #tpu.memory_space<hbm>>) target(%arg10 : memref<80x128xf32, #tpu.memory_space<vmem>>) offsets(%dma_start3A_204 : memref<80xi32, #tpu.memory_space<vmem>>) semaphore(%arg12 : memref<!tpu.dma_semaphore, #tpu.memory_space<semaphore_mem>>)
    %dma_wait3A_208 = arith.constant 5 : i32
    %dma_wait3A_209 = arith.constant 0 : i32
    %dma_wait3A_210 = tpu.memref_slice %arg7[%dma_wait3A_208, %dma_wait3A_209] : memref<10x80xi32, #tpu.memory_space<vmem>> -> memref<1x80xi32, #tpu.memory_space<vmem>>
    %dma_wait3A_211 = tpu.memref_squeeze %dma_wait3A_210 : memref<1x80xi32, #tpu.memory_space<vmem>> -> memref<80xi32, #tpu.memory_space<vmem>>
    %dma_wait3A_212 = arith.constant 0 : i32
    %dma_wait3A_213 = arith.constant 0 : i32
    %dma_wait3A_214 = tpu.memref_slice %arg4[%dma_wait3A_212, %dma_wait3A_213] : memref<100000x128xf32, #tpu.memory_space<hbm>> -> memref<100000x128xf32, #tpu.memory_space<hbm>>
    tpu.wait_indirect_dma semaphore(%arg12 : memref<!tpu.dma_semaphore, #tpu.memory_space<semaphore_mem>>) src(%dma_wait3A_214 : memref<100000x128xf32, #tpu.memory_space<hbm>>) dst(%arg10 : memref<80x128xf32, #tpu.memory_space<vmem>>)
    %dma_start3A_215 = arith.constant 5 : i32
    %dma_start3A_216 = arith.constant 0 : i32
    %dma_start3A_217 = tpu.memref_slice %arg8[%dma_start3A_215, %dma_start3A_216] : memref<10x80xi32, #tpu.memory_space<vmem>> -> memref<1x80xi32, #tpu.memory_space<vmem>>
    %dma_start3A_218 = tpu.memref_squeeze %dma_start3A_217 : memref<1x80xi32, #tpu.memory_space<vmem>> -> memref<80xi32, #tpu.memory_space<vmem>>
    %dma_start3A_219 = arith.constant 0 : i32
    %dma_start3A_220 = arith.constant 0 : i32
    %dma_start3A_221 = tpu.memref_slice %arg5[%dma_start3A_219, %dma_start3A_220] : memref<100000x128xf32, #tpu.memory_space<hbm>> -> memref<100000x128xf32, #tpu.memory_space<hbm>>
    tpu.enqueue_indirect_dma source(%dma_start3A_221 : memref<100000x128xf32, #tpu.memory_space<hbm>>) target(%arg10 : memref<80x128xf32, #tpu.memory_space<vmem>>) offsets(%dma_start3A_218 : memref<80xi32, #tpu.memory_space<vmem>>) semaphore(%arg12 : memref<!tpu.dma_semaphore, #tpu.memory_space<semaphore_mem>>) {add = true}
    %dma_wait3A_222 = arith.constant 5 : i32
    %dma_wait3A_223 = arith.constant 0 : i32
    %dma_wait3A_224 = tpu.memref_slice %arg8[%dma_wait3A_222, %dma_wait3A_223] : memref<10x80xi32, #tpu.memory_space<vmem>> -> memref<1x80xi32, #tpu.memory_space<vmem>>
    %dma_wait3A_225 = tpu.memref_squeeze %dma_wait3A_224 : memref<1x80xi32, #tpu.memory_space<vmem>> -> memref<80xi32, #tpu.memory_space<vmem>>
    %dma_wait3A_226 = arith.constant 0 : i32
    %dma_wait3A_227 = arith.constant 0 : i32
    %dma_wait3A_228 = tpu.memref_slice %arg5[%dma_wait3A_226, %dma_wait3A_227] : memref<100000x128xf32, #tpu.memory_space<hbm>> -> memref<100000x128xf32, #tpu.memory_space<hbm>>
    tpu.wait_indirect_dma semaphore(%arg12 : memref<!tpu.dma_semaphore, #tpu.memory_space<semaphore_mem>>) src(%dma_wait3A_228 : memref<100000x128xf32, #tpu.memory_space<hbm>>) dst(%arg10 : memref<80x128xf32, #tpu.memory_space<vmem>>)
    %add3A_229 = arith.constant 5 : i32
    %add3A_230 = arith.addi %mul3A_2, %add3A_229 : i32
    %mul3A_231 = arith.constant 80 : i32
    %mul3A_232 = arith.muli %add3A_230, %mul3A_231 : i32
    %multiple_of3A_233 = tpu.assume_multiple %mul3A_232, 80 : i32
    %dma_start3A_234 = arith.constant 0 : i32
    %dma_start3A_235 = tpu.memref_slice %arg6[%multiple_of3A_233, %dma_start3A_234] : memref<25600x128xf32, #tpu.memory_space<hbm>> -> memref<80x128xf32, #tpu.memory_space<hbm>>
    %dma_start3A_236 = arith.constant 0 : i32
    %dma_start3A_237 = tpu.memref_slice %arg6[%multiple_of3A_233, %dma_start3A_236] : memref<25600x128xf32, #tpu.memory_space<hbm>> -> memref<80x128xf32, #tpu.memory_space<hbm>>
    tpu.enqueue_dma source(%arg10 : memref<80x128xf32, #tpu.memory_space<vmem>>) target(%dma_start3A_237 : memref<80x128xf32, #tpu.memory_space<hbm>>) target_semaphore(%arg12 : memref<!tpu.dma_semaphore, #tpu.memory_space<semaphore_mem>>)
    %dma_wait3A_238 = arith.constant 0 : i32
    %dma_wait3A_239 = tpu.memref_slice %arg6[%multiple_of3A_192, %dma_wait3A_238] : memref<25600x128xf32, #tpu.memory_space<hbm>> -> memref<80x128xf32, #tpu.memory_space<hbm>>
    %dma_wait3A_240 = arith.constant 0 : i32
    %dma_wait3A_241 = tpu.memref_slice %arg6[%multiple_of3A_192, %dma_wait3A_240] : memref<25600x128xf32, #tpu.memory_space<hbm>> -> memref<80x128xf32, #tpu.memory_space<hbm>>
    tpu.wait_dma2 semaphore(%arg11 : memref<!tpu.dma_semaphore, #tpu.memory_space<semaphore_mem>>) src(%arg9 : memref<80x128xf32, #tpu.memory_space<vmem>>) dst(%dma_wait3A_241 : memref<80x128xf32, #tpu.memory_space<hbm>>)
    %dma_start3A_242 = arith.constant 6 : i32
    %dma_start3A_243 = arith.constant 0 : i32
    %dma_start3A_244 = tpu.memref_slice %arg7[%dma_start3A_242, %dma_start3A_243] : memref<10x80xi32, #tpu.memory_space<vmem>> -> memref<1x80xi32, #tpu.memory_space<vmem>>
    %dma_start3A_245 = tpu.memref_squeeze %dma_start3A_244 : memref<1x80xi32, #tpu.memory_space<vmem>> -> memref<80xi32, #tpu.memory_space<vmem>>
    %dma_start3A_246 = arith.constant 0 : i32
    %dma_start3A_247 = arith.constant 0 : i32
    %dma_start3A_248 = tpu.memref_slice %arg4[%dma_start3A_246, %dma_start3A_247] : memref<100000x128xf32, #tpu.memory_space<hbm>> -> memref<100000x128xf32, #tpu.memory_space<hbm>>
    tpu.enqueue_indirect_dma source(%dma_start3A_248 : memref<100000x128xf32, #tpu.memory_space<hbm>>) target(%arg9 : memref<80x128xf32, #tpu.memory_space<vmem>>) offsets(%dma_start3A_245 : memref<80xi32, #tpu.memory_space<vmem>>) semaphore(%arg11 : memref<!tpu.dma_semaphore, #tpu.memory_space<semaphore_mem>>)
    %dma_wait3A_249 = arith.constant 6 : i32
    %dma_wait3A_250 = arith.constant 0 : i32
    %dma_wait3A_251 = tpu.memref_slice %arg7[%dma_wait3A_249, %dma_wait3A_250] : memref<10x80xi32, #tpu.memory_space<vmem>> -> memref<1x80xi32, #tpu.memory_space<vmem>>
    %dma_wait3A_252 = tpu.memref_squeeze %dma_wait3A_251 : memref<1x80xi32, #tpu.memory_space<vmem>> -> memref<80xi32, #tpu.memory_space<vmem>>
    %dma_wait3A_253 = arith.constant 0 : i32
    %dma_wait3A_254 = arith.constant 0 : i32
    %dma_wait3A_255 = tpu.memref_slice %arg4[%dma_wait3A_253, %dma_wait3A_254] : memref<100000x128xf32, #tpu.memory_space<hbm>> -> memref<100000x128xf32, #tpu.memory_space<hbm>>
    tpu.wait_indirect_dma semaphore(%arg11 : memref<!tpu.dma_semaphore, #tpu.memory_space<semaphore_mem>>) src(%dma_wait3A_255 : memref<100000x128xf32, #tpu.memory_space<hbm>>) dst(%arg9 : memref<80x128xf32, #tpu.memory_space<vmem>>)
    %dma_start3A_256 = arith.constant 6 : i32
    %dma_start3A_257 = arith.constant 0 : i32
    %dma_start3A_258 = tpu.memref_slice %arg8[%dma_start3A_256, %dma_start3A_257] : memref<10x80xi32, #tpu.memory_space<vmem>> -> memref<1x80xi32, #tpu.memory_space<vmem>>
    %dma_start3A_259 = tpu.memref_squeeze %dma_start3A_258 : memref<1x80xi32, #tpu.memory_space<vmem>> -> memref<80xi32, #tpu.memory_space<vmem>>
    %dma_start3A_260 = arith.constant 0 : i32
    %dma_start3A_261 = arith.constant 0 : i32
    %dma_start3A_262 = tpu.memref_slice %arg5[%dma_start3A_260, %dma_start3A_261] : memref<100000x128xf32, #tpu.memory_space<hbm>> -> memref<100000x128xf32, #tpu.memory_space<hbm>>
    tpu.enqueue_indirect_dma source(%dma_start3A_262 : memref<100000x128xf32, #tpu.memory_space<hbm>>) target(%arg9 : memref<80x128xf32, #tpu.memory_space<vmem>>) offsets(%dma_start3A_259 : memref<80xi32, #tpu.memory_space<vmem>>) semaphore(%arg11 : memref<!tpu.dma_semaphore, #tpu.memory_space<semaphore_mem>>) {add = true}
    %dma_wait3A_263 = arith.constant 6 : i32
    %dma_wait3A_264 = arith.constant 0 : i32
    %dma_wait3A_265 = tpu.memref_slice %arg8[%dma_wait3A_263, %dma_wait3A_264] : memref<10x80xi32, #tpu.memory_space<vmem>> -> memref<1x80xi32, #tpu.memory_space<vmem>>
    %dma_wait3A_266 = tpu.memref_squeeze %dma_wait3A_265 : memref<1x80xi32, #tpu.memory_space<vmem>> -> memref<80xi32, #tpu.memory_space<vmem>>
    %dma_wait3A_267 = arith.constant 0 : i32
    %dma_wait3A_268 = arith.constant 0 : i32
    %dma_wait3A_269 = tpu.memref_slice %arg5[%dma_wait3A_267, %dma_wait3A_268] : memref<100000x128xf32, #tpu.memory_space<hbm>> -> memref<100000x128xf32, #tpu.memory_space<hbm>>
    tpu.wait_indirect_dma semaphore(%arg11 : memref<!tpu.dma_semaphore, #tpu.memory_space<semaphore_mem>>) src(%dma_wait3A_269 : memref<100000x128xf32, #tpu.memory_space<hbm>>) dst(%arg9 : memref<80x128xf32, #tpu.memory_space<vmem>>)
    %add3A_270 = arith.constant 6 : i32
    %add3A_271 = arith.addi %mul3A_2, %add3A_270 : i32
    %mul3A_272 = arith.constant 80 : i32
    %mul3A_273 = arith.muli %add3A_271, %mul3A_272 : i32
    %multiple_of3A_274 = tpu.assume_multiple %mul3A_273, 80 : i32
    %dma_start3A_275 = arith.constant 0 : i32
    %dma_start3A_276 = tpu.memref_slice %arg6[%multiple_of3A_274, %dma_start3A_275] : memref<25600x128xf32, #tpu.memory_space<hbm>> -> memref<80x128xf32, #tpu.memory_space<hbm>>
    %dma_start3A_277 = arith.constant 0 : i32
    %dma_start3A_278 = tpu.memref_slice %arg6[%multiple_of3A_274, %dma_start3A_277] : memref<25600x128xf32, #tpu.memory_space<hbm>> -> memref<80x128xf32, #tpu.memory_space<hbm>>
    tpu.enqueue_dma source(%arg9 : memref<80x128xf32, #tpu.memory_space<vmem>>) target(%dma_start3A_278 : memref<80x128xf32, #tpu.memory_space<hbm>>) target_semaphore(%arg11 : memref<!tpu.dma_semaphore, #tpu.memory_space<semaphore_mem>>)
    %dma_wait3A_279 = arith.constant 0 : i32
    %dma_wait3A_280 = tpu.memref_slice %arg6[%multiple_of3A_233, %dma_wait3A_279] : memref<25600x128xf32, #tpu.memory_space<hbm>> -> memref<80x128xf32, #tpu.memory_space<hbm>>
    %dma_wait3A_281 = arith.constant 0 : i32
    %dma_wait3A_282 = tpu.memref_slice %arg6[%multiple_of3A_233, %dma_wait3A_281] : memref<25600x128xf32, #tpu.memory_space<hbm>> -> memref<80x128xf32, #tpu.memory_space<hbm>>
    tpu.wait_dma2 semaphore(%arg12 : memref<!tpu.dma_semaphore, #tpu.memory_space<semaphore_mem>>) src(%arg10 : memref<80x128xf32, #tpu.memory_space<vmem>>) dst(%dma_wait3A_282 : memref<80x128xf32, #tpu.memory_space<hbm>>)
    %dma_start3A_283 = arith.constant 7 : i32
    %dma_start3A_284 = arith.constant 0 : i32
    %dma_start3A_285 = tpu.memref_slice %arg7[%dma_start3A_283, %dma_start3A_284] : memref<10x80xi32, #tpu.memory_space<vmem>> -> memref<1x80xi32, #tpu.memory_space<vmem>>
    %dma_start3A_286 = tpu.memref_squeeze %dma_start3A_285 : memref<1x80xi32, #tpu.memory_space<vmem>> -> memref<80xi32, #tpu.memory_space<vmem>>
    %dma_start3A_287 = arith.constant 0 : i32
    %dma_start3A_288 = arith.constant 0 : i32
    %dma_start3A_289 = tpu.memref_slice %arg4[%dma_start3A_287, %dma_start3A_288] : memref<100000x128xf32, #tpu.memory_space<hbm>> -> memref<100000x128xf32, #tpu.memory_space<hbm>>
    tpu.enqueue_indirect_dma source(%dma_start3A_289 : memref<100000x128xf32, #tpu.memory_space<hbm>>) target(%arg10 : memref<80x128xf32, #tpu.memory_space<vmem>>) offsets(%dma_start3A_286 : memref<80xi32, #tpu.memory_space<vmem>>) semaphore(%arg12 : memref<!tpu.dma_semaphore, #tpu.memory_space<semaphore_mem>>)
    %dma_wait3A_290 = arith.constant 7 : i32
    %dma_wait3A_291 = arith.constant 0 : i32
    %dma_wait3A_292 = tpu.memref_slice %arg7[%dma_wait3A_290, %dma_wait3A_291] : memref<10x80xi32, #tpu.memory_space<vmem>> -> memref<1x80xi32, #tpu.memory_space<vmem>>
    %dma_wait3A_293 = tpu.memref_squeeze %dma_wait3A_292 : memref<1x80xi32, #tpu.memory_space<vmem>> -> memref<80xi32, #tpu.memory_space<vmem>>
    %dma_wait3A_294 = arith.constant 0 : i32
    %dma_wait3A_295 = arith.constant 0 : i32
    %dma_wait3A_296 = tpu.memref_slice %arg4[%dma_wait3A_294, %dma_wait3A_295] : memref<100000x128xf32, #tpu.memory_space<hbm>> -> memref<100000x128xf32, #tpu.memory_space<hbm>>
    tpu.wait_indirect_dma semaphore(%arg12 : memref<!tpu.dma_semaphore, #tpu.memory_space<semaphore_mem>>) src(%dma_wait3A_296 : memref<100000x128xf32, #tpu.memory_space<hbm>>) dst(%arg10 : memref<80x128xf32, #tpu.memory_space<vmem>>)
    %dma_start3A_297 = arith.constant 7 : i32
    %dma_start3A_298 = arith.constant 0 : i32
    %dma_start3A_299 = tpu.memref_slice %arg8[%dma_start3A_297, %dma_start3A_298] : memref<10x80xi32, #tpu.memory_space<vmem>> -> memref<1x80xi32, #tpu.memory_space<vmem>>
    %dma_start3A_300 = tpu.memref_squeeze %dma_start3A_299 : memref<1x80xi32, #tpu.memory_space<vmem>> -> memref<80xi32, #tpu.memory_space<vmem>>
    %dma_start3A_301 = arith.constant 0 : i32
    %dma_start3A_302 = arith.constant 0 : i32
    %dma_start3A_303 = tpu.memref_slice %arg5[%dma_start3A_301, %dma_start3A_302] : memref<100000x128xf32, #tpu.memory_space<hbm>> -> memref<100000x128xf32, #tpu.memory_space<hbm>>
    tpu.enqueue_indirect_dma source(%dma_start3A_303 : memref<100000x128xf32, #tpu.memory_space<hbm>>) target(%arg10 : memref<80x128xf32, #tpu.memory_space<vmem>>) offsets(%dma_start3A_300 : memref<80xi32, #tpu.memory_space<vmem>>) semaphore(%arg12 : memref<!tpu.dma_semaphore, #tpu.memory_space<semaphore_mem>>) {add = true}
    %dma_wait3A_304 = arith.constant 7 : i32
    %dma_wait3A_305 = arith.constant 0 : i32
    %dma_wait3A_306 = tpu.memref_slice %arg8[%dma_wait3A_304, %dma_wait3A_305] : memref<10x80xi32, #tpu.memory_space<vmem>> -> memref<1x80xi32, #tpu.memory_space<vmem>>
    %dma_wait3A_307 = tpu.memref_squeeze %dma_wait3A_306 : memref<1x80xi32, #tpu.memory_space<vmem>> -> memref<80xi32, #tpu.memory_space<vmem>>
    %dma_wait3A_308 = arith.constant 0 : i32
    %dma_wait3A_309 = arith.constant 0 : i32
    %dma_wait3A_310 = tpu.memref_slice %arg5[%dma_wait3A_308, %dma_wait3A_309] : memref<100000x128xf32, #tpu.memory_space<hbm>> -> memref<100000x128xf32, #tpu.memory_space<hbm>>
    tpu.wait_indirect_dma semaphore(%arg12 : memref<!tpu.dma_semaphore, #tpu.memory_space<semaphore_mem>>) src(%dma_wait3A_310 : memref<100000x128xf32, #tpu.memory_space<hbm>>) dst(%arg10 : memref<80x128xf32, #tpu.memory_space<vmem>>)
    %add3A_311 = arith.constant 7 : i32
    %add3A_312 = arith.addi %mul3A_2, %add3A_311 : i32
    %mul3A_313 = arith.constant 80 : i32
    %mul3A_314 = arith.muli %add3A_312, %mul3A_313 : i32
    %multiple_of3A_315 = tpu.assume_multiple %mul3A_314, 80 : i32
    %dma_start3A_316 = arith.constant 0 : i32
    %dma_start3A_317 = tpu.memref_slice %arg6[%multiple_of3A_315, %dma_start3A_316] : memref<25600x128xf32, #tpu.memory_space<hbm>> -> memref<80x128xf32, #tpu.memory_space<hbm>>
    %dma_start3A_318 = arith.constant 0 : i32
    %dma_start3A_319 = tpu.memref_slice %arg6[%multiple_of3A_315, %dma_start3A_318] : memref<25600x128xf32, #tpu.memory_space<hbm>> -> memref<80x128xf32, #tpu.memory_space<hbm>>
    tpu.enqueue_dma source(%arg10 : memref<80x128xf32, #tpu.memory_space<vmem>>) target(%dma_start3A_319 : memref<80x128xf32, #tpu.memory_space<hbm>>) target_semaphore(%arg12 : memref<!tpu.dma_semaphore, #tpu.memory_space<semaphore_mem>>)
    %dma_wait3A_320 = arith.constant 0 : i32
    %dma_wait3A_321 = tpu.memref_slice %arg6[%multiple_of3A_274, %dma_wait3A_320] : memref<25600x128xf32, #tpu.memory_space<hbm>> -> memref<80x128xf32, #tpu.memory_space<hbm>>
    %dma_wait3A_322 = arith.constant 0 : i32
    %dma_wait3A_323 = tpu.memref_slice %arg6[%multiple_of3A_274, %dma_wait3A_322] : memref<25600x128xf32, #tpu.memory_space<hbm>> -> memref<80x128xf32, #tpu.memory_space<hbm>>
    tpu.wait_dma2 semaphore(%arg11 : memref<!tpu.dma_semaphore, #tpu.memory_space<semaphore_mem>>) src(%arg9 : memref<80x128xf32, #tpu.memory_space<vmem>>) dst(%dma_wait3A_323 : memref<80x128xf32, #tpu.memory_space<hbm>>)
    %dma_start3A_324 = arith.constant 8 : i32
    %dma_start3A_325 = arith.constant 0 : i32
    %dma_start3A_326 = tpu.memref_slice %arg7[%dma_start3A_324, %dma_start3A_325] : memref<10x80xi32, #tpu.memory_space<vmem>> -> memref<1x80xi32, #tpu.memory_space<vmem>>
    %dma_start3A_327 = tpu.memref_squeeze %dma_start3A_326 : memref<1x80xi32, #tpu.memory_space<vmem>> -> memref<80xi32, #tpu.memory_space<vmem>>
    %dma_start3A_328 = arith.constant 0 : i32
    %dma_start3A_329 = arith.constant 0 : i32
    %dma_start3A_330 = tpu.memref_slice %arg4[%dma_start3A_328, %dma_start3A_329] : memref<100000x128xf32, #tpu.memory_space<hbm>> -> memref<100000x128xf32, #tpu.memory_space<hbm>>
    tpu.enqueue_indirect_dma source(%dma_start3A_330 : memref<100000x128xf32, #tpu.memory_space<hbm>>) target(%arg9 : memref<80x128xf32, #tpu.memory_space<vmem>>) offsets(%dma_start3A_327 : memref<80xi32, #tpu.memory_space<vmem>>) semaphore(%arg11 : memref<!tpu.dma_semaphore, #tpu.memory_space<semaphore_mem>>)
    %dma_wait3A_331 = arith.constant 8 : i32
    %dma_wait3A_332 = arith.constant 0 : i32
    %dma_wait3A_333 = tpu.memref_slice %arg7[%dma_wait3A_331, %dma_wait3A_332] : memref<10x80xi32, #tpu.memory_space<vmem>> -> memref<1x80xi32, #tpu.memory_space<vmem>>
    %dma_wait3A_334 = tpu.memref_squeeze %dma_wait3A_333 : memref<1x80xi32, #tpu.memory_space<vmem>> -> memref<80xi32, #tpu.memory_space<vmem>>
    %dma_wait3A_335 = arith.constant 0 : i32
    %dma_wait3A_336 = arith.constant 0 : i32
    %dma_wait3A_337 = tpu.memref_slice %arg4[%dma_wait3A_335, %dma_wait3A_336] : memref<100000x128xf32, #tpu.memory_space<hbm>> -> memref<100000x128xf32, #tpu.memory_space<hbm>>
    tpu.wait_indirect_dma semaphore(%arg11 : memref<!tpu.dma_semaphore, #tpu.memory_space<semaphore_mem>>) src(%dma_wait3A_337 : memref<100000x128xf32, #tpu.memory_space<hbm>>) dst(%arg9 : memref<80x128xf32, #tpu.memory_space<vmem>>)
    %dma_start3A_338 = arith.constant 8 : i32
    %dma_start3A_339 = arith.constant 0 : i32
    %dma_start3A_340 = tpu.memref_slice %arg8[%dma_start3A_338, %dma_start3A_339] : memref<10x80xi32, #tpu.memory_space<vmem>> -> memref<1x80xi32, #tpu.memory_space<vmem>>
    %dma_start3A_341 = tpu.memref_squeeze %dma_start3A_340 : memref<1x80xi32, #tpu.memory_space<vmem>> -> memref<80xi32, #tpu.memory_space<vmem>>
    %dma_start3A_342 = arith.constant 0 : i32
    %dma_start3A_343 = arith.constant 0 : i32
    %dma_start3A_344 = tpu.memref_slice %arg5[%dma_start3A_342, %dma_start3A_343] : memref<100000x128xf32, #tpu.memory_space<hbm>> -> memref<100000x128xf32, #tpu.memory_space<hbm>>
    tpu.enqueue_indirect_dma source(%dma_start3A_344 : memref<100000x128xf32, #tpu.memory_space<hbm>>) target(%arg9 : memref<80x128xf32, #tpu.memory_space<vmem>>) offsets(%dma_start3A_341 : memref<80xi32, #tpu.memory_space<vmem>>) semaphore(%arg11 : memref<!tpu.dma_semaphore, #tpu.memory_space<semaphore_mem>>) {add = true}
    %dma_wait3A_345 = arith.constant 8 : i32
    %dma_wait3A_346 = arith.constant 0 : i32
    %dma_wait3A_347 = tpu.memref_slice %arg8[%dma_wait3A_345, %dma_wait3A_346] : memref<10x80xi32, #tpu.memory_space<vmem>> -> memref<1x80xi32, #tpu.memory_space<vmem>>
    %dma_wait3A_348 = tpu.memref_squeeze %dma_wait3A_347 : memref<1x80xi32, #tpu.memory_space<vmem>> -> memref<80xi32, #tpu.memory_space<vmem>>
    %dma_wait3A_349 = arith.constant 0 : i32
    %dma_wait3A_350 = arith.constant 0 : i32
    %dma_wait3A_351 = tpu.memref_slice %arg5[%dma_wait3A_349, %dma_wait3A_350] : memref<100000x128xf32, #tpu.memory_space<hbm>> -> memref<100000x128xf32, #tpu.memory_space<hbm>>
    tpu.wait_indirect_dma semaphore(%arg11 : memref<!tpu.dma_semaphore, #tpu.memory_space<semaphore_mem>>) src(%dma_wait3A_351 : memref<100000x128xf32, #tpu.memory_space<hbm>>) dst(%arg9 : memref<80x128xf32, #tpu.memory_space<vmem>>)
    %add3A_352 = arith.constant 8 : i32
    %add3A_353 = arith.addi %mul3A_2, %add3A_352 : i32
    %mul3A_354 = arith.constant 80 : i32
    %mul3A_355 = arith.muli %add3A_353, %mul3A_354 : i32
    %multiple_of3A_356 = tpu.assume_multiple %mul3A_355, 80 : i32
    %dma_start3A_357 = arith.constant 0 : i32
    %dma_start3A_358 = tpu.memref_slice %arg6[%multiple_of3A_356, %dma_start3A_357] : memref<25600x128xf32, #tpu.memory_space<hbm>> -> memref<80x128xf32, #tpu.memory_space<hbm>>
    %dma_start3A_359 = arith.constant 0 : i32
    %dma_start3A_360 = tpu.memref_slice %arg6[%multiple_of3A_356, %dma_start3A_359] : memref<25600x128xf32, #tpu.memory_space<hbm>> -> memref<80x128xf32, #tpu.memory_space<hbm>>
    tpu.enqueue_dma source(%arg9 : memref<80x128xf32, #tpu.memory_space<vmem>>) target(%dma_start3A_360 : memref<80x128xf32, #tpu.memory_space<hbm>>) target_semaphore(%arg11 : memref<!tpu.dma_semaphore, #tpu.memory_space<semaphore_mem>>)
    %dma_wait3A_361 = arith.constant 0 : i32
    %dma_wait3A_362 = tpu.memref_slice %arg6[%multiple_of3A_315, %dma_wait3A_361] : memref<25600x128xf32, #tpu.memory_space<hbm>> -> memref<80x128xf32, #tpu.memory_space<hbm>>
    %dma_wait3A_363 = arith.constant 0 : i32
    %dma_wait3A_364 = tpu.memref_slice %arg6[%multiple_of3A_315, %dma_wait3A_363] : memref<25600x128xf32, #tpu.memory_space<hbm>> -> memref<80x128xf32, #tpu.memory_space<hbm>>
    tpu.wait_dma2 semaphore(%arg12 : memref<!tpu.dma_semaphore, #tpu.memory_space<semaphore_mem>>) src(%arg10 : memref<80x128xf32, #tpu.memory_space<vmem>>) dst(%dma_wait3A_364 : memref<80x128xf32, #tpu.memory_space<hbm>>)
    %dma_start3A_365 = arith.constant 9 : i32
    %dma_start3A_366 = arith.constant 0 : i32
    %dma_start3A_367 = tpu.memref_slice %arg7[%dma_start3A_365, %dma_start3A_366] : memref<10x80xi32, #tpu.memory_space<vmem>> -> memref<1x80xi32, #tpu.memory_space<vmem>>
    %dma_start3A_368 = tpu.memref_squeeze %dma_start3A_367 : memref<1x80xi32, #tpu.memory_space<vmem>> -> memref<80xi32, #tpu.memory_space<vmem>>
    %dma_start3A_369 = arith.constant 0 : i32
    %dma_start3A_370 = arith.constant 0 : i32
    %dma_start3A_371 = tpu.memref_slice %arg4[%dma_start3A_369, %dma_start3A_370] : memref<100000x128xf32, #tpu.memory_space<hbm>> -> memref<100000x128xf32, #tpu.memory_space<hbm>>
    tpu.enqueue_indirect_dma source(%dma_start3A_371 : memref<100000x128xf32, #tpu.memory_space<hbm>>) target(%arg10 : memref<80x128xf32, #tpu.memory_space<vmem>>) offsets(%dma_start3A_368 : memref<80xi32, #tpu.memory_space<vmem>>) semaphore(%arg12 : memref<!tpu.dma_semaphore, #tpu.memory_space<semaphore_mem>>)
    %dma_wait3A_372 = arith.constant 9 : i32
    %dma_wait3A_373 = arith.constant 0 : i32
    %dma_wait3A_374 = tpu.memref_slice %arg7[%dma_wait3A_372, %dma_wait3A_373] : memref<10x80xi32, #tpu.memory_space<vmem>> -> memref<1x80xi32, #tpu.memory_space<vmem>>
    %dma_wait3A_375 = tpu.memref_squeeze %dma_wait3A_374 : memref<1x80xi32, #tpu.memory_space<vmem>> -> memref<80xi32, #tpu.memory_space<vmem>>
    %dma_wait3A_376 = arith.constant 0 : i32
    %dma_wait3A_377 = arith.constant 0 : i32
    %dma_wait3A_378 = tpu.memref_slice %arg4[%dma_wait3A_376, %dma_wait3A_377] : memref<100000x128xf32, #tpu.memory_space<hbm>> -> memref<100000x128xf32, #tpu.memory_space<hbm>>
    tpu.wait_indirect_dma semaphore(%arg12 : memref<!tpu.dma_semaphore, #tpu.memory_space<semaphore_mem>>) src(%dma_wait3A_378 : memref<100000x128xf32, #tpu.memory_space<hbm>>) dst(%arg10 : memref<80x128xf32, #tpu.memory_space<vmem>>)
    %dma_start3A_379 = arith.constant 9 : i32
    %dma_start3A_380 = arith.constant 0 : i32
    %dma_start3A_381 = tpu.memref_slice %arg8[%dma_start3A_379, %dma_start3A_380] : memref<10x80xi32, #tpu.memory_space<vmem>> -> memref<1x80xi32, #tpu.memory_space<vmem>>
    %dma_start3A_382 = tpu.memref_squeeze %dma_start3A_381 : memref<1x80xi32, #tpu.memory_space<vmem>> -> memref<80xi32, #tpu.memory_space<vmem>>
    %dma_start3A_383 = arith.constant 0 : i32
    %dma_start3A_384 = arith.constant 0 : i32
    %dma_start3A_385 = tpu.memref_slice %arg5[%dma_start3A_383, %dma_start3A_384] : memref<100000x128xf32, #tpu.memory_space<hbm>> -> memref<100000x128xf32, #tpu.memory_space<hbm>>
    tpu.enqueue_indirect_dma source(%dma_start3A_385 : memref<100000x128xf32, #tpu.memory_space<hbm>>) target(%arg10 : memref<80x128xf32, #tpu.memory_space<vmem>>) offsets(%dma_start3A_382 : memref<80xi32, #tpu.memory_space<vmem>>) semaphore(%arg12 : memref<!tpu.dma_semaphore, #tpu.memory_space<semaphore_mem>>) {add = true}
    %dma_wait3A_386 = arith.constant 9 : i32
    %dma_wait3A_387 = arith.constant 0 : i32
    %dma_wait3A_388 = tpu.memref_slice %arg8[%dma_wait3A_386, %dma_wait3A_387] : memref<10x80xi32, #tpu.memory_space<vmem>> -> memref<1x80xi32, #tpu.memory_space<vmem>>
    %dma_wait3A_389 = tpu.memref_squeeze %dma_wait3A_388 : memref<1x80xi32, #tpu.memory_space<vmem>> -> memref<80xi32, #tpu.memory_space<vmem>>
    %dma_wait3A_390 = arith.constant 0 : i32
    %dma_wait3A_391 = arith.constant 0 : i32
    %dma_wait3A_392 = tpu.memref_slice %arg5[%dma_wait3A_390, %dma_wait3A_391] : memref<100000x128xf32, #tpu.memory_space<hbm>> -> memref<100000x128xf32, #tpu.memory_space<hbm>>
    tpu.wait_indirect_dma semaphore(%arg12 : memref<!tpu.dma_semaphore, #tpu.memory_space<semaphore_mem>>) src(%dma_wait3A_392 : memref<100000x128xf32, #tpu.memory_space<hbm>>) dst(%arg10 : memref<80x128xf32, #tpu.memory_space<vmem>>)
    %add3A_393 = arith.constant 9 : i32
    %add3A_394 = arith.addi %mul3A_2, %add3A_393 : i32
    %mul3A_395 = arith.constant 80 : i32
    %mul3A_396 = arith.muli %add3A_394, %mul3A_395 : i32
    %multiple_of3A_397 = tpu.assume_multiple %mul3A_396, 80 : i32
    %dma_start3A_398 = arith.constant 0 : i32
    %dma_start3A_399 = tpu.memref_slice %arg6[%multiple_of3A_397, %dma_start3A_398] : memref<25600x128xf32, #tpu.memory_space<hbm>> -> memref<80x128xf32, #tpu.memory_space<hbm>>
    %dma_start3A_400 = arith.constant 0 : i32
    %dma_start3A_401 = tpu.memref_slice %arg6[%multiple_of3A_397, %dma_start3A_400] : memref<25600x128xf32, #tpu.memory_space<hbm>> -> memref<80x128xf32, #tpu.memory_space<hbm>>
    tpu.enqueue_dma source(%arg10 : memref<80x128xf32, #tpu.memory_space<vmem>>) target(%dma_start3A_401 : memref<80x128xf32, #tpu.memory_space<hbm>>) target_semaphore(%arg12 : memref<!tpu.dma_semaphore, #tpu.memory_space<semaphore_mem>>)
    %dma_wait3A_402 = arith.constant 0 : i32
    %dma_wait3A_403 = tpu.memref_slice %arg6[%multiple_of3A_356, %dma_wait3A_402] : memref<25600x128xf32, #tpu.memory_space<hbm>> -> memref<80x128xf32, #tpu.memory_space<hbm>>
    %dma_wait3A_404 = arith.constant 0 : i32
    %dma_wait3A_405 = tpu.memref_slice %arg6[%multiple_of3A_356, %dma_wait3A_404] : memref<25600x128xf32, #tpu.memory_space<hbm>> -> memref<80x128xf32, #tpu.memory_space<hbm>>
    tpu.wait_dma2 semaphore(%arg11 : memref<!tpu.dma_semaphore, #tpu.memory_space<semaphore_mem>>) src(%arg9 : memref<80x128xf32, #tpu.memory_space<vmem>>) dst(%dma_wait3A_405 : memref<80x128xf32, #tpu.memory_space<hbm>>)
    %dma_wait3A_406 = arith.constant 0 : i32
    %dma_wait3A_407 = tpu.memref_slice %arg6[%multiple_of3A_397, %dma_wait3A_406] : memref<25600x128xf32, #tpu.memory_space<hbm>> -> memref<80x128xf32, #tpu.memory_space<hbm>>
    %dma_wait3A_408 = arith.constant 0 : i32
    %dma_wait3A_409 = tpu.memref_slice %arg6[%multiple_of3A_397, %dma_wait3A_408] : memref<25600x128xf32, #tpu.memory_space<hbm>> -> memref<80x128xf32, #tpu.memory_space<hbm>>
    tpu.wait_dma2 semaphore(%arg12 : memref<!tpu.dma_semaphore, #tpu.memory_space<semaphore_mem>>) src(%arg10 : memref<80x128xf32, #tpu.memory_space<vmem>>) dst(%dma_wait3A_409 : memref<80x128xf32, #tpu.memory_space<hbm>>)
    return
  }
}

#map = affine_map<(d0, d1) -> (0, 0, 0)>
#map1 = affine_map<(d0, d1) -> (0, 0)>
module attributes {stable_mosaic.version = 14 : i64} {
  func.func @_emb_kernel_body(%arg0: i32, %arg1: i32, %arg2: memref<32x10x80xi32, #tpu.memory_space<hbm>>, %arg3: memref<32x10x80xi32, #tpu.memory_space<hbm>>, %arg4: memref<100000x128xf32, #tpu.memory_space<hbm>>, %arg5: memref<100000x128xf32, #tpu.memory_space<hbm>>, %arg6: memref<25600x128xf32, #tpu.memory_space<hbm>>, %arg7: memref<10x80xi32, #tpu.memory_space<vmem>>, %arg8: memref<10x80xi32, #tpu.memory_space<vmem>>, %arg9: memref<80x128xf32, #tpu.memory_space<vmem>>, %arg10: memref<80x128xf32, #tpu.memory_space<vmem>>, %arg11: memref<!tpu.dma_semaphore, #tpu.memory_space<semaphore_mem>>, %arg12: memref<!tpu.dma_semaphore, #tpu.memory_space<semaphore_mem>>) attributes {dimension_semantics = [#tpu.dimension_semantics<core_parallel>, #tpu.dimension_semantics<subcore_parallel>], iteration_bounds = array<i64: 2, 16>, scalar_prefetch = 0 : i64, scratch_operands = 6 : i64, tpu.core_type = #tpu.core_type<sc_vector_subcore>, window_params = [{transform_indices = #map}, {transform_indices = #map}, {transform_indices = #map1}, {transform_indices = #map1}, {transform_indices = #map1}]} {
    %mul3A = arith.constant 2 : i32
    %mul3A_0 = arith.muli %arg1, %mul3A : i32
    %add3A = arith.addi %mul3A_0, %arg0 : i32
    %mul3A_1 = arith.constant 10 : i32
    %mul3A_2 = arith.muli %add3A, %mul3A_1 : i32
    "tpu.region"() ({
      %run_scoped3A = tpu.sem_alloc : memref<!tpu.dma_semaphore, #tpu.memory_space<semaphore_mem>>
      %dma_start3A_410 = arith.constant 0 : i32
      %dma_start3A_411 = arith.constant 0 : i32
      %dma_start3A_412 = tpu.memref_slice %arg2[%add3A, %dma_start3A_410, %dma_start3A_411] : memref<32x10x80xi32, #tpu.memory_space<hbm>> -> memref<1x10x80xi32, #tpu.memory_space<hbm>>
      %dma_start3A_413 = tpu.memref_squeeze %dma_start3A_412 : memref<1x10x80xi32, #tpu.memory_space<hbm>> -> memref<10x80xi32, #tpu.memory_space<hbm>>
      %dma_start3A_414 = arith.constant 0 : i32
      %dma_start3A_415 = arith.constant 0 : i32
      %dma_start3A_416 = tpu.memref_slice %arg2[%add3A, %dma_start3A_414, %dma_start3A_415] : memref<32x10x80xi32, #tpu.memory_space<hbm>> -> memref<1x10x80xi32, #tpu.memory_space<hbm>>
      %dma_start3A_417 = tpu.memref_squeeze %dma_start3A_416 : memref<1x10x80xi32, #tpu.memory_space<hbm>> -> memref<10x80xi32, #tpu.memory_space<hbm>>
      tpu.enqueue_dma source(%dma_start3A_417 : memref<10x80xi32, #tpu.memory_space<hbm>>) target(%arg7 : memref<10x80xi32, #tpu.memory_space<vmem>>) target_semaphore(%run_scoped3A : memref<!tpu.dma_semaphore, #tpu.memory_space<semaphore_mem>>)
      %dma_wait3A_418 = arith.constant 0 : i32
      %dma_wait3A_419 = arith.constant 0 : i32
      %dma_wait3A_420 = tpu.memref_slice %arg2[%add3A, %dma_wait3A_418, %dma_wait3A_419] : memref<32x10x80xi32, #tpu.memory_space<hbm>> -> memref<1x10x80xi32, #tpu.memory_space<hbm>>
      %dma_wait3A_421 = tpu.memref_squeeze %dma_wait3A_420 : memref<1x10x80xi32, #tpu.memory_space<hbm>> -> memref<10x80xi32, #tpu.memory_space<hbm>>
      %dma_wait3A_422 = arith.constant 0 : i32
      %dma_wait3A_423 = arith.constant 0 : i32
      %dma_wait3A_424 = tpu.memref_slice %arg2[%add3A, %dma_wait3A_422, %dma_wait3A_423] : memref<32x10x80xi32, #tpu.memory_space<hbm>> -> memref<1x10x80xi32, #tpu.memory_space<hbm>>
      %dma_wait3A_425 = tpu.memref_squeeze %dma_wait3A_424 : memref<1x10x80xi32, #tpu.memory_space<hbm>> -> memref<10x80xi32, #tpu.memory_space<hbm>>
      tpu.wait_dma2 semaphore(%run_scoped3A : memref<!tpu.dma_semaphore, #tpu.memory_space<semaphore_mem>>) src(%dma_wait3A_425 : memref<10x80xi32, #tpu.memory_space<hbm>>) dst(%arg7 : memref<10x80xi32, #tpu.memory_space<vmem>>)
      tpu.yield
    }) : () -> ()
    "tpu.region"() ({
      %run_scoped3A = tpu.sem_alloc : memref<!tpu.dma_semaphore, #tpu.memory_space<semaphore_mem>>
      %dma_start3A_410 = arith.constant 0 : i32
      %dma_start3A_411 = arith.constant 0 : i32
      %dma_start3A_412 = tpu.memref_slice %arg3[%add3A, %dma_start3A_410, %dma_start3A_411] : memref<32x10x80xi32, #tpu.memory_space<hbm>> -> memref<1x10x80xi32, #tpu.memory_space<hbm>>
      %dma_start3A_413 = tpu.memref_squeeze %dma_start3A_412 : memref<1x10x80xi32, #tpu.memory_space<hbm>> -> memref<10x80xi32, #tpu.memory_space<hbm>>
      %dma_start3A_414 = arith.constant 0 : i32
      %dma_start3A_415 = arith.constant 0 : i32
      %dma_start3A_416 = tpu.memref_slice %arg3[%add3A, %dma_start3A_414, %dma_start3A_415] : memref<32x10x80xi32, #tpu.memory_space<hbm>> -> memref<1x10x80xi32, #tpu.memory_space<hbm>>
      %dma_start3A_417 = tpu.memref_squeeze %dma_start3A_416 : memref<1x10x80xi32, #tpu.memory_space<hbm>> -> memref<10x80xi32, #tpu.memory_space<hbm>>
      tpu.enqueue_dma source(%dma_start3A_417 : memref<10x80xi32, #tpu.memory_space<hbm>>) target(%arg8 : memref<10x80xi32, #tpu.memory_space<vmem>>) target_semaphore(%run_scoped3A : memref<!tpu.dma_semaphore, #tpu.memory_space<semaphore_mem>>)
      %dma_wait3A_418 = arith.constant 0 : i32
      %dma_wait3A_419 = arith.constant 0 : i32
      %dma_wait3A_420 = tpu.memref_slice %arg3[%add3A, %dma_wait3A_418, %dma_wait3A_419] : memref<32x10x80xi32, #tpu.memory_space<hbm>> -> memref<1x10x80xi32, #tpu.memory_space<hbm>>
      %dma_wait3A_421 = tpu.memref_squeeze %dma_wait3A_420 : memref<1x10x80xi32, #tpu.memory_space<hbm>> -> memref<10x80xi32, #tpu.memory_space<hbm>>
      %dma_wait3A_422 = arith.constant 0 : i32
      %dma_wait3A_423 = arith.constant 0 : i32
      %dma_wait3A_424 = tpu.memref_slice %arg3[%add3A, %dma_wait3A_422, %dma_wait3A_423] : memref<32x10x80xi32, #tpu.memory_space<hbm>> -> memref<1x10x80xi32, #tpu.memory_space<hbm>>
      %dma_wait3A_425 = tpu.memref_squeeze %dma_wait3A_424 : memref<1x10x80xi32, #tpu.memory_space<hbm>> -> memref<10x80xi32, #tpu.memory_space<hbm>>
      tpu.wait_dma2 semaphore(%run_scoped3A : memref<!tpu.dma_semaphore, #tpu.memory_space<semaphore_mem>>) src(%dma_wait3A_425 : memref<10x80xi32, #tpu.memory_space<hbm>>) dst(%arg8 : memref<10x80xi32, #tpu.memory_space<vmem>>)
      tpu.yield
    }) : () -> ()
    %dma_start3A = arith.constant 0 : i32
    %dma_start3A_3 = arith.constant 0 : i32
    %dma_start3A_4 = tpu.memref_slice %arg7[%dma_start3A, %dma_start3A_3] : memref<10x80xi32, #tpu.memory_space<vmem>> -> memref<1x80xi32, #tpu.memory_space<vmem>>
    %dma_start3A_5 = tpu.memref_squeeze %dma_start3A_4 : memref<1x80xi32, #tpu.memory_space<vmem>> -> memref<80xi32, #tpu.memory_space<vmem>>
    %dma_start3A_6 = arith.constant 0 : i32
    %dma_start3A_7 = arith.constant 0 : i32
    %dma_start3A_8 = tpu.memref_slice %arg4[%dma_start3A_6, %dma_start3A_7] : memref<100000x128xf32, #tpu.memory_space<hbm>> -> memref<100000x128xf32, #tpu.memory_space<hbm>>
    tpu.enqueue_indirect_dma source(%dma_start3A_8 : memref<100000x128xf32, #tpu.memory_space<hbm>>) target(%arg9 : memref<80x128xf32, #tpu.memory_space<vmem>>) offsets(%dma_start3A_5 : memref<80xi32, #tpu.memory_space<vmem>>) semaphore(%arg11 : memref<!tpu.dma_semaphore, #tpu.memory_space<semaphore_mem>>)
    %dma_wait3A = arith.constant 0 : i32
    %dma_wait3A_9 = arith.constant 0 : i32
    %dma_wait3A_10 = tpu.memref_slice %arg7[%dma_wait3A, %dma_wait3A_9] : memref<10x80xi32, #tpu.memory_space<vmem>> -> memref<1x80xi32, #tpu.memory_space<vmem>>
    %dma_wait3A_11 = tpu.memref_squeeze %dma_wait3A_10 : memref<1x80xi32, #tpu.memory_space<vmem>> -> memref<80xi32, #tpu.memory_space<vmem>>
    %dma_wait3A_12 = arith.constant 0 : i32
    %dma_wait3A_13 = arith.constant 0 : i32
    %dma_wait3A_14 = tpu.memref_slice %arg4[%dma_wait3A_12, %dma_wait3A_13] : memref<100000x128xf32, #tpu.memory_space<hbm>> -> memref<100000x128xf32, #tpu.memory_space<hbm>>
    tpu.wait_indirect_dma semaphore(%arg11 : memref<!tpu.dma_semaphore, #tpu.memory_space<semaphore_mem>>) src(%dma_wait3A_14 : memref<100000x128xf32, #tpu.memory_space<hbm>>) dst(%arg9 : memref<80x128xf32, #tpu.memory_space<vmem>>)
    %dma_start3A_15 = arith.constant 0 : i32
    %dma_start3A_16 = arith.constant 0 : i32
    %dma_start3A_17 = tpu.memref_slice %arg8[%dma_start3A_15, %dma_start3A_16] : memref<10x80xi32, #tpu.memory_space<vmem>> -> memref<1x80xi32, #tpu.memory_space<vmem>>
    %dma_start3A_18 = tpu.memref_squeeze %dma_start3A_17 : memref<1x80xi32, #tpu.memory_space<vmem>> -> memref<80xi32, #tpu.memory_space<vmem>>
    %dma_start3A_19 = arith.constant 0 : i32
    %dma_start3A_20 = arith.constant 0 : i32
    %dma_start3A_21 = tpu.memref_slice %arg5[%dma_start3A_19, %dma_start3A_20] : memref<100000x128xf32, #tpu.memory_space<hbm>> -> memref<100000x128xf32, #tpu.memory_space<hbm>>
    tpu.enqueue_indirect_dma source(%dma_start3A_21 : memref<100000x128xf32, #tpu.memory_space<hbm>>) target(%arg9 : memref<80x128xf32, #tpu.memory_space<vmem>>) offsets(%dma_start3A_18 : memref<80xi32, #tpu.memory_space<vmem>>) semaphore(%arg11 : memref<!tpu.dma_semaphore, #tpu.memory_space<semaphore_mem>>) {add = true}
    %dma_wait3A_22 = arith.constant 0 : i32
    %dma_wait3A_23 = arith.constant 0 : i32
    %dma_wait3A_24 = tpu.memref_slice %arg8[%dma_wait3A_22, %dma_wait3A_23] : memref<10x80xi32, #tpu.memory_space<vmem>> -> memref<1x80xi32, #tpu.memory_space<vmem>>
    %dma_wait3A_25 = tpu.memref_squeeze %dma_wait3A_24 : memref<1x80xi32, #tpu.memory_space<vmem>> -> memref<80xi32, #tpu.memory_space<vmem>>
    %dma_wait3A_26 = arith.constant 0 : i32
    %dma_wait3A_27 = arith.constant 0 : i32
    %dma_wait3A_28 = tpu.memref_slice %arg5[%dma_wait3A_26, %dma_wait3A_27] : memref<100000x128xf32, #tpu.memory_space<hbm>> -> memref<100000x128xf32, #tpu.memory_space<hbm>>
    tpu.wait_indirect_dma semaphore(%arg11 : memref<!tpu.dma_semaphore, #tpu.memory_space<semaphore_mem>>) src(%dma_wait3A_28 : memref<100000x128xf32, #tpu.memory_space<hbm>>) dst(%arg9 : memref<80x128xf32, #tpu.memory_space<vmem>>)
    %add3A_29 = arith.constant 0 : i32
    %add3A_30 = arith.addi %mul3A_2, %add3A_29 : i32
    %mul3A_31 = arith.constant 80 : i32
    %mul3A_32 = arith.muli %add3A_30, %mul3A_31 : i32
    %multiple_of3A = tpu.assume_multiple %mul3A_32, 80 : i32
    %dma_start3A_33 = arith.constant 0 : i32
    %dma_start3A_34 = tpu.memref_slice %arg6[%multiple_of3A, %dma_start3A_33] : memref<25600x128xf32, #tpu.memory_space<hbm>> -> memref<80x128xf32, #tpu.memory_space<hbm>>
    %dma_start3A_35 = arith.constant 0 : i32
    %dma_start3A_36 = tpu.memref_slice %arg6[%multiple_of3A, %dma_start3A_35] : memref<25600x128xf32, #tpu.memory_space<hbm>> -> memref<80x128xf32, #tpu.memory_space<hbm>>
    tpu.enqueue_dma source(%arg9 : memref<80x128xf32, #tpu.memory_space<vmem>>) target(%dma_start3A_36 : memref<80x128xf32, #tpu.memory_space<hbm>>) target_semaphore(%arg11 : memref<!tpu.dma_semaphore, #tpu.memory_space<semaphore_mem>>)
    %dma_start3A_37 = arith.constant 1 : i32
    %dma_start3A_38 = arith.constant 0 : i32
    %dma_start3A_39 = tpu.memref_slice %arg7[%dma_start3A_37, %dma_start3A_38] : memref<10x80xi32, #tpu.memory_space<vmem>> -> memref<1x80xi32, #tpu.memory_space<vmem>>
    %dma_start3A_40 = tpu.memref_squeeze %dma_start3A_39 : memref<1x80xi32, #tpu.memory_space<vmem>> -> memref<80xi32, #tpu.memory_space<vmem>>
    %dma_start3A_41 = arith.constant 0 : i32
    %dma_start3A_42 = arith.constant 0 : i32
    %dma_start3A_43 = tpu.memref_slice %arg4[%dma_start3A_41, %dma_start3A_42] : memref<100000x128xf32, #tpu.memory_space<hbm>> -> memref<100000x128xf32, #tpu.memory_space<hbm>>
    tpu.enqueue_indirect_dma source(%dma_start3A_43 : memref<100000x128xf32, #tpu.memory_space<hbm>>) target(%arg10 : memref<80x128xf32, #tpu.memory_space<vmem>>) offsets(%dma_start3A_40 : memref<80xi32, #tpu.memory_space<vmem>>) semaphore(%arg12 : memref<!tpu.dma_semaphore, #tpu.memory_space<semaphore_mem>>)
    %dma_wait3A_44 = arith.constant 1 : i32
    %dma_wait3A_45 = arith.constant 0 : i32
    %dma_wait3A_46 = tpu.memref_slice %arg7[%dma_wait3A_44, %dma_wait3A_45] : memref<10x80xi32, #tpu.memory_space<vmem>> -> memref<1x80xi32, #tpu.memory_space<vmem>>
    %dma_wait3A_47 = tpu.memref_squeeze %dma_wait3A_46 : memref<1x80xi32, #tpu.memory_space<vmem>> -> memref<80xi32, #tpu.memory_space<vmem>>
    %dma_wait3A_48 = arith.constant 0 : i32
    %dma_wait3A_49 = arith.constant 0 : i32
    %dma_wait3A_50 = tpu.memref_slice %arg4[%dma_wait3A_48, %dma_wait3A_49] : memref<100000x128xf32, #tpu.memory_space<hbm>> -> memref<100000x128xf32, #tpu.memory_space<hbm>>
    tpu.wait_indirect_dma semaphore(%arg12 : memref<!tpu.dma_semaphore, #tpu.memory_space<semaphore_mem>>) src(%dma_wait3A_50 : memref<100000x128xf32, #tpu.memory_space<hbm>>) dst(%arg10 : memref<80x128xf32, #tpu.memory_space<vmem>>)
    %dma_start3A_51 = arith.constant 1 : i32
    %dma_start3A_52 = arith.constant 0 : i32
    %dma_start3A_53 = tpu.memref_slice %arg8[%dma_start3A_51, %dma_start3A_52] : memref<10x80xi32, #tpu.memory_space<vmem>> -> memref<1x80xi32, #tpu.memory_space<vmem>>
    %dma_start3A_54 = tpu.memref_squeeze %dma_start3A_53 : memref<1x80xi32, #tpu.memory_space<vmem>> -> memref<80xi32, #tpu.memory_space<vmem>>
    %dma_start3A_55 = arith.constant 0 : i32
    %dma_start3A_56 = arith.constant 0 : i32
    %dma_start3A_57 = tpu.memref_slice %arg5[%dma_start3A_55, %dma_start3A_56] : memref<100000x128xf32, #tpu.memory_space<hbm>> -> memref<100000x128xf32, #tpu.memory_space<hbm>>
    tpu.enqueue_indirect_dma source(%dma_start3A_57 : memref<100000x128xf32, #tpu.memory_space<hbm>>) target(%arg10 : memref<80x128xf32, #tpu.memory_space<vmem>>) offsets(%dma_start3A_54 : memref<80xi32, #tpu.memory_space<vmem>>) semaphore(%arg12 : memref<!tpu.dma_semaphore, #tpu.memory_space<semaphore_mem>>) {add = true}
    %dma_wait3A_58 = arith.constant 1 : i32
    %dma_wait3A_59 = arith.constant 0 : i32
    %dma_wait3A_60 = tpu.memref_slice %arg8[%dma_wait3A_58, %dma_wait3A_59] : memref<10x80xi32, #tpu.memory_space<vmem>> -> memref<1x80xi32, #tpu.memory_space<vmem>>
    %dma_wait3A_61 = tpu.memref_squeeze %dma_wait3A_60 : memref<1x80xi32, #tpu.memory_space<vmem>> -> memref<80xi32, #tpu.memory_space<vmem>>
    %dma_wait3A_62 = arith.constant 0 : i32
    %dma_wait3A_63 = arith.constant 0 : i32
    %dma_wait3A_64 = tpu.memref_slice %arg5[%dma_wait3A_62, %dma_wait3A_63] : memref<100000x128xf32, #tpu.memory_space<hbm>> -> memref<100000x128xf32, #tpu.memory_space<hbm>>
    tpu.wait_indirect_dma semaphore(%arg12 : memref<!tpu.dma_semaphore, #tpu.memory_space<semaphore_mem>>) src(%dma_wait3A_64 : memref<100000x128xf32, #tpu.memory_space<hbm>>) dst(%arg10 : memref<80x128xf32, #tpu.memory_space<vmem>>)
    %add3A_65 = arith.constant 1 : i32
    %add3A_66 = arith.addi %mul3A_2, %add3A_65 : i32
    %mul3A_67 = arith.constant 80 : i32
    %mul3A_68 = arith.muli %add3A_66, %mul3A_67 : i32
    %multiple_of3A_69 = tpu.assume_multiple %mul3A_68, 80 : i32
    %dma_start3A_70 = arith.constant 0 : i32
    %dma_start3A_71 = tpu.memref_slice %arg6[%multiple_of3A_69, %dma_start3A_70] : memref<25600x128xf32, #tpu.memory_space<hbm>> -> memref<80x128xf32, #tpu.memory_space<hbm>>
    %dma_start3A_72 = arith.constant 0 : i32
    %dma_start3A_73 = tpu.memref_slice %arg6[%multiple_of3A_69, %dma_start3A_72] : memref<25600x128xf32, #tpu.memory_space<hbm>> -> memref<80x128xf32, #tpu.memory_space<hbm>>
    tpu.enqueue_dma source(%arg10 : memref<80x128xf32, #tpu.memory_space<vmem>>) target(%dma_start3A_73 : memref<80x128xf32, #tpu.memory_space<hbm>>) target_semaphore(%arg12 : memref<!tpu.dma_semaphore, #tpu.memory_space<semaphore_mem>>)
    %dma_wait3A_74 = arith.constant 0 : i32
    %dma_wait3A_75 = tpu.memref_slice %arg6[%multiple_of3A, %dma_wait3A_74] : memref<25600x128xf32, #tpu.memory_space<hbm>> -> memref<80x128xf32, #tpu.memory_space<hbm>>
    %dma_wait3A_76 = arith.constant 0 : i32
    %dma_wait3A_77 = tpu.memref_slice %arg6[%multiple_of3A, %dma_wait3A_76] : memref<25600x128xf32, #tpu.memory_space<hbm>> -> memref<80x128xf32, #tpu.memory_space<hbm>>
    tpu.wait_dma2 semaphore(%arg11 : memref<!tpu.dma_semaphore, #tpu.memory_space<semaphore_mem>>) src(%arg9 : memref<80x128xf32, #tpu.memory_space<vmem>>) dst(%dma_wait3A_77 : memref<80x128xf32, #tpu.memory_space<hbm>>)
    %dma_start3A_78 = arith.constant 2 : i32
    %dma_start3A_79 = arith.constant 0 : i32
    %dma_start3A_80 = tpu.memref_slice %arg7[%dma_start3A_78, %dma_start3A_79] : memref<10x80xi32, #tpu.memory_space<vmem>> -> memref<1x80xi32, #tpu.memory_space<vmem>>
    %dma_start3A_81 = tpu.memref_squeeze %dma_start3A_80 : memref<1x80xi32, #tpu.memory_space<vmem>> -> memref<80xi32, #tpu.memory_space<vmem>>
    %dma_start3A_82 = arith.constant 0 : i32
    %dma_start3A_83 = arith.constant 0 : i32
    %dma_start3A_84 = tpu.memref_slice %arg4[%dma_start3A_82, %dma_start3A_83] : memref<100000x128xf32, #tpu.memory_space<hbm>> -> memref<100000x128xf32, #tpu.memory_space<hbm>>
    tpu.enqueue_indirect_dma source(%dma_start3A_84 : memref<100000x128xf32, #tpu.memory_space<hbm>>) target(%arg9 : memref<80x128xf32, #tpu.memory_space<vmem>>) offsets(%dma_start3A_81 : memref<80xi32, #tpu.memory_space<vmem>>) semaphore(%arg11 : memref<!tpu.dma_semaphore, #tpu.memory_space<semaphore_mem>>)
    %dma_wait3A_85 = arith.constant 2 : i32
    %dma_wait3A_86 = arith.constant 0 : i32
    %dma_wait3A_87 = tpu.memref_slice %arg7[%dma_wait3A_85, %dma_wait3A_86] : memref<10x80xi32, #tpu.memory_space<vmem>> -> memref<1x80xi32, #tpu.memory_space<vmem>>
    %dma_wait3A_88 = tpu.memref_squeeze %dma_wait3A_87 : memref<1x80xi32, #tpu.memory_space<vmem>> -> memref<80xi32, #tpu.memory_space<vmem>>
    %dma_wait3A_89 = arith.constant 0 : i32
    %dma_wait3A_90 = arith.constant 0 : i32
    %dma_wait3A_91 = tpu.memref_slice %arg4[%dma_wait3A_89, %dma_wait3A_90] : memref<100000x128xf32, #tpu.memory_space<hbm>> -> memref<100000x128xf32, #tpu.memory_space<hbm>>
    tpu.wait_indirect_dma semaphore(%arg11 : memref<!tpu.dma_semaphore, #tpu.memory_space<semaphore_mem>>) src(%dma_wait3A_91 : memref<100000x128xf32, #tpu.memory_space<hbm>>) dst(%arg9 : memref<80x128xf32, #tpu.memory_space<vmem>>)
    %dma_start3A_92 = arith.constant 2 : i32
    %dma_start3A_93 = arith.constant 0 : i32
    %dma_start3A_94 = tpu.memref_slice %arg8[%dma_start3A_92, %dma_start3A_93] : memref<10x80xi32, #tpu.memory_space<vmem>> -> memref<1x80xi32, #tpu.memory_space<vmem>>
    %dma_start3A_95 = tpu.memref_squeeze %dma_start3A_94 : memref<1x80xi32, #tpu.memory_space<vmem>> -> memref<80xi32, #tpu.memory_space<vmem>>
    %dma_start3A_96 = arith.constant 0 : i32
    %dma_start3A_97 = arith.constant 0 : i32
    %dma_start3A_98 = tpu.memref_slice %arg5[%dma_start3A_96, %dma_start3A_97] : memref<100000x128xf32, #tpu.memory_space<hbm>> -> memref<100000x128xf32, #tpu.memory_space<hbm>>
    tpu.enqueue_indirect_dma source(%dma_start3A_98 : memref<100000x128xf32, #tpu.memory_space<hbm>>) target(%arg9 : memref<80x128xf32, #tpu.memory_space<vmem>>) offsets(%dma_start3A_95 : memref<80xi32, #tpu.memory_space<vmem>>) semaphore(%arg11 : memref<!tpu.dma_semaphore, #tpu.memory_space<semaphore_mem>>) {add = true}
    %dma_wait3A_99 = arith.constant 2 : i32
    %dma_wait3A_100 = arith.constant 0 : i32
    %dma_wait3A_101 = tpu.memref_slice %arg8[%dma_wait3A_99, %dma_wait3A_100] : memref<10x80xi32, #tpu.memory_space<vmem>> -> memref<1x80xi32, #tpu.memory_space<vmem>>
    %dma_wait3A_102 = tpu.memref_squeeze %dma_wait3A_101 : memref<1x80xi32, #tpu.memory_space<vmem>> -> memref<80xi32, #tpu.memory_space<vmem>>
    %dma_wait3A_103 = arith.constant 0 : i32
    %dma_wait3A_104 = arith.constant 0 : i32
    %dma_wait3A_105 = tpu.memref_slice %arg5[%dma_wait3A_103, %dma_wait3A_104] : memref<100000x128xf32, #tpu.memory_space<hbm>> -> memref<100000x128xf32, #tpu.memory_space<hbm>>
    tpu.wait_indirect_dma semaphore(%arg11 : memref<!tpu.dma_semaphore, #tpu.memory_space<semaphore_mem>>) src(%dma_wait3A_105 : memref<100000x128xf32, #tpu.memory_space<hbm>>) dst(%arg9 : memref<80x128xf32, #tpu.memory_space<vmem>>)
    %add3A_106 = arith.constant 2 : i32
    %add3A_107 = arith.addi %mul3A_2, %add3A_106 : i32
    %mul3A_108 = arith.constant 80 : i32
    %mul3A_109 = arith.muli %add3A_107, %mul3A_108 : i32
    %multiple_of3A_110 = tpu.assume_multiple %mul3A_109, 80 : i32
    %dma_start3A_111 = arith.constant 0 : i32
    %dma_start3A_112 = tpu.memref_slice %arg6[%multiple_of3A_110, %dma_start3A_111] : memref<25600x128xf32, #tpu.memory_space<hbm>> -> memref<80x128xf32, #tpu.memory_space<hbm>>
    %dma_start3A_113 = arith.constant 0 : i32
    %dma_start3A_114 = tpu.memref_slice %arg6[%multiple_of3A_110, %dma_start3A_113] : memref<25600x128xf32, #tpu.memory_space<hbm>> -> memref<80x128xf32, #tpu.memory_space<hbm>>
    tpu.enqueue_dma source(%arg9 : memref<80x128xf32, #tpu.memory_space<vmem>>) target(%dma_start3A_114 : memref<80x128xf32, #tpu.memory_space<hbm>>) target_semaphore(%arg11 : memref<!tpu.dma_semaphore, #tpu.memory_space<semaphore_mem>>)
    %dma_wait3A_115 = arith.constant 0 : i32
    %dma_wait3A_116 = tpu.memref_slice %arg6[%multiple_of3A_69, %dma_wait3A_115] : memref<25600x128xf32, #tpu.memory_space<hbm>> -> memref<80x128xf32, #tpu.memory_space<hbm>>
    %dma_wait3A_117 = arith.constant 0 : i32
    %dma_wait3A_118 = tpu.memref_slice %arg6[%multiple_of3A_69, %dma_wait3A_117] : memref<25600x128xf32, #tpu.memory_space<hbm>> -> memref<80x128xf32, #tpu.memory_space<hbm>>
    tpu.wait_dma2 semaphore(%arg12 : memref<!tpu.dma_semaphore, #tpu.memory_space<semaphore_mem>>) src(%arg10 : memref<80x128xf32, #tpu.memory_space<vmem>>) dst(%dma_wait3A_118 : memref<80x128xf32, #tpu.memory_space<hbm>>)
    %dma_start3A_119 = arith.constant 3 : i32
    %dma_start3A_120 = arith.constant 0 : i32
    %dma_start3A_121 = tpu.memref_slice %arg7[%dma_start3A_119, %dma_start3A_120] : memref<10x80xi32, #tpu.memory_space<vmem>> -> memref<1x80xi32, #tpu.memory_space<vmem>>
    %dma_start3A_122 = tpu.memref_squeeze %dma_start3A_121 : memref<1x80xi32, #tpu.memory_space<vmem>> -> memref<80xi32, #tpu.memory_space<vmem>>
    %dma_start3A_123 = arith.constant 0 : i32
    %dma_start3A_124 = arith.constant 0 : i32
    %dma_start3A_125 = tpu.memref_slice %arg4[%dma_start3A_123, %dma_start3A_124] : memref<100000x128xf32, #tpu.memory_space<hbm>> -> memref<100000x128xf32, #tpu.memory_space<hbm>>
    tpu.enqueue_indirect_dma source(%dma_start3A_125 : memref<100000x128xf32, #tpu.memory_space<hbm>>) target(%arg10 : memref<80x128xf32, #tpu.memory_space<vmem>>) offsets(%dma_start3A_122 : memref<80xi32, #tpu.memory_space<vmem>>) semaphore(%arg12 : memref<!tpu.dma_semaphore, #tpu.memory_space<semaphore_mem>>)
    %dma_wait3A_126 = arith.constant 3 : i32
    %dma_wait3A_127 = arith.constant 0 : i32
    %dma_wait3A_128 = tpu.memref_slice %arg7[%dma_wait3A_126, %dma_wait3A_127] : memref<10x80xi32, #tpu.memory_space<vmem>> -> memref<1x80xi32, #tpu.memory_space<vmem>>
    %dma_wait3A_129 = tpu.memref_squeeze %dma_wait3A_128 : memref<1x80xi32, #tpu.memory_space<vmem>> -> memref<80xi32, #tpu.memory_space<vmem>>
    %dma_wait3A_130 = arith.constant 0 : i32
    %dma_wait3A_131 = arith.constant 0 : i32
    %dma_wait3A_132 = tpu.memref_slice %arg4[%dma_wait3A_130, %dma_wait3A_131] : memref<100000x128xf32, #tpu.memory_space<hbm>> -> memref<100000x128xf32, #tpu.memory_space<hbm>>
    tpu.wait_indirect_dma semaphore(%arg12 : memref<!tpu.dma_semaphore, #tpu.memory_space<semaphore_mem>>) src(%dma_wait3A_132 : memref<100000x128xf32, #tpu.memory_space<hbm>>) dst(%arg10 : memref<80x128xf32, #tpu.memory_space<vmem>>)
    %dma_start3A_133 = arith.constant 3 : i32
    %dma_start3A_134 = arith.constant 0 : i32
    %dma_start3A_135 = tpu.memref_slice %arg8[%dma_start3A_133, %dma_start3A_134] : memref<10x80xi32, #tpu.memory_space<vmem>> -> memref<1x80xi32, #tpu.memory_space<vmem>>
    %dma_start3A_136 = tpu.memref_squeeze %dma_start3A_135 : memref<1x80xi32, #tpu.memory_space<vmem>> -> memref<80xi32, #tpu.memory_space<vmem>>
    %dma_start3A_137 = arith.constant 0 : i32
    %dma_start3A_138 = arith.constant 0 : i32
    %dma_start3A_139 = tpu.memref_slice %arg5[%dma_start3A_137, %dma_start3A_138] : memref<100000x128xf32, #tpu.memory_space<hbm>> -> memref<100000x128xf32, #tpu.memory_space<hbm>>
    tpu.enqueue_indirect_dma source(%dma_start3A_139 : memref<100000x128xf32, #tpu.memory_space<hbm>>) target(%arg10 : memref<80x128xf32, #tpu.memory_space<vmem>>) offsets(%dma_start3A_136 : memref<80xi32, #tpu.memory_space<vmem>>) semaphore(%arg12 : memref<!tpu.dma_semaphore, #tpu.memory_space<semaphore_mem>>) {add = true}
    %dma_wait3A_140 = arith.constant 3 : i32
    %dma_wait3A_141 = arith.constant 0 : i32
    %dma_wait3A_142 = tpu.memref_slice %arg8[%dma_wait3A_140, %dma_wait3A_141] : memref<10x80xi32, #tpu.memory_space<vmem>> -> memref<1x80xi32, #tpu.memory_space<vmem>>
    %dma_wait3A_143 = tpu.memref_squeeze %dma_wait3A_142 : memref<1x80xi32, #tpu.memory_space<vmem>> -> memref<80xi32, #tpu.memory_space<vmem>>
    %dma_wait3A_144 = arith.constant 0 : i32
    %dma_wait3A_145 = arith.constant 0 : i32
    %dma_wait3A_146 = tpu.memref_slice %arg5[%dma_wait3A_144, %dma_wait3A_145] : memref<100000x128xf32, #tpu.memory_space<hbm>> -> memref<100000x128xf32, #tpu.memory_space<hbm>>
    tpu.wait_indirect_dma semaphore(%arg12 : memref<!tpu.dma_semaphore, #tpu.memory_space<semaphore_mem>>) src(%dma_wait3A_146 : memref<100000x128xf32, #tpu.memory_space<hbm>>) dst(%arg10 : memref<80x128xf32, #tpu.memory_space<vmem>>)
    %add3A_147 = arith.constant 3 : i32
    %add3A_148 = arith.addi %mul3A_2, %add3A_147 : i32
    %mul3A_149 = arith.constant 80 : i32
    %mul3A_150 = arith.muli %add3A_148, %mul3A_149 : i32
    %multiple_of3A_151 = tpu.assume_multiple %mul3A_150, 80 : i32
    %dma_start3A_152 = arith.constant 0 : i32
    %dma_start3A_153 = tpu.memref_slice %arg6[%multiple_of3A_151, %dma_start3A_152] : memref<25600x128xf32, #tpu.memory_space<hbm>> -> memref<80x128xf32, #tpu.memory_space<hbm>>
    %dma_start3A_154 = arith.constant 0 : i32
    %dma_start3A_155 = tpu.memref_slice %arg6[%multiple_of3A_151, %dma_start3A_154] : memref<25600x128xf32, #tpu.memory_space<hbm>> -> memref<80x128xf32, #tpu.memory_space<hbm>>
    tpu.enqueue_dma source(%arg10 : memref<80x128xf32, #tpu.memory_space<vmem>>) target(%dma_start3A_155 : memref<80x128xf32, #tpu.memory_space<hbm>>) target_semaphore(%arg12 : memref<!tpu.dma_semaphore, #tpu.memory_space<semaphore_mem>>)
    %dma_wait3A_156 = arith.constant 0 : i32
    %dma_wait3A_157 = tpu.memref_slice %arg6[%multiple_of3A_110, %dma_wait3A_156] : memref<25600x128xf32, #tpu.memory_space<hbm>> -> memref<80x128xf32, #tpu.memory_space<hbm>>
    %dma_wait3A_158 = arith.constant 0 : i32
    %dma_wait3A_159 = tpu.memref_slice %arg6[%multiple_of3A_110, %dma_wait3A_158] : memref<25600x128xf32, #tpu.memory_space<hbm>> -> memref<80x128xf32, #tpu.memory_space<hbm>>
    tpu.wait_dma2 semaphore(%arg11 : memref<!tpu.dma_semaphore, #tpu.memory_space<semaphore_mem>>) src(%arg9 : memref<80x128xf32, #tpu.memory_space<vmem>>) dst(%dma_wait3A_159 : memref<80x128xf32, #tpu.memory_space<hbm>>)
    %dma_start3A_160 = arith.constant 4 : i32
    %dma_start3A_161 = arith.constant 0 : i32
    %dma_start3A_162 = tpu.memref_slice %arg7[%dma_start3A_160, %dma_start3A_161] : memref<10x80xi32, #tpu.memory_space<vmem>> -> memref<1x80xi32, #tpu.memory_space<vmem>>
    %dma_start3A_163 = tpu.memref_squeeze %dma_start3A_162 : memref<1x80xi32, #tpu.memory_space<vmem>> -> memref<80xi32, #tpu.memory_space<vmem>>
    %dma_start3A_164 = arith.constant 0 : i32
    %dma_start3A_165 = arith.constant 0 : i32
    %dma_start3A_166 = tpu.memref_slice %arg4[%dma_start3A_164, %dma_start3A_165] : memref<100000x128xf32, #tpu.memory_space<hbm>> -> memref<100000x128xf32, #tpu.memory_space<hbm>>
    tpu.enqueue_indirect_dma source(%dma_start3A_166 : memref<100000x128xf32, #tpu.memory_space<hbm>>) target(%arg9 : memref<80x128xf32, #tpu.memory_space<vmem>>) offsets(%dma_start3A_163 : memref<80xi32, #tpu.memory_space<vmem>>) semaphore(%arg11 : memref<!tpu.dma_semaphore, #tpu.memory_space<semaphore_mem>>)
    %dma_wait3A_167 = arith.constant 4 : i32
    %dma_wait3A_168 = arith.constant 0 : i32
    %dma_wait3A_169 = tpu.memref_slice %arg7[%dma_wait3A_167, %dma_wait3A_168] : memref<10x80xi32, #tpu.memory_space<vmem>> -> memref<1x80xi32, #tpu.memory_space<vmem>>
    %dma_wait3A_170 = tpu.memref_squeeze %dma_wait3A_169 : memref<1x80xi32, #tpu.memory_space<vmem>> -> memref<80xi32, #tpu.memory_space<vmem>>
    %dma_wait3A_171 = arith.constant 0 : i32
    %dma_wait3A_172 = arith.constant 0 : i32
    %dma_wait3A_173 = tpu.memref_slice %arg4[%dma_wait3A_171, %dma_wait3A_172] : memref<100000x128xf32, #tpu.memory_space<hbm>> -> memref<100000x128xf32, #tpu.memory_space<hbm>>
    tpu.wait_indirect_dma semaphore(%arg11 : memref<!tpu.dma_semaphore, #tpu.memory_space<semaphore_mem>>) src(%dma_wait3A_173 : memref<100000x128xf32, #tpu.memory_space<hbm>>) dst(%arg9 : memref<80x128xf32, #tpu.memory_space<vmem>>)
    %dma_start3A_174 = arith.constant 4 : i32
    %dma_start3A_175 = arith.constant 0 : i32
    %dma_start3A_176 = tpu.memref_slice %arg8[%dma_start3A_174, %dma_start3A_175] : memref<10x80xi32, #tpu.memory_space<vmem>> -> memref<1x80xi32, #tpu.memory_space<vmem>>
    %dma_start3A_177 = tpu.memref_squeeze %dma_start3A_176 : memref<1x80xi32, #tpu.memory_space<vmem>> -> memref<80xi32, #tpu.memory_space<vmem>>
    %dma_start3A_178 = arith.constant 0 : i32
    %dma_start3A_179 = arith.constant 0 : i32
    %dma_start3A_180 = tpu.memref_slice %arg5[%dma_start3A_178, %dma_start3A_179] : memref<100000x128xf32, #tpu.memory_space<hbm>> -> memref<100000x128xf32, #tpu.memory_space<hbm>>
    tpu.enqueue_indirect_dma source(%dma_start3A_180 : memref<100000x128xf32, #tpu.memory_space<hbm>>) target(%arg9 : memref<80x128xf32, #tpu.memory_space<vmem>>) offsets(%dma_start3A_177 : memref<80xi32, #tpu.memory_space<vmem>>) semaphore(%arg11 : memref<!tpu.dma_semaphore, #tpu.memory_space<semaphore_mem>>) {add = true}
    %dma_wait3A_181 = arith.constant 4 : i32
    %dma_wait3A_182 = arith.constant 0 : i32
    %dma_wait3A_183 = tpu.memref_slice %arg8[%dma_wait3A_181, %dma_wait3A_182] : memref<10x80xi32, #tpu.memory_space<vmem>> -> memref<1x80xi32, #tpu.memory_space<vmem>>
    %dma_wait3A_184 = tpu.memref_squeeze %dma_wait3A_183 : memref<1x80xi32, #tpu.memory_space<vmem>> -> memref<80xi32, #tpu.memory_space<vmem>>
    %dma_wait3A_185 = arith.constant 0 : i32
    %dma_wait3A_186 = arith.constant 0 : i32
    %dma_wait3A_187 = tpu.memref_slice %arg5[%dma_wait3A_185, %dma_wait3A_186] : memref<100000x128xf32, #tpu.memory_space<hbm>> -> memref<100000x128xf32, #tpu.memory_space<hbm>>
    tpu.wait_indirect_dma semaphore(%arg11 : memref<!tpu.dma_semaphore, #tpu.memory_space<semaphore_mem>>) src(%dma_wait3A_187 : memref<100000x128xf32, #tpu.memory_space<hbm>>) dst(%arg9 : memref<80x128xf32, #tpu.memory_space<vmem>>)
    %add3A_188 = arith.constant 4 : i32
    %add3A_189 = arith.addi %mul3A_2, %add3A_188 : i32
    %mul3A_190 = arith.constant 80 : i32
    %mul3A_191 = arith.muli %add3A_189, %mul3A_190 : i32
    %multiple_of3A_192 = tpu.assume_multiple %mul3A_191, 80 : i32
    %dma_start3A_193 = arith.constant 0 : i32
    %dma_start3A_194 = tpu.memref_slice %arg6[%multiple_of3A_192, %dma_start3A_193] : memref<25600x128xf32, #tpu.memory_space<hbm>> -> memref<80x128xf32, #tpu.memory_space<hbm>>
    %dma_start3A_195 = arith.constant 0 : i32
    %dma_start3A_196 = tpu.memref_slice %arg6[%multiple_of3A_192, %dma_start3A_195] : memref<25600x128xf32, #tpu.memory_space<hbm>> -> memref<80x128xf32, #tpu.memory_space<hbm>>
    tpu.enqueue_dma source(%arg9 : memref<80x128xf32, #tpu.memory_space<vmem>>) target(%dma_start3A_196 : memref<80x128xf32, #tpu.memory_space<hbm>>) target_semaphore(%arg11 : memref<!tpu.dma_semaphore, #tpu.memory_space<semaphore_mem>>)
    %dma_wait3A_197 = arith.constant 0 : i32
    %dma_wait3A_198 = tpu.memref_slice %arg6[%multiple_of3A_151, %dma_wait3A_197] : memref<25600x128xf32, #tpu.memory_space<hbm>> -> memref<80x128xf32, #tpu.memory_space<hbm>>
    %dma_wait3A_199 = arith.constant 0 : i32
    %dma_wait3A_200 = tpu.memref_slice %arg6[%multiple_of3A_151, %dma_wait3A_199] : memref<25600x128xf32, #tpu.memory_space<hbm>> -> memref<80x128xf32, #tpu.memory_space<hbm>>
    tpu.wait_dma2 semaphore(%arg12 : memref<!tpu.dma_semaphore, #tpu.memory_space<semaphore_mem>>) src(%arg10 : memref<80x128xf32, #tpu.memory_space<vmem>>) dst(%dma_wait3A_200 : memref<80x128xf32, #tpu.memory_space<hbm>>)
    %dma_start3A_201 = arith.constant 5 : i32
    %dma_start3A_202 = arith.constant 0 : i32
    %dma_start3A_203 = tpu.memref_slice %arg7[%dma_start3A_201, %dma_start3A_202] : memref<10x80xi32, #tpu.memory_space<vmem>> -> memref<1x80xi32, #tpu.memory_space<vmem>>
    %dma_start3A_204 = tpu.memref_squeeze %dma_start3A_203 : memref<1x80xi32, #tpu.memory_space<vmem>> -> memref<80xi32, #tpu.memory_space<vmem>>
    %dma_start3A_205 = arith.constant 0 : i32
    %dma_start3A_206 = arith.constant 0 : i32
    %dma_start3A_207 = tpu.memref_slice %arg4[%dma_start3A_205, %dma_start3A_206] : memref<100000x128xf32, #tpu.memory_space<hbm>> -> memref<100000x128xf32, #tpu.memory_space<hbm>>
    tpu.enqueue_indirect_dma source(%dma_start3A_207 : memref<100000x128xf32, #tpu.memory_space<hbm>>) target(%arg10 : memref<80x128xf32, #tpu.memory_space<vmem>>) offsets(%dma_start3A_204 : memref<80xi32, #tpu.memory_space<vmem>>) semaphore(%arg12 : memref<!tpu.dma_semaphore, #tpu.memory_space<semaphore_mem>>)
    %dma_wait3A_208 = arith.constant 5 : i32
    %dma_wait3A_209 = arith.constant 0 : i32
    %dma_wait3A_210 = tpu.memref_slice %arg7[%dma_wait3A_208, %dma_wait3A_209] : memref<10x80xi32, #tpu.memory_space<vmem>> -> memref<1x80xi32, #tpu.memory_space<vmem>>
    %dma_wait3A_211 = tpu.memref_squeeze %dma_wait3A_210 : memref<1x80xi32, #tpu.memory_space<vmem>> -> memref<80xi32, #tpu.memory_space<vmem>>
    %dma_wait3A_212 = arith.constant 0 : i32
    %dma_wait3A_213 = arith.constant 0 : i32
    %dma_wait3A_214 = tpu.memref_slice %arg4[%dma_wait3A_212, %dma_wait3A_213] : memref<100000x128xf32, #tpu.memory_space<hbm>> -> memref<100000x128xf32, #tpu.memory_space<hbm>>
    tpu.wait_indirect_dma semaphore(%arg12 : memref<!tpu.dma_semaphore, #tpu.memory_space<semaphore_mem>>) src(%dma_wait3A_214 : memref<100000x128xf32, #tpu.memory_space<hbm>>) dst(%arg10 : memref<80x128xf32, #tpu.memory_space<vmem>>)
    %dma_start3A_215 = arith.constant 5 : i32
    %dma_start3A_216 = arith.constant 0 : i32
    %dma_start3A_217 = tpu.memref_slice %arg8[%dma_start3A_215, %dma_start3A_216] : memref<10x80xi32, #tpu.memory_space<vmem>> -> memref<1x80xi32, #tpu.memory_space<vmem>>
    %dma_start3A_218 = tpu.memref_squeeze %dma_start3A_217 : memref<1x80xi32, #tpu.memory_space<vmem>> -> memref<80xi32, #tpu.memory_space<vmem>>
    %dma_start3A_219 = arith.constant 0 : i32
    %dma_start3A_220 = arith.constant 0 : i32
    %dma_start3A_221 = tpu.memref_slice %arg5[%dma_start3A_219, %dma_start3A_220] : memref<100000x128xf32, #tpu.memory_space<hbm>> -> memref<100000x128xf32, #tpu.memory_space<hbm>>
    tpu.enqueue_indirect_dma source(%dma_start3A_221 : memref<100000x128xf32, #tpu.memory_space<hbm>>) target(%arg10 : memref<80x128xf32, #tpu.memory_space<vmem>>) offsets(%dma_start3A_218 : memref<80xi32, #tpu.memory_space<vmem>>) semaphore(%arg12 : memref<!tpu.dma_semaphore, #tpu.memory_space<semaphore_mem>>) {add = true}
    %dma_wait3A_222 = arith.constant 5 : i32
    %dma_wait3A_223 = arith.constant 0 : i32
    %dma_wait3A_224 = tpu.memref_slice %arg8[%dma_wait3A_222, %dma_wait3A_223] : memref<10x80xi32, #tpu.memory_space<vmem>> -> memref<1x80xi32, #tpu.memory_space<vmem>>
    %dma_wait3A_225 = tpu.memref_squeeze %dma_wait3A_224 : memref<1x80xi32, #tpu.memory_space<vmem>> -> memref<80xi32, #tpu.memory_space<vmem>>
    %dma_wait3A_226 = arith.constant 0 : i32
    %dma_wait3A_227 = arith.constant 0 : i32
    %dma_wait3A_228 = tpu.memref_slice %arg5[%dma_wait3A_226, %dma_wait3A_227] : memref<100000x128xf32, #tpu.memory_space<hbm>> -> memref<100000x128xf32, #tpu.memory_space<hbm>>
    tpu.wait_indirect_dma semaphore(%arg12 : memref<!tpu.dma_semaphore, #tpu.memory_space<semaphore_mem>>) src(%dma_wait3A_228 : memref<100000x128xf32, #tpu.memory_space<hbm>>) dst(%arg10 : memref<80x128xf32, #tpu.memory_space<vmem>>)
    %add3A_229 = arith.constant 5 : i32
    %add3A_230 = arith.addi %mul3A_2, %add3A_229 : i32
    %mul3A_231 = arith.constant 80 : i32
    %mul3A_232 = arith.muli %add3A_230, %mul3A_231 : i32
    %multiple_of3A_233 = tpu.assume_multiple %mul3A_232, 80 : i32
    %dma_start3A_234 = arith.constant 0 : i32
    %dma_start3A_235 = tpu.memref_slice %arg6[%multiple_of3A_233, %dma_start3A_234] : memref<25600x128xf32, #tpu.memory_space<hbm>> -> memref<80x128xf32, #tpu.memory_space<hbm>>
    %dma_start3A_236 = arith.constant 0 : i32
    %dma_start3A_237 = tpu.memref_slice %arg6[%multiple_of3A_233, %dma_start3A_236] : memref<25600x128xf32, #tpu.memory_space<hbm>> -> memref<80x128xf32, #tpu.memory_space<hbm>>
    tpu.enqueue_dma source(%arg10 : memref<80x128xf32, #tpu.memory_space<vmem>>) target(%dma_start3A_237 : memref<80x128xf32, #tpu.memory_space<hbm>>) target_semaphore(%arg12 : memref<!tpu.dma_semaphore, #tpu.memory_space<semaphore_mem>>)
    %dma_wait3A_238 = arith.constant 0 : i32
    %dma_wait3A_239 = tpu.memref_slice %arg6[%multiple_of3A_192, %dma_wait3A_238] : memref<25600x128xf32, #tpu.memory_space<hbm>> -> memref<80x128xf32, #tpu.memory_space<hbm>>
    %dma_wait3A_240 = arith.constant 0 : i32
    %dma_wait3A_241 = tpu.memref_slice %arg6[%multiple_of3A_192, %dma_wait3A_240] : memref<25600x128xf32, #tpu.memory_space<hbm>> -> memref<80x128xf32, #tpu.memory_space<hbm>>
    tpu.wait_dma2 semaphore(%arg11 : memref<!tpu.dma_semaphore, #tpu.memory_space<semaphore_mem>>) src(%arg9 : memref<80x128xf32, #tpu.memory_space<vmem>>) dst(%dma_wait3A_241 : memref<80x128xf32, #tpu.memory_space<hbm>>)
    %dma_start3A_242 = arith.constant 6 : i32
    %dma_start3A_243 = arith.constant 0 : i32
    %dma_start3A_244 = tpu.memref_slice %arg7[%dma_start3A_242, %dma_start3A_243] : memref<10x80xi32, #tpu.memory_space<vmem>> -> memref<1x80xi32, #tpu.memory_space<vmem>>
    %dma_start3A_245 = tpu.memref_squeeze %dma_start3A_244 : memref<1x80xi32, #tpu.memory_space<vmem>> -> memref<80xi32, #tpu.memory_space<vmem>>
    %dma_start3A_246 = arith.constant 0 : i32
    %dma_start3A_247 = arith.constant 0 : i32
    %dma_start3A_248 = tpu.memref_slice %arg4[%dma_start3A_246, %dma_start3A_247] : memref<100000x128xf32, #tpu.memory_space<hbm>> -> memref<100000x128xf32, #tpu.memory_space<hbm>>
    tpu.enqueue_indirect_dma source(%dma_start3A_248 : memref<100000x128xf32, #tpu.memory_space<hbm>>) target(%arg9 : memref<80x128xf32, #tpu.memory_space<vmem>>) offsets(%dma_start3A_245 : memref<80xi32, #tpu.memory_space<vmem>>) semaphore(%arg11 : memref<!tpu.dma_semaphore, #tpu.memory_space<semaphore_mem>>)
    %dma_wait3A_249 = arith.constant 6 : i32
    %dma_wait3A_250 = arith.constant 0 : i32
    %dma_wait3A_251 = tpu.memref_slice %arg7[%dma_wait3A_249, %dma_wait3A_250] : memref<10x80xi32, #tpu.memory_space<vmem>> -> memref<1x80xi32, #tpu.memory_space<vmem>>
    %dma_wait3A_252 = tpu.memref_squeeze %dma_wait3A_251 : memref<1x80xi32, #tpu.memory_space<vmem>> -> memref<80xi32, #tpu.memory_space<vmem>>
    %dma_wait3A_253 = arith.constant 0 : i32
    %dma_wait3A_254 = arith.constant 0 : i32
    %dma_wait3A_255 = tpu.memref_slice %arg4[%dma_wait3A_253, %dma_wait3A_254] : memref<100000x128xf32, #tpu.memory_space<hbm>> -> memref<100000x128xf32, #tpu.memory_space<hbm>>
    tpu.wait_indirect_dma semaphore(%arg11 : memref<!tpu.dma_semaphore, #tpu.memory_space<semaphore_mem>>) src(%dma_wait3A_255 : memref<100000x128xf32, #tpu.memory_space<hbm>>) dst(%arg9 : memref<80x128xf32, #tpu.memory_space<vmem>>)
    %dma_start3A_256 = arith.constant 6 : i32
    %dma_start3A_257 = arith.constant 0 : i32
    %dma_start3A_258 = tpu.memref_slice %arg8[%dma_start3A_256, %dma_start3A_257] : memref<10x80xi32, #tpu.memory_space<vmem>> -> memref<1x80xi32, #tpu.memory_space<vmem>>
    %dma_start3A_259 = tpu.memref_squeeze %dma_start3A_258 : memref<1x80xi32, #tpu.memory_space<vmem>> -> memref<80xi32, #tpu.memory_space<vmem>>
    %dma_start3A_260 = arith.constant 0 : i32
    %dma_start3A_261 = arith.constant 0 : i32
    %dma_start3A_262 = tpu.memref_slice %arg5[%dma_start3A_260, %dma_start3A_261] : memref<100000x128xf32, #tpu.memory_space<hbm>> -> memref<100000x128xf32, #tpu.memory_space<hbm>>
    tpu.enqueue_indirect_dma source(%dma_start3A_262 : memref<100000x128xf32, #tpu.memory_space<hbm>>) target(%arg9 : memref<80x128xf32, #tpu.memory_space<vmem>>) offsets(%dma_start3A_259 : memref<80xi32, #tpu.memory_space<vmem>>) semaphore(%arg11 : memref<!tpu.dma_semaphore, #tpu.memory_space<semaphore_mem>>) {add = true}
    %dma_wait3A_263 = arith.constant 6 : i32
    %dma_wait3A_264 = arith.constant 0 : i32
    %dma_wait3A_265 = tpu.memref_slice %arg8[%dma_wait3A_263, %dma_wait3A_264] : memref<10x80xi32, #tpu.memory_space<vmem>> -> memref<1x80xi32, #tpu.memory_space<vmem>>
    %dma_wait3A_266 = tpu.memref_squeeze %dma_wait3A_265 : memref<1x80xi32, #tpu.memory_space<vmem>> -> memref<80xi32, #tpu.memory_space<vmem>>
    %dma_wait3A_267 = arith.constant 0 : i32
    %dma_wait3A_268 = arith.constant 0 : i32
    %dma_wait3A_269 = tpu.memref_slice %arg5[%dma_wait3A_267, %dma_wait3A_268] : memref<100000x128xf32, #tpu.memory_space<hbm>> -> memref<100000x128xf32, #tpu.memory_space<hbm>>
    tpu.wait_indirect_dma semaphore(%arg11 : memref<!tpu.dma_semaphore, #tpu.memory_space<semaphore_mem>>) src(%dma_wait3A_269 : memref<100000x128xf32, #tpu.memory_space<hbm>>) dst(%arg9 : memref<80x128xf32, #tpu.memory_space<vmem>>)
    %add3A_270 = arith.constant 6 : i32
    %add3A_271 = arith.addi %mul3A_2, %add3A_270 : i32
    %mul3A_272 = arith.constant 80 : i32
    %mul3A_273 = arith.muli %add3A_271, %mul3A_272 : i32
    %multiple_of3A_274 = tpu.assume_multiple %mul3A_273, 80 : i32
    %dma_start3A_275 = arith.constant 0 : i32
    %dma_start3A_276 = tpu.memref_slice %arg6[%multiple_of3A_274, %dma_start3A_275] : memref<25600x128xf32, #tpu.memory_space<hbm>> -> memref<80x128xf32, #tpu.memory_space<hbm>>
    %dma_start3A_277 = arith.constant 0 : i32
    %dma_start3A_278 = tpu.memref_slice %arg6[%multiple_of3A_274, %dma_start3A_277] : memref<25600x128xf32, #tpu.memory_space<hbm>> -> memref<80x128xf32, #tpu.memory_space<hbm>>
    tpu.enqueue_dma source(%arg9 : memref<80x128xf32, #tpu.memory_space<vmem>>) target(%dma_start3A_278 : memref<80x128xf32, #tpu.memory_space<hbm>>) target_semaphore(%arg11 : memref<!tpu.dma_semaphore, #tpu.memory_space<semaphore_mem>>)
    %dma_wait3A_279 = arith.constant 0 : i32
    %dma_wait3A_280 = tpu.memref_slice %arg6[%multiple_of3A_233, %dma_wait3A_279] : memref<25600x128xf32, #tpu.memory_space<hbm>> -> memref<80x128xf32, #tpu.memory_space<hbm>>
    %dma_wait3A_281 = arith.constant 0 : i32
    %dma_wait3A_282 = tpu.memref_slice %arg6[%multiple_of3A_233, %dma_wait3A_281] : memref<25600x128xf32, #tpu.memory_space<hbm>> -> memref<80x128xf32, #tpu.memory_space<hbm>>
    tpu.wait_dma2 semaphore(%arg12 : memref<!tpu.dma_semaphore, #tpu.memory_space<semaphore_mem>>) src(%arg10 : memref<80x128xf32, #tpu.memory_space<vmem>>) dst(%dma_wait3A_282 : memref<80x128xf32, #tpu.memory_space<hbm>>)
    %dma_start3A_283 = arith.constant 7 : i32
    %dma_start3A_284 = arith.constant 0 : i32
    %dma_start3A_285 = tpu.memref_slice %arg7[%dma_start3A_283, %dma_start3A_284] : memref<10x80xi32, #tpu.memory_space<vmem>> -> memref<1x80xi32, #tpu.memory_space<vmem>>
    %dma_start3A_286 = tpu.memref_squeeze %dma_start3A_285 : memref<1x80xi32, #tpu.memory_space<vmem>> -> memref<80xi32, #tpu.memory_space<vmem>>
    %dma_start3A_287 = arith.constant 0 : i32
    %dma_start3A_288 = arith.constant 0 : i32
    %dma_start3A_289 = tpu.memref_slice %arg4[%dma_start3A_287, %dma_start3A_288] : memref<100000x128xf32, #tpu.memory_space<hbm>> -> memref<100000x128xf32, #tpu.memory_space<hbm>>
    tpu.enqueue_indirect_dma source(%dma_start3A_289 : memref<100000x128xf32, #tpu.memory_space<hbm>>) target(%arg10 : memref<80x128xf32, #tpu.memory_space<vmem>>) offsets(%dma_start3A_286 : memref<80xi32, #tpu.memory_space<vmem>>) semaphore(%arg12 : memref<!tpu.dma_semaphore, #tpu.memory_space<semaphore_mem>>)
    %dma_wait3A_290 = arith.constant 7 : i32
    %dma_wait3A_291 = arith.constant 0 : i32
    %dma_wait3A_292 = tpu.memref_slice %arg7[%dma_wait3A_290, %dma_wait3A_291] : memref<10x80xi32, #tpu.memory_space<vmem>> -> memref<1x80xi32, #tpu.memory_space<vmem>>
    %dma_wait3A_293 = tpu.memref_squeeze %dma_wait3A_292 : memref<1x80xi32, #tpu.memory_space<vmem>> -> memref<80xi32, #tpu.memory_space<vmem>>
    %dma_wait3A_294 = arith.constant 0 : i32
    %dma_wait3A_295 = arith.constant 0 : i32
    %dma_wait3A_296 = tpu.memref_slice %arg4[%dma_wait3A_294, %dma_wait3A_295] : memref<100000x128xf32, #tpu.memory_space<hbm>> -> memref<100000x128xf32, #tpu.memory_space<hbm>>
    tpu.wait_indirect_dma semaphore(%arg12 : memref<!tpu.dma_semaphore, #tpu.memory_space<semaphore_mem>>) src(%dma_wait3A_296 : memref<100000x128xf32, #tpu.memory_space<hbm>>) dst(%arg10 : memref<80x128xf32, #tpu.memory_space<vmem>>)
    %dma_start3A_297 = arith.constant 7 : i32
    %dma_start3A_298 = arith.constant 0 : i32
    %dma_start3A_299 = tpu.memref_slice %arg8[%dma_start3A_297, %dma_start3A_298] : memref<10x80xi32, #tpu.memory_space<vmem>> -> memref<1x80xi32, #tpu.memory_space<vmem>>
    %dma_start3A_300 = tpu.memref_squeeze %dma_start3A_299 : memref<1x80xi32, #tpu.memory_space<vmem>> -> memref<80xi32, #tpu.memory_space<vmem>>
    %dma_start3A_301 = arith.constant 0 : i32
    %dma_start3A_302 = arith.constant 0 : i32
    %dma_start3A_303 = tpu.memref_slice %arg5[%dma_start3A_301, %dma_start3A_302] : memref<100000x128xf32, #tpu.memory_space<hbm>> -> memref<100000x128xf32, #tpu.memory_space<hbm>>
    tpu.enqueue_indirect_dma source(%dma_start3A_303 : memref<100000x128xf32, #tpu.memory_space<hbm>>) target(%arg10 : memref<80x128xf32, #tpu.memory_space<vmem>>) offsets(%dma_start3A_300 : memref<80xi32, #tpu.memory_space<vmem>>) semaphore(%arg12 : memref<!tpu.dma_semaphore, #tpu.memory_space<semaphore_mem>>) {add = true}
    %dma_wait3A_304 = arith.constant 7 : i32
    %dma_wait3A_305 = arith.constant 0 : i32
    %dma_wait3A_306 = tpu.memref_slice %arg8[%dma_wait3A_304, %dma_wait3A_305] : memref<10x80xi32, #tpu.memory_space<vmem>> -> memref<1x80xi32, #tpu.memory_space<vmem>>
    %dma_wait3A_307 = tpu.memref_squeeze %dma_wait3A_306 : memref<1x80xi32, #tpu.memory_space<vmem>> -> memref<80xi32, #tpu.memory_space<vmem>>
    %dma_wait3A_308 = arith.constant 0 : i32
    %dma_wait3A_309 = arith.constant 0 : i32
    %dma_wait3A_310 = tpu.memref_slice %arg5[%dma_wait3A_308, %dma_wait3A_309] : memref<100000x128xf32, #tpu.memory_space<hbm>> -> memref<100000x128xf32, #tpu.memory_space<hbm>>
    tpu.wait_indirect_dma semaphore(%arg12 : memref<!tpu.dma_semaphore, #tpu.memory_space<semaphore_mem>>) src(%dma_wait3A_310 : memref<100000x128xf32, #tpu.memory_space<hbm>>) dst(%arg10 : memref<80x128xf32, #tpu.memory_space<vmem>>)
    %add3A_311 = arith.constant 7 : i32
    %add3A_312 = arith.addi %mul3A_2, %add3A_311 : i32
    %mul3A_313 = arith.constant 80 : i32
    %mul3A_314 = arith.muli %add3A_312, %mul3A_313 : i32
    %multiple_of3A_315 = tpu.assume_multiple %mul3A_314, 80 : i32
    %dma_start3A_316 = arith.constant 0 : i32
    %dma_start3A_317 = tpu.memref_slice %arg6[%multiple_of3A_315, %dma_start3A_316] : memref<25600x128xf32, #tpu.memory_space<hbm>> -> memref<80x128xf32, #tpu.memory_space<hbm>>
    %dma_start3A_318 = arith.constant 0 : i32
    %dma_start3A_319 = tpu.memref_slice %arg6[%multiple_of3A_315, %dma_start3A_318] : memref<25600x128xf32, #tpu.memory_space<hbm>> -> memref<80x128xf32, #tpu.memory_space<hbm>>
    tpu.enqueue_dma source(%arg10 : memref<80x128xf32, #tpu.memory_space<vmem>>) target(%dma_start3A_319 : memref<80x128xf32, #tpu.memory_space<hbm>>) target_semaphore(%arg12 : memref<!tpu.dma_semaphore, #tpu.memory_space<semaphore_mem>>)
    %dma_wait3A_320 = arith.constant 0 : i32
    %dma_wait3A_321 = tpu.memref_slice %arg6[%multiple_of3A_274, %dma_wait3A_320] : memref<25600x128xf32, #tpu.memory_space<hbm>> -> memref<80x128xf32, #tpu.memory_space<hbm>>
    %dma_wait3A_322 = arith.constant 0 : i32
    %dma_wait3A_323 = tpu.memref_slice %arg6[%multiple_of3A_274, %dma_wait3A_322] : memref<25600x128xf32, #tpu.memory_space<hbm>> -> memref<80x128xf32, #tpu.memory_space<hbm>>
    tpu.wait_dma2 semaphore(%arg11 : memref<!tpu.dma_semaphore, #tpu.memory_space<semaphore_mem>>) src(%arg9 : memref<80x128xf32, #tpu.memory_space<vmem>>) dst(%dma_wait3A_323 : memref<80x128xf32, #tpu.memory_space<hbm>>)
    %dma_start3A_324 = arith.constant 8 : i32
    %dma_start3A_325 = arith.constant 0 : i32
    %dma_start3A_326 = tpu.memref_slice %arg7[%dma_start3A_324, %dma_start3A_325] : memref<10x80xi32, #tpu.memory_space<vmem>> -> memref<1x80xi32, #tpu.memory_space<vmem>>
    %dma_start3A_327 = tpu.memref_squeeze %dma_start3A_326 : memref<1x80xi32, #tpu.memory_space<vmem>> -> memref<80xi32, #tpu.memory_space<vmem>>
    %dma_start3A_328 = arith.constant 0 : i32
    %dma_start3A_329 = arith.constant 0 : i32
    %dma_start3A_330 = tpu.memref_slice %arg4[%dma_start3A_328, %dma_start3A_329] : memref<100000x128xf32, #tpu.memory_space<hbm>> -> memref<100000x128xf32, #tpu.memory_space<hbm>>
    tpu.enqueue_indirect_dma source(%dma_start3A_330 : memref<100000x128xf32, #tpu.memory_space<hbm>>) target(%arg9 : memref<80x128xf32, #tpu.memory_space<vmem>>) offsets(%dma_start3A_327 : memref<80xi32, #tpu.memory_space<vmem>>) semaphore(%arg11 : memref<!tpu.dma_semaphore, #tpu.memory_space<semaphore_mem>>)
    %dma_wait3A_331 = arith.constant 8 : i32
    %dma_wait3A_332 = arith.constant 0 : i32
    %dma_wait3A_333 = tpu.memref_slice %arg7[%dma_wait3A_331, %dma_wait3A_332] : memref<10x80xi32, #tpu.memory_space<vmem>> -> memref<1x80xi32, #tpu.memory_space<vmem>>
    %dma_wait3A_334 = tpu.memref_squeeze %dma_wait3A_333 : memref<1x80xi32, #tpu.memory_space<vmem>> -> memref<80xi32, #tpu.memory_space<vmem>>
    %dma_wait3A_335 = arith.constant 0 : i32
    %dma_wait3A_336 = arith.constant 0 : i32
    %dma_wait3A_337 = tpu.memref_slice %arg4[%dma_wait3A_335, %dma_wait3A_336] : memref<100000x128xf32, #tpu.memory_space<hbm>> -> memref<100000x128xf32, #tpu.memory_space<hbm>>
    tpu.wait_indirect_dma semaphore(%arg11 : memref<!tpu.dma_semaphore, #tpu.memory_space<semaphore_mem>>) src(%dma_wait3A_337 : memref<100000x128xf32, #tpu.memory_space<hbm>>) dst(%arg9 : memref<80x128xf32, #tpu.memory_space<vmem>>)
    %dma_start3A_338 = arith.constant 8 : i32
    %dma_start3A_339 = arith.constant 0 : i32
    %dma_start3A_340 = tpu.memref_slice %arg8[%dma_start3A_338, %dma_start3A_339] : memref<10x80xi32, #tpu.memory_space<vmem>> -> memref<1x80xi32, #tpu.memory_space<vmem>>
    %dma_start3A_341 = tpu.memref_squeeze %dma_start3A_340 : memref<1x80xi32, #tpu.memory_space<vmem>> -> memref<80xi32, #tpu.memory_space<vmem>>
    %dma_start3A_342 = arith.constant 0 : i32
    %dma_start3A_343 = arith.constant 0 : i32
    %dma_start3A_344 = tpu.memref_slice %arg5[%dma_start3A_342, %dma_start3A_343] : memref<100000x128xf32, #tpu.memory_space<hbm>> -> memref<100000x128xf32, #tpu.memory_space<hbm>>
    tpu.enqueue_indirect_dma source(%dma_start3A_344 : memref<100000x128xf32, #tpu.memory_space<hbm>>) target(%arg9 : memref<80x128xf32, #tpu.memory_space<vmem>>) offsets(%dma_start3A_341 : memref<80xi32, #tpu.memory_space<vmem>>) semaphore(%arg11 : memref<!tpu.dma_semaphore, #tpu.memory_space<semaphore_mem>>) {add = true}
    %dma_wait3A_345 = arith.constant 8 : i32
    %dma_wait3A_346 = arith.constant 0 : i32
    %dma_wait3A_347 = tpu.memref_slice %arg8[%dma_wait3A_345, %dma_wait3A_346] : memref<10x80xi32, #tpu.memory_space<vmem>> -> memref<1x80xi32, #tpu.memory_space<vmem>>
    %dma_wait3A_348 = tpu.memref_squeeze %dma_wait3A_347 : memref<1x80xi32, #tpu.memory_space<vmem>> -> memref<80xi32, #tpu.memory_space<vmem>>
    %dma_wait3A_349 = arith.constant 0 : i32
    %dma_wait3A_350 = arith.constant 0 : i32
    %dma_wait3A_351 = tpu.memref_slice %arg5[%dma_wait3A_349, %dma_wait3A_350] : memref<100000x128xf32, #tpu.memory_space<hbm>> -> memref<100000x128xf32, #tpu.memory_space<hbm>>
    tpu.wait_indirect_dma semaphore(%arg11 : memref<!tpu.dma_semaphore, #tpu.memory_space<semaphore_mem>>) src(%dma_wait3A_351 : memref<100000x128xf32, #tpu.memory_space<hbm>>) dst(%arg9 : memref<80x128xf32, #tpu.memory_space<vmem>>)
    %add3A_352 = arith.constant 8 : i32
    %add3A_353 = arith.addi %mul3A_2, %add3A_352 : i32
    %mul3A_354 = arith.constant 80 : i32
    %mul3A_355 = arith.muli %add3A_353, %mul3A_354 : i32
    %multiple_of3A_356 = tpu.assume_multiple %mul3A_355, 80 : i32
    %dma_start3A_357 = arith.constant 0 : i32
    %dma_start3A_358 = tpu.memref_slice %arg6[%multiple_of3A_356, %dma_start3A_357] : memref<25600x128xf32, #tpu.memory_space<hbm>> -> memref<80x128xf32, #tpu.memory_space<hbm>>
    %dma_start3A_359 = arith.constant 0 : i32
    %dma_start3A_360 = tpu.memref_slice %arg6[%multiple_of3A_356, %dma_start3A_359] : memref<25600x128xf32, #tpu.memory_space<hbm>> -> memref<80x128xf32, #tpu.memory_space<hbm>>
    tpu.enqueue_dma source(%arg9 : memref<80x128xf32, #tpu.memory_space<vmem>>) target(%dma_start3A_360 : memref<80x128xf32, #tpu.memory_space<hbm>>) target_semaphore(%arg11 : memref<!tpu.dma_semaphore, #tpu.memory_space<semaphore_mem>>)
    %dma_wait3A_361 = arith.constant 0 : i32
    %dma_wait3A_362 = tpu.memref_slice %arg6[%multiple_of3A_315, %dma_wait3A_361] : memref<25600x128xf32, #tpu.memory_space<hbm>> -> memref<80x128xf32, #tpu.memory_space<hbm>>
    %dma_wait3A_363 = arith.constant 0 : i32
    %dma_wait3A_364 = tpu.memref_slice %arg6[%multiple_of3A_315, %dma_wait3A_363] : memref<25600x128xf32, #tpu.memory_space<hbm>> -> memref<80x128xf32, #tpu.memory_space<hbm>>
    tpu.wait_dma2 semaphore(%arg12 : memref<!tpu.dma_semaphore, #tpu.memory_space<semaphore_mem>>) src(%arg10 : memref<80x128xf32, #tpu.memory_space<vmem>>) dst(%dma_wait3A_364 : memref<80x128xf32, #tpu.memory_space<hbm>>)
    %dma_start3A_365 = arith.constant 9 : i32
    %dma_start3A_366 = arith.constant 0 : i32
    %dma_start3A_367 = tpu.memref_slice %arg7[%dma_start3A_365, %dma_start3A_366] : memref<10x80xi32, #tpu.memory_space<vmem>> -> memref<1x80xi32, #tpu.memory_space<vmem>>
    %dma_start3A_368 = tpu.memref_squeeze %dma_start3A_367 : memref<1x80xi32, #tpu.memory_space<vmem>> -> memref<80xi32, #tpu.memory_space<vmem>>
    %dma_start3A_369 = arith.constant 0 : i32
    %dma_start3A_370 = arith.constant 0 : i32
    %dma_start3A_371 = tpu.memref_slice %arg4[%dma_start3A_369, %dma_start3A_370] : memref<100000x128xf32, #tpu.memory_space<hbm>> -> memref<100000x128xf32, #tpu.memory_space<hbm>>
    tpu.enqueue_indirect_dma source(%dma_start3A_371 : memref<100000x128xf32, #tpu.memory_space<hbm>>) target(%arg10 : memref<80x128xf32, #tpu.memory_space<vmem>>) offsets(%dma_start3A_368 : memref<80xi32, #tpu.memory_space<vmem>>) semaphore(%arg12 : memref<!tpu.dma_semaphore, #tpu.memory_space<semaphore_mem>>)
    %dma_wait3A_372 = arith.constant 9 : i32
    %dma_wait3A_373 = arith.constant 0 : i32
    %dma_wait3A_374 = tpu.memref_slice %arg7[%dma_wait3A_372, %dma_wait3A_373] : memref<10x80xi32, #tpu.memory_space<vmem>> -> memref<1x80xi32, #tpu.memory_space<vmem>>
    %dma_wait3A_375 = tpu.memref_squeeze %dma_wait3A_374 : memref<1x80xi32, #tpu.memory_space<vmem>> -> memref<80xi32, #tpu.memory_space<vmem>>
    %dma_wait3A_376 = arith.constant 0 : i32
    %dma_wait3A_377 = arith.constant 0 : i32
    %dma_wait3A_378 = tpu.memref_slice %arg4[%dma_wait3A_376, %dma_wait3A_377] : memref<100000x128xf32, #tpu.memory_space<hbm>> -> memref<100000x128xf32, #tpu.memory_space<hbm>>
    tpu.wait_indirect_dma semaphore(%arg12 : memref<!tpu.dma_semaphore, #tpu.memory_space<semaphore_mem>>) src(%dma_wait3A_378 : memref<100000x128xf32, #tpu.memory_space<hbm>>) dst(%arg10 : memref<80x128xf32, #tpu.memory_space<vmem>>)
    %dma_start3A_379 = arith.constant 9 : i32
    %dma_start3A_380 = arith.constant 0 : i32
    %dma_start3A_381 = tpu.memref_slice %arg8[%dma_start3A_379, %dma_start3A_380] : memref<10x80xi32, #tpu.memory_space<vmem>> -> memref<1x80xi32, #tpu.memory_space<vmem>>
    %dma_start3A_382 = tpu.memref_squeeze %dma_start3A_381 : memref<1x80xi32, #tpu.memory_space<vmem>> -> memref<80xi32, #tpu.memory_space<vmem>>
    %dma_start3A_383 = arith.constant 0 : i32
    %dma_start3A_384 = arith.constant 0 : i32
    %dma_start3A_385 = tpu.memref_slice %arg5[%dma_start3A_383, %dma_start3A_384] : memref<100000x128xf32, #tpu.memory_space<hbm>> -> memref<100000x128xf32, #tpu.memory_space<hbm>>
    tpu.enqueue_indirect_dma source(%dma_start3A_385 : memref<100000x128xf32, #tpu.memory_space<hbm>>) target(%arg10 : memref<80x128xf32, #tpu.memory_space<vmem>>) offsets(%dma_start3A_382 : memref<80xi32, #tpu.memory_space<vmem>>) semaphore(%arg12 : memref<!tpu.dma_semaphore, #tpu.memory_space<semaphore_mem>>) {add = true}
    %dma_wait3A_386 = arith.constant 9 : i32
    %dma_wait3A_387 = arith.constant 0 : i32
    %dma_wait3A_388 = tpu.memref_slice %arg8[%dma_wait3A_386, %dma_wait3A_387] : memref<10x80xi32, #tpu.memory_space<vmem>> -> memref<1x80xi32, #tpu.memory_space<vmem>>
    %dma_wait3A_389 = tpu.memref_squeeze %dma_wait3A_388 : memref<1x80xi32, #tpu.memory_space<vmem>> -> memref<80xi32, #tpu.memory_space<vmem>>
    %dma_wait3A_390 = arith.constant 0 : i32
    %dma_wait3A_391 = arith.constant 0 : i32
    %dma_wait3A_392 = tpu.memref_slice %arg5[%dma_wait3A_390, %dma_wait3A_391] : memref<100000x128xf32, #tpu.memory_space<hbm>> -> memref<100000x128xf32, #tpu.memory_space<hbm>>
    tpu.wait_indirect_dma semaphore(%arg12 : memref<!tpu.dma_semaphore, #tpu.memory_space<semaphore_mem>>) src(%dma_wait3A_392 : memref<100000x128xf32, #tpu.memory_space<hbm>>) dst(%arg10 : memref<80x128xf32, #tpu.memory_space<vmem>>)
    %add3A_393 = arith.constant 9 : i32
    %add3A_394 = arith.addi %mul3A_2, %add3A_393 : i32
    %mul3A_395 = arith.constant 80 : i32
    %mul3A_396 = arith.muli %add3A_394, %mul3A_395 : i32
    %multiple_of3A_397 = tpu.assume_multiple %mul3A_396, 80 : i32
    %dma_start3A_398 = arith.constant 0 : i32
    %dma_start3A_399 = tpu.memref_slice %arg6[%multiple_of3A_397, %dma_start3A_398] : memref<25600x128xf32, #tpu.memory_space<hbm>> -> memref<80x128xf32, #tpu.memory_space<hbm>>
    %dma_start3A_400 = arith.constant 0 : i32
    %dma_start3A_401 = tpu.memref_slice %arg6[%multiple_of3A_397, %dma_start3A_400] : memref<25600x128xf32, #tpu.memory_space<hbm>> -> memref<80x128xf32, #tpu.memory_space<hbm>>
    tpu.enqueue_dma source(%arg10 : memref<80x128xf32, #tpu.memory_space<vmem>>) target(%dma_start3A_401 : memref<80x128xf32, #tpu.memory_space<hbm>>) target_semaphore(%arg12 : memref<!tpu.dma_semaphore, #tpu.memory_space<semaphore_mem>>)
    %dma_wait3A_402 = arith.constant 0 : i32
    %dma_wait3A_403 = tpu.memref_slice %arg6[%multiple_of3A_356, %dma_wait3A_402] : memref<25600x128xf32, #tpu.memory_space<hbm>> -> memref<80x128xf32, #tpu.memory_space<hbm>>
    %dma_wait3A_404 = arith.constant 0 : i32
    %dma_wait3A_405 = tpu.memref_slice %arg6[%multiple_of3A_356, %dma_wait3A_404] : memref<25600x128xf32, #tpu.memory_space<hbm>> -> memref<80x128xf32, #tpu.memory_space<hbm>>
    tpu.wait_dma2 semaphore(%arg11 : memref<!tpu.dma_semaphore, #tpu.memory_space<semaphore_mem>>) src(%arg9 : memref<80x128xf32, #tpu.memory_space<vmem>>) dst(%dma_wait3A_405 : memref<80x128xf32, #tpu.memory_space<hbm>>)
    %dma_wait3A_406 = arith.constant 0 : i32
    %dma_wait3A_407 = tpu.memref_slice %arg6[%multiple_of3A_397, %dma_wait3A_406] : memref<25600x128xf32, #tpu.memory_space<hbm>> -> memref<80x128xf32, #tpu.memory_space<hbm>>
    %dma_wait3A_408 = arith.constant 0 : i32
    %dma_wait3A_409 = tpu.memref_slice %arg6[%multiple_of3A_397, %dma_wait3A_408] : memref<25600x128xf32, #tpu.memory_space<hbm>> -> memref<80x128xf32, #tpu.memory_space<hbm>>
    tpu.wait_dma2 semaphore(%arg12 : memref<!tpu.dma_semaphore, #tpu.memory_space<semaphore_mem>>) src(%arg10 : memref<80x128xf32, #tpu.memory_space<vmem>>) dst(%dma_wait3A_409 : memref<80x128xf32, #tpu.memory_space<hbm>>)
    return
  }
}

module attributes {stable_mosaic.version = 14 : i64} {
  func.func @_tc_body(%arg0: i32, %arg1: memref<8x50x128xf32, #tpu.memory_space<vmem>>, %arg2: memref<200x200xf32, #tpu.memory_space<vmem>>, %arg3: memref<8x400xf32, #tpu.memory_space<vmem>>, %arg4: memref<256x128xf32, #tpu.memory_space<vmem>>, %arg5: memref<256xf32, #tpu.memory_space<vmem>>, %arg6: memref<768x256xf32, #tpu.memory_space<vmem>>, %arg7: memref<768xf32, #tpu.memory_space<vmem>>, %arg8: memref<256x256xf32, #tpu.memory_space<vmem>>, %arg9: memref<256xf32, #tpu.memory_space<vmem>>, %arg10: memref<256xf32, #tpu.memory_space<vmem>>, %arg11: memref<256xf32, #tpu.memory_space<vmem>>, %arg12: memref<1024x256xf32, #tpu.memory_space<vmem>>, %arg13: memref<1024xf32, #tpu.memory_space<vmem>>, %arg14: memref<256x1024xf32, #tpu.memory_space<vmem>>, %arg15: memref<256xf32, #tpu.memory_space<vmem>>, %arg16: memref<256xf32, #tpu.memory_space<vmem>>, %arg17: memref<256xf32, #tpu.memory_space<vmem>>, %arg18: memref<768x256xf32, #tpu.memory_space<vmem>>, %arg19: memref<768xf32, #tpu.memory_space<vmem>>, %arg20: memref<256x256xf32, #tpu.memory_space<vmem>>, %arg21: memref<256xf32, #tpu.memory_space<vmem>>, %arg22: memref<256xf32, #tpu.memory_space<vmem>>, %arg23: memref<256xf32, #tpu.memory_space<vmem>>, %arg24: memref<1024x256xf32, #tpu.memory_space<vmem>>, %arg25: memref<1024xf32, #tpu.memory_space<vmem>>, %arg26: memref<256x1024xf32, #tpu.memory_space<vmem>>, %arg27: memref<256xf32, #tpu.memory_space<vmem>>, %arg28: memref<256xf32, #tpu.memory_space<vmem>>, %arg29: memref<256xf32, #tpu.memory_space<vmem>>, %arg30: memref<128x256xf32, #tpu.memory_space<vmem>>, %arg31: memref<128xf32, #tpu.memory_space<vmem>>, %arg32: memref<256x128xf32, #tpu.memory_space<vmem>>, %arg33: memref<256xf32, #tpu.memory_space<vmem>>, %arg34: memref<1x256xf32, #tpu.memory_space<vmem>>, %arg35: memref<1xf32, #tpu.memory_space<vmem>>, %arg36: memref<8x1xf32, #tpu.memory_space<vmem>>) attributes {dimension_semantics = [#tpu.dimension_semantics<parallel>], iteration_bounds = array<i64: 64>, scalar_prefetch = 0 : i64, scratch_operands = 0 : i64, tpu.core_type = #tpu.core_type<tc>, window_params = [{transform_indices = @transform_0, window_bounds = array<i64: 8, 50, 128>}, {pipeline_mode = #tpu.pipeline_mode<synchronous>, transform_indices = @transform_1, window_bounds = array<i64: 200, 200>}, {pipeline_mode = #tpu.pipeline_mode<synchronous>, transform_indices = @transform_2, window_bounds = array<i64: 8, 400>}, {pipeline_mode = #tpu.pipeline_mode<synchronous>, transform_indices = @transform_3, window_bounds = array<i64: 256, 128>}, {pipeline_mode = #tpu.pipeline_mode<synchronous>, transform_indices = @transform_4, window_bounds = array<i64: 256>}, {pipeline_mode = #tpu.pipeline_mode<synchronous>, transform_indices = @transform_5, window_bounds = array<i64: 768, 256>}, {pipeline_mode = #tpu.pipeline_mode<synchronous>, transform_indices = @transform_6, window_bounds = array<i64: 768>}, {pipeline_mode = #tpu.pipeline_mode<synchronous>, transform_indices = @transform_7, window_bounds = array<i64: 256, 256>}, {pipeline_mode = #tpu.pipeline_mode<synchronous>, transform_indices = @transform_8, window_bounds = array<i64: 256>}, {pipeline_mode = #tpu.pipeline_mode<synchronous>, transform_indices = @transform_9, window_bounds = array<i64: 256>}, {pipeline_mode = #tpu.pipeline_mode<synchronous>, transform_indices = @transform_10, window_bounds = array<i64: 256>}, {pipeline_mode = #tpu.pipeline_mode<synchronous>, transform_indices = @transform_11, window_bounds = array<i64: 1024, 256>}, {pipeline_mode = #tpu.pipeline_mode<synchronous>, transform_indices = @transform_12, window_bounds = array<i64: 1024>}, {pipeline_mode = #tpu.pipeline_mode<synchronous>, transform_indices = @transform_13, window_bounds = array<i64: 256, 1024>}, {pipeline_mode = #tpu.pipeline_mode<synchronous>, transform_indices = @transform_14, window_bounds = array<i64: 256>}, {pipeline_mode = #tpu.pipeline_mode<synchronous>, transform_indices = @transform_15, window_bounds = array<i64: 256>}, {pipeline_mode = #tpu.pipeline_mode<synchronous>, transform_indices = @transform_16, window_bounds = array<i64: 256>}, {pipeline_mode = #tpu.pipeline_mode<synchronous>, transform_indices = @transform_17, window_bounds = array<i64: 768, 256>}, {pipeline_mode = #tpu.pipeline_mode<synchronous>, transform_indices = @transform_18, window_bounds = array<i64: 768>}, {pipeline_mode = #tpu.pipeline_mode<synchronous>, transform_indices = @transform_19, window_bounds = array<i64: 256, 256>}, {pipeline_mode = #tpu.pipeline_mode<synchronous>, transform_indices = @transform_20, window_bounds = array<i64: 256>}, {pipeline_mode = #tpu.pipeline_mode<synchronous>, transform_indices = @transform_21, window_bounds = array<i64: 256>}, {pipeline_mode = #tpu.pipeline_mode<synchronous>, transform_indices = @transform_22, window_bounds = array<i64: 256>}, {pipeline_mode = #tpu.pipeline_mode<synchronous>, transform_indices = @transform_23, window_bounds = array<i64: 1024, 256>}, {pipeline_mode = #tpu.pipeline_mode<synchronous>, transform_indices = @transform_24, window_bounds = array<i64: 1024>}, {pipeline_mode = #tpu.pipeline_mode<synchronous>, transform_indices = @transform_25, window_bounds = array<i64: 256, 1024>}, {pipeline_mode = #tpu.pipeline_mode<synchronous>, transform_indices = @transform_26, window_bounds = array<i64: 256>}, {pipeline_mode = #tpu.pipeline_mode<synchronous>, transform_indices = @transform_27, window_bounds = array<i64: 256>}, {pipeline_mode = #tpu.pipeline_mode<synchronous>, transform_indices = @transform_28, window_bounds = array<i64: 256>}, {pipeline_mode = #tpu.pipeline_mode<synchronous>, transform_indices = @transform_29, window_bounds = array<i64: 128, 256>}, {pipeline_mode = #tpu.pipeline_mode<synchronous>, transform_indices = @transform_30, window_bounds = array<i64: 128>}, {pipeline_mode = #tpu.pipeline_mode<synchronous>, transform_indices = @transform_31, window_bounds = array<i64: 256, 128>}, {pipeline_mode = #tpu.pipeline_mode<synchronous>, transform_indices = @transform_32, window_bounds = array<i64: 256>}, {pipeline_mode = #tpu.pipeline_mode<synchronous>, transform_indices = @transform_33, window_bounds = array<i64: 1, 256>}, {pipeline_mode = #tpu.pipeline_mode<synchronous>, transform_indices = @transform_34, window_bounds = array<i64: 1>}, {transform_indices = @transform_35, window_bounds = array<i64: 8, 1>}]} {
    %get3A = arith.constant 0 : index
    %get3A_0 = arith.constant 0 : index
    %get3A_1 = arith.constant 0 : index
    %get3A_2 = vector.load %arg1[%get3A, %get3A_0, %get3A_1] : memref<8x50x128xf32, #tpu.memory_space<vmem>>, vector<8x50x128xf32>
    %reshape3A = vector.shape_cast %get3A_2 : vector<8x50x128xf32> to vector<400x128xf32>
    %get3A_3 = arith.constant 0 : index
    %get3A_4 = arith.constant 0 : index
    %get3A_5 = vector.load %arg4[%get3A_3, %get3A_4] : memref<256x128xf32, #tpu.memory_space<vmem>>, vector<256x128xf32>
    %dot_general3A = arith.constant dense<0.000000e+00> : vector<400x256xf32>
    %dot_general3A_6 = tpu.matmul %reshape3A, %get3A_5, %dot_general3A {dimension_numbers = #tpu.dot_dimension_numbers<[1], [1], [0], [0], [0, 0, 1, 0], [], []>, transpose_lhs_hint = false} : vector<400x128xf32>, vector<256x128xf32>, vector<400x256xf32> -> vector<400x256xf32>
    %get3A_7 = arith.constant 0 : index
    %get3A_8 = vector.load %arg5[%get3A_7] : memref<256xf32, #tpu.memory_space<vmem>>, vector<256xf32>
    %broadcast_in_dim3A = vector.shape_cast %get3A_8 : vector<256xf32> to vector<1x256xf32>
    %add3A = vector.broadcast %broadcast_in_dim3A : vector<1x256xf32> to vector<400x256xf32>
    %add3A_9 = arith.addf %dot_general3A_6, %add3A : vector<400x256xf32>
    %get3A_10 = arith.constant 0 : index
    %get3A_11 = arith.constant 0 : index
    %get3A_12 = vector.load %arg2[%get3A_10, %get3A_11] : memref<200x200xf32, #tpu.memory_space<vmem>>, vector<200x200xf32>
    %get3A_13 = arith.constant 0 : index
    %get3A_14 = arith.constant 0 : index
    %get3A_15 = vector.load %arg6[%get3A_13, %get3A_14] : memref<768x256xf32, #tpu.memory_space<vmem>>, vector<768x256xf32>
    %dot_general3A_16 = arith.constant dense<0.000000e+00> : vector<400x768xf32>
    %dot_general3A_17 = tpu.matmul %add3A_9, %get3A_15, %dot_general3A_16 {dimension_numbers = #tpu.dot_dimension_numbers<[1], [1], [0], [0], [0, 0, 1, 0], [], []>, transpose_lhs_hint = false} : vector<400x256xf32>, vector<768x256xf32>, vector<400x768xf32> -> vector<400x768xf32>
    %get3A_18 = arith.constant 0 : index
    %get3A_19 = vector.load %arg7[%get3A_18] : memref<768xf32, #tpu.memory_space<vmem>>, vector<768xf32>
    %broadcast_in_dim3A_20 = vector.shape_cast %get3A_19 : vector<768xf32> to vector<1x768xf32>
    %add3A_21 = vector.broadcast %broadcast_in_dim3A_20 : vector<1x768xf32> to vector<400x768xf32>
    %add3A_22 = arith.addf %dot_general3A_17, %add3A_21 : vector<400x768xf32>
    %slice3A = vector.extract_strided_slice %add3A_22 {offsets = [0, 0], sizes = [200, 32], strides = [1, 1]} : vector<400x768xf32> to vector<200x32xf32>
    %slice3A_23 = vector.extract_strided_slice %add3A_22 {offsets = [0, 256], sizes = [200, 32], strides = [1, 1]} : vector<400x768xf32> to vector<200x32xf32>
    %slice3A_24 = vector.extract_strided_slice %add3A_22 {offsets = [0, 512], sizes = [200, 32], strides = [1, 1]} : vector<400x768xf32> to vector<200x32xf32>
    %dot_general3A_25 = arith.constant dense<0.000000e+00> : vector<200x200xf32>
    %dot_general3A_26 = tpu.matmul %slice3A, %slice3A_23, %dot_general3A_25 {dimension_numbers = #tpu.dot_dimension_numbers<[1], [1], [0], [0], [0, 0, 1, 0], [], []>, transpose_lhs_hint = false} : vector<200x32xf32>, vector<200x32xf32>, vector<200x200xf32> -> vector<200x200xf32>
    %exp3A = math.exp %dot_general3A_26 : vector<200x200xf32>
    %mul3A = arith.mulf %exp3A, %get3A_12 : vector<200x200xf32>
    %dot_general3A_27 = arith.constant dense<0.000000e+00> : vector<200x32xf32>
    %dot_general3A_28 = tpu.matmul %mul3A, %slice3A_24, %dot_general3A_27 {dimension_numbers = #tpu.dot_dimension_numbers<[1], [0], [0], [1], [0, 0, 1, 1], [], []>, transpose_lhs_hint = false} : vector<200x200xf32>, vector<200x32xf32>, vector<200x32xf32> -> vector<200x32xf32>
    %reduce_sum3A = arith.constant dense<0.000000e+00> : vector<200xf32>
    %reduce_sum3A_29 = vector.multi_reduction <add>, %mul3A, %reduce_sum3A [1] : vector<200x200xf32> to vector<200xf32>
    %broadcast_in_dim3A_30 = vector.shape_cast %reduce_sum3A_29 : vector<200xf32> to vector<200x1xf32>
    %div3A = vector.broadcast %broadcast_in_dim3A_30 : vector<200x1xf32> to vector<200x32xf32>
    %div3A_31 = arith.divf %dot_general3A_28, %div3A : vector<200x32xf32>
    %slice3A_32 = vector.extract_strided_slice %add3A_22 {offsets = [200, 0], sizes = [200, 32], strides = [1, 1]} : vector<400x768xf32> to vector<200x32xf32>
    %slice3A_33 = vector.extract_strided_slice %add3A_22 {offsets = [200, 256], sizes = [200, 32], strides = [1, 1]} : vector<400x768xf32> to vector<200x32xf32>
    %slice3A_34 = vector.extract_strided_slice %add3A_22 {offsets = [200, 512], sizes = [200, 32], strides = [1, 1]} : vector<400x768xf32> to vector<200x32xf32>
    %dot_general3A_35 = arith.constant dense<0.000000e+00> : vector<200x200xf32>
    %dot_general3A_36 = tpu.matmul %slice3A_32, %slice3A_33, %dot_general3A_35 {dimension_numbers = #tpu.dot_dimension_numbers<[1], [1], [0], [0], [0, 0, 1, 0], [], []>, transpose_lhs_hint = false} : vector<200x32xf32>, vector<200x32xf32>, vector<200x200xf32> -> vector<200x200xf32>
    %exp3A_37 = math.exp %dot_general3A_36 : vector<200x200xf32>
    %mul3A_38 = arith.mulf %exp3A_37, %get3A_12 : vector<200x200xf32>
    %dot_general3A_39 = arith.constant dense<0.000000e+00> : vector<200x32xf32>
    %dot_general3A_40 = tpu.matmul %mul3A_38, %slice3A_34, %dot_general3A_39 {dimension_numbers = #tpu.dot_dimension_numbers<[1], [0], [0], [1], [0, 0, 1, 1], [], []>, transpose_lhs_hint = false} : vector<200x200xf32>, vector<200x32xf32>, vector<200x32xf32> -> vector<200x32xf32>
    %reduce_sum3A_41 = arith.constant dense<0.000000e+00> : vector<200xf32>
    %reduce_sum3A_42 = vector.multi_reduction <add>, %mul3A_38, %reduce_sum3A_41 [1] : vector<200x200xf32> to vector<200xf32>
    %broadcast_in_dim3A_43 = vector.shape_cast %reduce_sum3A_42 : vector<200xf32> to vector<200x1xf32>
    %div3A_44 = vector.broadcast %broadcast_in_dim3A_43 : vector<200x1xf32> to vector<200x32xf32>
    %div3A_45 = arith.divf %dot_general3A_40, %div3A_44 : vector<200x32xf32>
    %concatenate3A = tpu.concatenate %div3A_31, %div3A_45 in 0 : vector<200x32xf32>, vector<200x32xf32> -> vector<400x32xf32>
    %slice3A_46 = vector.extract_strided_slice %add3A_22 {offsets = [0, 32], sizes = [200, 32], strides = [1, 1]} : vector<400x768xf32> to vector<200x32xf32>
    %slice3A_47 = vector.extract_strided_slice %add3A_22 {offsets = [0, 288], sizes = [200, 32], strides = [1, 1]} : vector<400x768xf32> to vector<200x32xf32>
    %slice3A_48 = vector.extract_strided_slice %add3A_22 {offsets = [0, 544], sizes = [200, 32], strides = [1, 1]} : vector<400x768xf32> to vector<200x32xf32>
    %dot_general3A_49 = arith.constant dense<0.000000e+00> : vector<200x200xf32>
    %dot_general3A_50 = tpu.matmul %slice3A_46, %slice3A_47, %dot_general3A_49 {dimension_numbers = #tpu.dot_dimension_numbers<[1], [1], [0], [0], [0, 0, 1, 0], [], []>, transpose_lhs_hint = false} : vector<200x32xf32>, vector<200x32xf32>, vector<200x200xf32> -> vector<200x200xf32>
    %exp3A_51 = math.exp %dot_general3A_50 : vector<200x200xf32>
    %mul3A_52 = arith.mulf %exp3A_51, %get3A_12 : vector<200x200xf32>
    %dot_general3A_53 = arith.constant dense<0.000000e+00> : vector<200x32xf32>
    %dot_general3A_54 = tpu.matmul %mul3A_52, %slice3A_48, %dot_general3A_53 {dimension_numbers = #tpu.dot_dimension_numbers<[1], [0], [0], [1], [0, 0, 1, 1], [], []>, transpose_lhs_hint = false} : vector<200x200xf32>, vector<200x32xf32>, vector<200x32xf32> -> vector<200x32xf32>
    %reduce_sum3A_55 = arith.constant dense<0.000000e+00> : vector<200xf32>
    %reduce_sum3A_56 = vector.multi_reduction <add>, %mul3A_52, %reduce_sum3A_55 [1] : vector<200x200xf32> to vector<200xf32>
    %broadcast_in_dim3A_57 = vector.shape_cast %reduce_sum3A_56 : vector<200xf32> to vector<200x1xf32>
    %div3A_58 = vector.broadcast %broadcast_in_dim3A_57 : vector<200x1xf32> to vector<200x32xf32>
    %div3A_59 = arith.divf %dot_general3A_54, %div3A_58 : vector<200x32xf32>
    %slice3A_60 = vector.extract_strided_slice %add3A_22 {offsets = [200, 32], sizes = [200, 32], strides = [1, 1]} : vector<400x768xf32> to vector<200x32xf32>
    %slice3A_61 = vector.extract_strided_slice %add3A_22 {offsets = [200, 288], sizes = [200, 32], strides = [1, 1]} : vector<400x768xf32> to vector<200x32xf32>
    %slice3A_62 = vector.extract_strided_slice %add3A_22 {offsets = [200, 544], sizes = [200, 32], strides = [1, 1]} : vector<400x768xf32> to vector<200x32xf32>
    %dot_general3A_63 = arith.constant dense<0.000000e+00> : vector<200x200xf32>
    %dot_general3A_64 = tpu.matmul %slice3A_60, %slice3A_61, %dot_general3A_63 {dimension_numbers = #tpu.dot_dimension_numbers<[1], [1], [0], [0], [0, 0, 1, 0], [], []>, transpose_lhs_hint = false} : vector<200x32xf32>, vector<200x32xf32>, vector<200x200xf32> -> vector<200x200xf32>
    %exp3A_65 = math.exp %dot_general3A_64 : vector<200x200xf32>
    %mul3A_66 = arith.mulf %exp3A_65, %get3A_12 : vector<200x200xf32>
    %dot_general3A_67 = arith.constant dense<0.000000e+00> : vector<200x32xf32>
    %dot_general3A_68 = tpu.matmul %mul3A_66, %slice3A_62, %dot_general3A_67 {dimension_numbers = #tpu.dot_dimension_numbers<[1], [0], [0], [1], [0, 0, 1, 1], [], []>, transpose_lhs_hint = false} : vector<200x200xf32>, vector<200x32xf32>, vector<200x32xf32> -> vector<200x32xf32>
    %reduce_sum3A_69 = arith.constant dense<0.000000e+00> : vector<200xf32>
    %reduce_sum3A_70 = vector.multi_reduction <add>, %mul3A_66, %reduce_sum3A_69 [1] : vector<200x200xf32> to vector<200xf32>
    %broadcast_in_dim3A_71 = vector.shape_cast %reduce_sum3A_70 : vector<200xf32> to vector<200x1xf32>
    %div3A_72 = vector.broadcast %broadcast_in_dim3A_71 : vector<200x1xf32> to vector<200x32xf32>
    %div3A_73 = arith.divf %dot_general3A_68, %div3A_72 : vector<200x32xf32>
    %concatenate3A_74 = tpu.concatenate %div3A_59, %div3A_73 in 0 : vector<200x32xf32>, vector<200x32xf32> -> vector<400x32xf32>
    %slice3A_75 = vector.extract_strided_slice %add3A_22 {offsets = [0, 64], sizes = [200, 32], strides = [1, 1]} : vector<400x768xf32> to vector<200x32xf32>
    %slice3A_76 = vector.extract_strided_slice %add3A_22 {offsets = [0, 320], sizes = [200, 32], strides = [1, 1]} : vector<400x768xf32> to vector<200x32xf32>
    %slice3A_77 = vector.extract_strided_slice %add3A_22 {offsets = [0, 576], sizes = [200, 32], strides = [1, 1]} : vector<400x768xf32> to vector<200x32xf32>
    %dot_general3A_78 = arith.constant dense<0.000000e+00> : vector<200x200xf32>
    %dot_general3A_79 = tpu.matmul %slice3A_75, %slice3A_76, %dot_general3A_78 {dimension_numbers = #tpu.dot_dimension_numbers<[1], [1], [0], [0], [0, 0, 1, 0], [], []>, transpose_lhs_hint = false} : vector<200x32xf32>, vector<200x32xf32>, vector<200x200xf32> -> vector<200x200xf32>
    %exp3A_80 = math.exp %dot_general3A_79 : vector<200x200xf32>
    %mul3A_81 = arith.mulf %exp3A_80, %get3A_12 : vector<200x200xf32>
    %dot_general3A_82 = arith.constant dense<0.000000e+00> : vector<200x32xf32>
    %dot_general3A_83 = tpu.matmul %mul3A_81, %slice3A_77, %dot_general3A_82 {dimension_numbers = #tpu.dot_dimension_numbers<[1], [0], [0], [1], [0, 0, 1, 1], [], []>, transpose_lhs_hint = false} : vector<200x200xf32>, vector<200x32xf32>, vector<200x32xf32> -> vector<200x32xf32>
    %reduce_sum3A_84 = arith.constant dense<0.000000e+00> : vector<200xf32>
    %reduce_sum3A_85 = vector.multi_reduction <add>, %mul3A_81, %reduce_sum3A_84 [1] : vector<200x200xf32> to vector<200xf32>
    %broadcast_in_dim3A_86 = vector.shape_cast %reduce_sum3A_85 : vector<200xf32> to vector<200x1xf32>
    %div3A_87 = vector.broadcast %broadcast_in_dim3A_86 : vector<200x1xf32> to vector<200x32xf32>
    %div3A_88 = arith.divf %dot_general3A_83, %div3A_87 : vector<200x32xf32>
    %slice3A_89 = vector.extract_strided_slice %add3A_22 {offsets = [200, 64], sizes = [200, 32], strides = [1, 1]} : vector<400x768xf32> to vector<200x32xf32>
    %slice3A_90 = vector.extract_strided_slice %add3A_22 {offsets = [200, 320], sizes = [200, 32], strides = [1, 1]} : vector<400x768xf32> to vector<200x32xf32>
    %slice3A_91 = vector.extract_strided_slice %add3A_22 {offsets = [200, 576], sizes = [200, 32], strides = [1, 1]} : vector<400x768xf32> to vector<200x32xf32>
    %dot_general3A_92 = arith.constant dense<0.000000e+00> : vector<200x200xf32>
    %dot_general3A_93 = tpu.matmul %slice3A_89, %slice3A_90, %dot_general3A_92 {dimension_numbers = #tpu.dot_dimension_numbers<[1], [1], [0], [0], [0, 0, 1, 0], [], []>, transpose_lhs_hint = false} : vector<200x32xf32>, vector<200x32xf32>, vector<200x200xf32> -> vector<200x200xf32>
    %exp3A_94 = math.exp %dot_general3A_93 : vector<200x200xf32>
    %mul3A_95 = arith.mulf %exp3A_94, %get3A_12 : vector<200x200xf32>
    %dot_general3A_96 = arith.constant dense<0.000000e+00> : vector<200x32xf32>
    %dot_general3A_97 = tpu.matmul %mul3A_95, %slice3A_91, %dot_general3A_96 {dimension_numbers = #tpu.dot_dimension_numbers<[1], [0], [0], [1], [0, 0, 1, 1], [], []>, transpose_lhs_hint = false} : vector<200x200xf32>, vector<200x32xf32>, vector<200x32xf32> -> vector<200x32xf32>
    %reduce_sum3A_98 = arith.constant dense<0.000000e+00> : vector<200xf32>
    %reduce_sum3A_99 = vector.multi_reduction <add>, %mul3A_95, %reduce_sum3A_98 [1] : vector<200x200xf32> to vector<200xf32>
    %broadcast_in_dim3A_100 = vector.shape_cast %reduce_sum3A_99 : vector<200xf32> to vector<200x1xf32>
    %div3A_101 = vector.broadcast %broadcast_in_dim3A_100 : vector<200x1xf32> to vector<200x32xf32>
    %div3A_102 = arith.divf %dot_general3A_97, %div3A_101 : vector<200x32xf32>
    %concatenate3A_103 = tpu.concatenate %div3A_88, %div3A_102 in 0 : vector<200x32xf32>, vector<200x32xf32> -> vector<400x32xf32>
    %slice3A_104 = vector.extract_strided_slice %add3A_22 {offsets = [0, 96], sizes = [200, 32], strides = [1, 1]} : vector<400x768xf32> to vector<200x32xf32>
    %slice3A_105 = vector.extract_strided_slice %add3A_22 {offsets = [0, 352], sizes = [200, 32], strides = [1, 1]} : vector<400x768xf32> to vector<200x32xf32>
    %slice3A_106 = vector.extract_strided_slice %add3A_22 {offsets = [0, 608], sizes = [200, 32], strides = [1, 1]} : vector<400x768xf32> to vector<200x32xf32>
    %dot_general3A_107 = arith.constant dense<0.000000e+00> : vector<200x200xf32>
    %dot_general3A_108 = tpu.matmul %slice3A_104, %slice3A_105, %dot_general3A_107 {dimension_numbers = #tpu.dot_dimension_numbers<[1], [1], [0], [0], [0, 0, 1, 0], [], []>, transpose_lhs_hint = false} : vector<200x32xf32>, vector<200x32xf32>, vector<200x200xf32> -> vector<200x200xf32>
    %exp3A_109 = math.exp %dot_general3A_108 : vector<200x200xf32>
    %mul3A_110 = arith.mulf %exp3A_109, %get3A_12 : vector<200x200xf32>
    %dot_general3A_111 = arith.constant dense<0.000000e+00> : vector<200x32xf32>
    %dot_general3A_112 = tpu.matmul %mul3A_110, %slice3A_106, %dot_general3A_111 {dimension_numbers = #tpu.dot_dimension_numbers<[1], [0], [0], [1], [0, 0, 1, 1], [], []>, transpose_lhs_hint = false} : vector<200x200xf32>, vector<200x32xf32>, vector<200x32xf32> -> vector<200x32xf32>
    %reduce_sum3A_113 = arith.constant dense<0.000000e+00> : vector<200xf32>
    %reduce_sum3A_114 = vector.multi_reduction <add>, %mul3A_110, %reduce_sum3A_113 [1] : vector<200x200xf32> to vector<200xf32>
    %broadcast_in_dim3A_115 = vector.shape_cast %reduce_sum3A_114 : vector<200xf32> to vector<200x1xf32>
    %div3A_116 = vector.broadcast %broadcast_in_dim3A_115 : vector<200x1xf32> to vector<200x32xf32>
    %div3A_117 = arith.divf %dot_general3A_112, %div3A_116 : vector<200x32xf32>
    %slice3A_118 = vector.extract_strided_slice %add3A_22 {offsets = [200, 96], sizes = [200, 32], strides = [1, 1]} : vector<400x768xf32> to vector<200x32xf32>
    %slice3A_119 = vector.extract_strided_slice %add3A_22 {offsets = [200, 352], sizes = [200, 32], strides = [1, 1]} : vector<400x768xf32> to vector<200x32xf32>
    %slice3A_120 = vector.extract_strided_slice %add3A_22 {offsets = [200, 608], sizes = [200, 32], strides = [1, 1]} : vector<400x768xf32> to vector<200x32xf32>
    %dot_general3A_121 = arith.constant dense<0.000000e+00> : vector<200x200xf32>
    %dot_general3A_122 = tpu.matmul %slice3A_118, %slice3A_119, %dot_general3A_121 {dimension_numbers = #tpu.dot_dimension_numbers<[1], [1], [0], [0], [0, 0, 1, 0], [], []>, transpose_lhs_hint = false} : vector<200x32xf32>, vector<200x32xf32>, vector<200x200xf32> -> vector<200x200xf32>
    %exp3A_123 = math.exp %dot_general3A_122 : vector<200x200xf32>
    %mul3A_124 = arith.mulf %exp3A_123, %get3A_12 : vector<200x200xf32>
    %dot_general3A_125 = arith.constant dense<0.000000e+00> : vector<200x32xf32>
    %dot_general3A_126 = tpu.matmul %mul3A_124, %slice3A_120, %dot_general3A_125 {dimension_numbers = #tpu.dot_dimension_numbers<[1], [0], [0], [1], [0, 0, 1, 1], [], []>, transpose_lhs_hint = false} : vector<200x200xf32>, vector<200x32xf32>, vector<200x32xf32> -> vector<200x32xf32>
    %reduce_sum3A_127 = arith.constant dense<0.000000e+00> : vector<200xf32>
    %reduce_sum3A_128 = vector.multi_reduction <add>, %mul3A_124, %reduce_sum3A_127 [1] : vector<200x200xf32> to vector<200xf32>
    %broadcast_in_dim3A_129 = vector.shape_cast %reduce_sum3A_128 : vector<200xf32> to vector<200x1xf32>
    %div3A_130 = vector.broadcast %broadcast_in_dim3A_129 : vector<200x1xf32> to vector<200x32xf32>
    %div3A_131 = arith.divf %dot_general3A_126, %div3A_130 : vector<200x32xf32>
    %concatenate3A_132 = tpu.concatenate %div3A_117, %div3A_131 in 0 : vector<200x32xf32>, vector<200x32xf32> -> vector<400x32xf32>
    %slice3A_133 = vector.extract_strided_slice %add3A_22 {offsets = [0, 128], sizes = [200, 32], strides = [1, 1]} : vector<400x768xf32> to vector<200x32xf32>
    %slice3A_134 = vector.extract_strided_slice %add3A_22 {offsets = [0, 384], sizes = [200, 32], strides = [1, 1]} : vector<400x768xf32> to vector<200x32xf32>
    %slice3A_135 = vector.extract_strided_slice %add3A_22 {offsets = [0, 640], sizes = [200, 32], strides = [1, 1]} : vector<400x768xf32> to vector<200x32xf32>
    %dot_general3A_136 = arith.constant dense<0.000000e+00> : vector<200x200xf32>
    %dot_general3A_137 = tpu.matmul %slice3A_133, %slice3A_134, %dot_general3A_136 {dimension_numbers = #tpu.dot_dimension_numbers<[1], [1], [0], [0], [0, 0, 1, 0], [], []>, transpose_lhs_hint = false} : vector<200x32xf32>, vector<200x32xf32>, vector<200x200xf32> -> vector<200x200xf32>
    %exp3A_138 = math.exp %dot_general3A_137 : vector<200x200xf32>
    %mul3A_139 = arith.mulf %exp3A_138, %get3A_12 : vector<200x200xf32>
    %dot_general3A_140 = arith.constant dense<0.000000e+00> : vector<200x32xf32>
    %dot_general3A_141 = tpu.matmul %mul3A_139, %slice3A_135, %dot_general3A_140 {dimension_numbers = #tpu.dot_dimension_numbers<[1], [0], [0], [1], [0, 0, 1, 1], [], []>, transpose_lhs_hint = false} : vector<200x200xf32>, vector<200x32xf32>, vector<200x32xf32> -> vector<200x32xf32>
    %reduce_sum3A_142 = arith.constant dense<0.000000e+00> : vector<200xf32>
    %reduce_sum3A_143 = vector.multi_reduction <add>, %mul3A_139, %reduce_sum3A_142 [1] : vector<200x200xf32> to vector<200xf32>
    %broadcast_in_dim3A_144 = vector.shape_cast %reduce_sum3A_143 : vector<200xf32> to vector<200x1xf32>
    %div3A_145 = vector.broadcast %broadcast_in_dim3A_144 : vector<200x1xf32> to vector<200x32xf32>
    %div3A_146 = arith.divf %dot_general3A_141, %div3A_145 : vector<200x32xf32>
    %slice3A_147 = vector.extract_strided_slice %add3A_22 {offsets = [200, 128], sizes = [200, 32], strides = [1, 1]} : vector<400x768xf32> to vector<200x32xf32>
    %slice3A_148 = vector.extract_strided_slice %add3A_22 {offsets = [200, 384], sizes = [200, 32], strides = [1, 1]} : vector<400x768xf32> to vector<200x32xf32>
    %slice3A_149 = vector.extract_strided_slice %add3A_22 {offsets = [200, 640], sizes = [200, 32], strides = [1, 1]} : vector<400x768xf32> to vector<200x32xf32>
    %dot_general3A_150 = arith.constant dense<0.000000e+00> : vector<200x200xf32>
    %dot_general3A_151 = tpu.matmul %slice3A_147, %slice3A_148, %dot_general3A_150 {dimension_numbers = #tpu.dot_dimension_numbers<[1], [1], [0], [0], [0, 0, 1, 0], [], []>, transpose_lhs_hint = false} : vector<200x32xf32>, vector<200x32xf32>, vector<200x200xf32> -> vector<200x200xf32>
    %exp3A_152 = math.exp %dot_general3A_151 : vector<200x200xf32>
    %mul3A_153 = arith.mulf %exp3A_152, %get3A_12 : vector<200x200xf32>
    %dot_general3A_154 = arith.constant dense<0.000000e+00> : vector<200x32xf32>
    %dot_general3A_155 = tpu.matmul %mul3A_153, %slice3A_149, %dot_general3A_154 {dimension_numbers = #tpu.dot_dimension_numbers<[1], [0], [0], [1], [0, 0, 1, 1], [], []>, transpose_lhs_hint = false} : vector<200x200xf32>, vector<200x32xf32>, vector<200x32xf32> -> vector<200x32xf32>
    %reduce_sum3A_156 = arith.constant dense<0.000000e+00> : vector<200xf32>
    %reduce_sum3A_157 = vector.multi_reduction <add>, %mul3A_153, %reduce_sum3A_156 [1] : vector<200x200xf32> to vector<200xf32>
    %broadcast_in_dim3A_158 = vector.shape_cast %reduce_sum3A_157 : vector<200xf32> to vector<200x1xf32>
    %div3A_159 = vector.broadcast %broadcast_in_dim3A_158 : vector<200x1xf32> to vector<200x32xf32>
    %div3A_160 = arith.divf %dot_general3A_155, %div3A_159 : vector<200x32xf32>
    %concatenate3A_161 = tpu.concatenate %div3A_146, %div3A_160 in 0 : vector<200x32xf32>, vector<200x32xf32> -> vector<400x32xf32>
    %slice3A_162 = vector.extract_strided_slice %add3A_22 {offsets = [0, 160], sizes = [200, 32], strides = [1, 1]} : vector<400x768xf32> to vector<200x32xf32>
    %slice3A_163 = vector.extract_strided_slice %add3A_22 {offsets = [0, 416], sizes = [200, 32], strides = [1, 1]} : vector<400x768xf32> to vector<200x32xf32>
    %slice3A_164 = vector.extract_strided_slice %add3A_22 {offsets = [0, 672], sizes = [200, 32], strides = [1, 1]} : vector<400x768xf32> to vector<200x32xf32>
    %dot_general3A_165 = arith.constant dense<0.000000e+00> : vector<200x200xf32>
    %dot_general3A_166 = tpu.matmul %slice3A_162, %slice3A_163, %dot_general3A_165 {dimension_numbers = #tpu.dot_dimension_numbers<[1], [1], [0], [0], [0, 0, 1, 0], [], []>, transpose_lhs_hint = false} : vector<200x32xf32>, vector<200x32xf32>, vector<200x200xf32> -> vector<200x200xf32>
    %exp3A_167 = math.exp %dot_general3A_166 : vector<200x200xf32>
    %mul3A_168 = arith.mulf %exp3A_167, %get3A_12 : vector<200x200xf32>
    %dot_general3A_169 = arith.constant dense<0.000000e+00> : vector<200x32xf32>
    %dot_general3A_170 = tpu.matmul %mul3A_168, %slice3A_164, %dot_general3A_169 {dimension_numbers = #tpu.dot_dimension_numbers<[1], [0], [0], [1], [0, 0, 1, 1], [], []>, transpose_lhs_hint = false} : vector<200x200xf32>, vector<200x32xf32>, vector<200x32xf32> -> vector<200x32xf32>
    %reduce_sum3A_171 = arith.constant dense<0.000000e+00> : vector<200xf32>
    %reduce_sum3A_172 = vector.multi_reduction <add>, %mul3A_168, %reduce_sum3A_171 [1] : vector<200x200xf32> to vector<200xf32>
    %broadcast_in_dim3A_173 = vector.shape_cast %reduce_sum3A_172 : vector<200xf32> to vector<200x1xf32>
    %div3A_174 = vector.broadcast %broadcast_in_dim3A_173 : vector<200x1xf32> to vector<200x32xf32>
    %div3A_175 = arith.divf %dot_general3A_170, %div3A_174 : vector<200x32xf32>
    %slice3A_176 = vector.extract_strided_slice %add3A_22 {offsets = [200, 160], sizes = [200, 32], strides = [1, 1]} : vector<400x768xf32> to vector<200x32xf32>
    %slice3A_177 = vector.extract_strided_slice %add3A_22 {offsets = [200, 416], sizes = [200, 32], strides = [1, 1]} : vector<400x768xf32> to vector<200x32xf32>
    %slice3A_178 = vector.extract_strided_slice %add3A_22 {offsets = [200, 672], sizes = [200, 32], strides = [1, 1]} : vector<400x768xf32> to vector<200x32xf32>
    %dot_general3A_179 = arith.constant dense<0.000000e+00> : vector<200x200xf32>
    %dot_general3A_180 = tpu.matmul %slice3A_176, %slice3A_177, %dot_general3A_179 {dimension_numbers = #tpu.dot_dimension_numbers<[1], [1], [0], [0], [0, 0, 1, 0], [], []>, transpose_lhs_hint = false} : vector<200x32xf32>, vector<200x32xf32>, vector<200x200xf32> -> vector<200x200xf32>
    %exp3A_181 = math.exp %dot_general3A_180 : vector<200x200xf32>
    %mul3A_182 = arith.mulf %exp3A_181, %get3A_12 : vector<200x200xf32>
    %dot_general3A_183 = arith.constant dense<0.000000e+00> : vector<200x32xf32>
    %dot_general3A_184 = tpu.matmul %mul3A_182, %slice3A_178, %dot_general3A_183 {dimension_numbers = #tpu.dot_dimension_numbers<[1], [0], [0], [1], [0, 0, 1, 1], [], []>, transpose_lhs_hint = false} : vector<200x200xf32>, vector<200x32xf32>, vector<200x32xf32> -> vector<200x32xf32>
    %reduce_sum3A_185 = arith.constant dense<0.000000e+00> : vector<200xf32>
    %reduce_sum3A_186 = vector.multi_reduction <add>, %mul3A_182, %reduce_sum3A_185 [1] : vector<200x200xf32> to vector<200xf32>
    %broadcast_in_dim3A_187 = vector.shape_cast %reduce_sum3A_186 : vector<200xf32> to vector<200x1xf32>
    %div3A_188 = vector.broadcast %broadcast_in_dim3A_187 : vector<200x1xf32> to vector<200x32xf32>
    %div3A_189 = arith.divf %dot_general3A_184, %div3A_188 : vector<200x32xf32>
    %concatenate3A_190 = tpu.concatenate %div3A_175, %div3A_189 in 0 : vector<200x32xf32>, vector<200x32xf32> -> vector<400x32xf32>
    %slice3A_191 = vector.extract_strided_slice %add3A_22 {offsets = [0, 192], sizes = [200, 32], strides = [1, 1]} : vector<400x768xf32> to vector<200x32xf32>
    %slice3A_192 = vector.extract_strided_slice %add3A_22 {offsets = [0, 448], sizes = [200, 32], strides = [1, 1]} : vector<400x768xf32> to vector<200x32xf32>
    %slice3A_193 = vector.extract_strided_slice %add3A_22 {offsets = [0, 704], sizes = [200, 32], strides = [1, 1]} : vector<400x768xf32> to vector<200x32xf32>
    %dot_general3A_194 = arith.constant dense<0.000000e+00> : vector<200x200xf32>
    %dot_general3A_195 = tpu.matmul %slice3A_191, %slice3A_192, %dot_general3A_194 {dimension_numbers = #tpu.dot_dimension_numbers<[1], [1], [0], [0], [0, 0, 1, 0], [], []>, transpose_lhs_hint = false} : vector<200x32xf32>, vector<200x32xf32>, vector<200x200xf32> -> vector<200x200xf32>
    %exp3A_196 = math.exp %dot_general3A_195 : vector<200x200xf32>
    %mul3A_197 = arith.mulf %exp3A_196, %get3A_12 : vector<200x200xf32>
    %dot_general3A_198 = arith.constant dense<0.000000e+00> : vector<200x32xf32>
    %dot_general3A_199 = tpu.matmul %mul3A_197, %slice3A_193, %dot_general3A_198 {dimension_numbers = #tpu.dot_dimension_numbers<[1], [0], [0], [1], [0, 0, 1, 1], [], []>, transpose_lhs_hint = false} : vector<200x200xf32>, vector<200x32xf32>, vector<200x32xf32> -> vector<200x32xf32>
    %reduce_sum3A_200 = arith.constant dense<0.000000e+00> : vector<200xf32>
    %reduce_sum3A_201 = vector.multi_reduction <add>, %mul3A_197, %reduce_sum3A_200 [1] : vector<200x200xf32> to vector<200xf32>
    %broadcast_in_dim3A_202 = vector.shape_cast %reduce_sum3A_201 : vector<200xf32> to vector<200x1xf32>
    %div3A_203 = vector.broadcast %broadcast_in_dim3A_202 : vector<200x1xf32> to vector<200x32xf32>
    %div3A_204 = arith.divf %dot_general3A_199, %div3A_203 : vector<200x32xf32>
    %slice3A_205 = vector.extract_strided_slice %add3A_22 {offsets = [200, 192], sizes = [200, 32], strides = [1, 1]} : vector<400x768xf32> to vector<200x32xf32>
    %slice3A_206 = vector.extract_strided_slice %add3A_22 {offsets = [200, 448], sizes = [200, 32], strides = [1, 1]} : vector<400x768xf32> to vector<200x32xf32>
    %slice3A_207 = vector.extract_strided_slice %add3A_22 {offsets = [200, 704], sizes = [200, 32], strides = [1, 1]} : vector<400x768xf32> to vector<200x32xf32>
    %dot_general3A_208 = arith.constant dense<0.000000e+00> : vector<200x200xf32>
    %dot_general3A_209 = tpu.matmul %slice3A_205, %slice3A_206, %dot_general3A_208 {dimension_numbers = #tpu.dot_dimension_numbers<[1], [1], [0], [0], [0, 0, 1, 0], [], []>, transpose_lhs_hint = false} : vector<200x32xf32>, vector<200x32xf32>, vector<200x200xf32> -> vector<200x200xf32>
    %exp3A_210 = math.exp %dot_general3A_209 : vector<200x200xf32>
    %mul3A_211 = arith.mulf %exp3A_210, %get3A_12 : vector<200x200xf32>
    %dot_general3A_212 = arith.constant dense<0.000000e+00> : vector<200x32xf32>
    %dot_general3A_213 = tpu.matmul %mul3A_211, %slice3A_207, %dot_general3A_212 {dimension_numbers = #tpu.dot_dimension_numbers<[1], [0], [0], [1], [0, 0, 1, 1], [], []>, transpose_lhs_hint = false} : vector<200x200xf32>, vector<200x32xf32>, vector<200x32xf32> -> vector<200x32xf32>
    %reduce_sum3A_214 = arith.constant dense<0.000000e+00> : vector<200xf32>
    %reduce_sum3A_215 = vector.multi_reduction <add>, %mul3A_211, %reduce_sum3A_214 [1] : vector<200x200xf32> to vector<200xf32>
    %broadcast_in_dim3A_216 = vector.shape_cast %reduce_sum3A_215 : vector<200xf32> to vector<200x1xf32>
    %div3A_217 = vector.broadcast %broadcast_in_dim3A_216 : vector<200x1xf32> to vector<200x32xf32>
    %div3A_218 = arith.divf %dot_general3A_213, %div3A_217 : vector<200x32xf32>
    %concatenate3A_219 = tpu.concatenate %div3A_204, %div3A_218 in 0 : vector<200x32xf32>, vector<200x32xf32> -> vector<400x32xf32>
    %slice3A_220 = vector.extract_strided_slice %add3A_22 {offsets = [0, 224], sizes = [200, 32], strides = [1, 1]} : vector<400x768xf32> to vector<200x32xf32>
    %slice3A_221 = vector.extract_strided_slice %add3A_22 {offsets = [0, 480], sizes = [200, 32], strides = [1, 1]} : vector<400x768xf32> to vector<200x32xf32>
    %slice3A_222 = vector.extract_strided_slice %add3A_22 {offsets = [0, 736], sizes = [200, 32], strides = [1, 1]} : vector<400x768xf32> to vector<200x32xf32>
    %dot_general3A_223 = arith.constant dense<0.000000e+00> : vector<200x200xf32>
    %dot_general3A_224 = tpu.matmul %slice3A_220, %slice3A_221, %dot_general3A_223 {dimension_numbers = #tpu.dot_dimension_numbers<[1], [1], [0], [0], [0, 0, 1, 0], [], []>, transpose_lhs_hint = false} : vector<200x32xf32>, vector<200x32xf32>, vector<200x200xf32> -> vector<200x200xf32>
    %exp3A_225 = math.exp %dot_general3A_224 : vector<200x200xf32>
    %mul3A_226 = arith.mulf %exp3A_225, %get3A_12 : vector<200x200xf32>
    %dot_general3A_227 = arith.constant dense<0.000000e+00> : vector<200x32xf32>
    %dot_general3A_228 = tpu.matmul %mul3A_226, %slice3A_222, %dot_general3A_227 {dimension_numbers = #tpu.dot_dimension_numbers<[1], [0], [0], [1], [0, 0, 1, 1], [], []>, transpose_lhs_hint = false} : vector<200x200xf32>, vector<200x32xf32>, vector<200x32xf32> -> vector<200x32xf32>
    %reduce_sum3A_229 = arith.constant dense<0.000000e+00> : vector<200xf32>
    %reduce_sum3A_230 = vector.multi_reduction <add>, %mul3A_226, %reduce_sum3A_229 [1] : vector<200x200xf32> to vector<200xf32>
    %broadcast_in_dim3A_231 = vector.shape_cast %reduce_sum3A_230 : vector<200xf32> to vector<200x1xf32>
    %div3A_232 = vector.broadcast %broadcast_in_dim3A_231 : vector<200x1xf32> to vector<200x32xf32>
    %div3A_233 = arith.divf %dot_general3A_228, %div3A_232 : vector<200x32xf32>
    %slice3A_234 = vector.extract_strided_slice %add3A_22 {offsets = [200, 224], sizes = [200, 32], strides = [1, 1]} : vector<400x768xf32> to vector<200x32xf32>
    %slice3A_235 = vector.extract_strided_slice %add3A_22 {offsets = [200, 480], sizes = [200, 32], strides = [1, 1]} : vector<400x768xf32> to vector<200x32xf32>
    %slice3A_236 = vector.extract_strided_slice %add3A_22 {offsets = [200, 736], sizes = [200, 32], strides = [1, 1]} : vector<400x768xf32> to vector<200x32xf32>
    %dot_general3A_237 = arith.constant dense<0.000000e+00> : vector<200x200xf32>
    %dot_general3A_238 = tpu.matmul %slice3A_234, %slice3A_235, %dot_general3A_237 {dimension_numbers = #tpu.dot_dimension_numbers<[1], [1], [0], [0], [0, 0, 1, 0], [], []>, transpose_lhs_hint = false} : vector<200x32xf32>, vector<200x32xf32>, vector<200x200xf32> -> vector<200x200xf32>
    %exp3A_239 = math.exp %dot_general3A_238 : vector<200x200xf32>
    %mul3A_240 = arith.mulf %exp3A_239, %get3A_12 : vector<200x200xf32>
    %dot_general3A_241 = arith.constant dense<0.000000e+00> : vector<200x32xf32>
    %dot_general3A_242 = tpu.matmul %mul3A_240, %slice3A_236, %dot_general3A_241 {dimension_numbers = #tpu.dot_dimension_numbers<[1], [0], [0], [1], [0, 0, 1, 1], [], []>, transpose_lhs_hint = false} : vector<200x200xf32>, vector<200x32xf32>, vector<200x32xf32> -> vector<200x32xf32>
    %reduce_sum3A_243 = arith.constant dense<0.000000e+00> : vector<200xf32>
    %reduce_sum3A_244 = vector.multi_reduction <add>, %mul3A_240, %reduce_sum3A_243 [1] : vector<200x200xf32> to vector<200xf32>
    %broadcast_in_dim3A_245 = vector.shape_cast %reduce_sum3A_244 : vector<200xf32> to vector<200x1xf32>
    %div3A_246 = vector.broadcast %broadcast_in_dim3A_245 : vector<200x1xf32> to vector<200x32xf32>
    %div3A_247 = arith.divf %dot_general3A_242, %div3A_246 : vector<200x32xf32>
    %concatenate3A_248 = tpu.concatenate %div3A_233, %div3A_247 in 0 : vector<200x32xf32>, vector<200x32xf32> -> vector<400x32xf32>
    %concatenate3A_249 = tpu.concatenate %concatenate3A, %concatenate3A_74, %concatenate3A_103, %concatenate3A_132, %concatenate3A_161, %concatenate3A_190, %concatenate3A_219, %concatenate3A_248 in 1 : vector<400x32xf32>, vector<400x32xf32>, vector<400x32xf32>, vector<400x32xf32>, vector<400x32xf32>, vector<400x32xf32>, vector<400x32xf32>, vector<400x32xf32> -> vector<400x256xf32>
    %get3A_250 = arith.constant 0 : index
    %get3A_251 = arith.constant 0 : index
    %get3A_252 = vector.load %arg8[%get3A_250, %get3A_251] : memref<256x256xf32, #tpu.memory_space<vmem>>, vector<256x256xf32>
    %dot_general3A_253 = arith.constant dense<0.000000e+00> : vector<400x256xf32>
    %dot_general3A_254 = tpu.matmul %concatenate3A_249, %get3A_252, %dot_general3A_253 {dimension_numbers = #tpu.dot_dimension_numbers<[1], [1], [0], [0], [0, 0, 1, 0], [], []>, transpose_lhs_hint = false} : vector<400x256xf32>, vector<256x256xf32>, vector<400x256xf32> -> vector<400x256xf32>
    %get3A_255 = arith.constant 0 : index
    %get3A_256 = vector.load %arg9[%get3A_255] : memref<256xf32, #tpu.memory_space<vmem>>, vector<256xf32>
    %broadcast_in_dim3A_257 = vector.shape_cast %get3A_256 : vector<256xf32> to vector<1x256xf32>
    %add3A_258 = vector.broadcast %broadcast_in_dim3A_257 : vector<1x256xf32> to vector<400x256xf32>
    %add3A_259 = arith.addf %dot_general3A_254, %add3A_258 : vector<400x256xf32>
    %add3A_260 = arith.addf %add3A_9, %add3A_259 : vector<400x256xf32>
    %get3A_261 = arith.constant 0 : index
    %get3A_262 = vector.load %arg10[%get3A_261] : memref<256xf32, #tpu.memory_space<vmem>>, vector<256xf32>
    %get3A_263 = arith.constant 0 : index
    %get3A_264 = vector.load %arg11[%get3A_263] : memref<256xf32, #tpu.memory_space<vmem>>, vector<256xf32>
    %reduce_sum3A_265 = arith.constant dense<0.000000e+00> : vector<400xf32>
    %reduce_sum3A_266 = vector.multi_reduction <add>, %add3A_260, %reduce_sum3A_265 [1] : vector<400x256xf32> to vector<400xf32>
    %broadcast_in_dim3A_267 = vector.shape_cast %reduce_sum3A_266 : vector<400xf32> to vector<400x1xf32>
    %div3A_268 = arith.constant 2.560000e+02 : f32
    %div3A_269 = vector.broadcast %div3A_268 : f32 to vector<400x1xf32>
    %div3A_270 = arith.divf %broadcast_in_dim3A_267, %div3A_269 : vector<400x1xf32>
    %sub3A = vector.broadcast %div3A_270 : vector<400x1xf32> to vector<400x256xf32>
    %sub3A_271 = arith.subf %add3A_260, %sub3A : vector<400x256xf32>
    %integer_pow3A = arith.mulf %sub3A_271, %sub3A_271 : vector<400x256xf32>
    %reduce_sum3A_272 = arith.constant dense<0.000000e+00> : vector<400xf32>
    %reduce_sum3A_273 = vector.multi_reduction <add>, %integer_pow3A, %reduce_sum3A_272 [1] : vector<400x256xf32> to vector<400xf32>
    %broadcast_in_dim3A_274 = vector.shape_cast %reduce_sum3A_273 : vector<400xf32> to vector<400x1xf32>
    %div3A_275 = arith.constant 2.560000e+02 : f32
    %div3A_276 = vector.broadcast %div3A_275 : f32 to vector<400x1xf32>
    %div3A_277 = arith.divf %broadcast_in_dim3A_274, %div3A_276 : vector<400x1xf32>
    %sub3A_278 = vector.broadcast %div3A_270 : vector<400x1xf32> to vector<400x256xf32>
    %sub3A_279 = arith.subf %add3A_260, %sub3A_278 : vector<400x256xf32>
    %add3A_280 = arith.constant 9.99999974E-6 : f32
    %add3A_281 = vector.broadcast %add3A_280 : f32 to vector<400x1xf32>
    %add3A_282 = arith.addf %div3A_277, %add3A_281 : vector<400x1xf32>
    %sqrt3A = math.sqrt %add3A_282 : vector<400x1xf32>
    %div3A_283 = vector.broadcast %sqrt3A : vector<400x1xf32> to vector<400x256xf32>
    %div3A_284 = arith.divf %sub3A_279, %div3A_283 : vector<400x256xf32>
    %broadcast_in_dim3A_285 = vector.shape_cast %get3A_262 : vector<256xf32> to vector<1x256xf32>
    %mul3A_286 = vector.broadcast %broadcast_in_dim3A_285 : vector<1x256xf32> to vector<400x256xf32>
    %mul3A_287 = arith.mulf %div3A_284, %mul3A_286 : vector<400x256xf32>
    %broadcast_in_dim3A_288 = vector.shape_cast %get3A_264 : vector<256xf32> to vector<1x256xf32>
    %add3A_289 = vector.broadcast %broadcast_in_dim3A_288 : vector<1x256xf32> to vector<400x256xf32>
    %add3A_290 = arith.addf %mul3A_287, %add3A_289 : vector<400x256xf32>
    %get3A_291 = arith.constant 0 : index
    %get3A_292 = arith.constant 0 : index
    %get3A_293 = vector.load %arg12[%get3A_291, %get3A_292] : memref<1024x256xf32, #tpu.memory_space<vmem>>, vector<1024x256xf32>
    %dot_general3A_294 = arith.constant dense<0.000000e+00> : vector<400x1024xf32>
    %dot_general3A_295 = tpu.matmul %add3A_290, %get3A_293, %dot_general3A_294 {dimension_numbers = #tpu.dot_dimension_numbers<[1], [1], [0], [0], [0, 0, 1, 0], [], []>, transpose_lhs_hint = false} : vector<400x256xf32>, vector<1024x256xf32>, vector<400x1024xf32> -> vector<400x1024xf32>
    %get3A_296 = arith.constant 0 : index
    %get3A_297 = vector.load %arg13[%get3A_296] : memref<1024xf32, #tpu.memory_space<vmem>>, vector<1024xf32>
    %broadcast_in_dim3A_298 = vector.shape_cast %get3A_297 : vector<1024xf32> to vector<1x1024xf32>
    %add3A_299 = vector.broadcast %broadcast_in_dim3A_298 : vector<1x1024xf32> to vector<400x1024xf32>
    %add3A_300 = arith.addf %dot_general3A_295, %add3A_299 : vector<400x1024xf32>
    %max3A = arith.constant 0.000000e+00 : f32
    %max3A_301 = vector.broadcast %max3A : f32 to vector<400x1024xf32>
    %max3A_302 = arith.maximumf %add3A_300, %max3A_301 : vector<400x1024xf32>
    %get3A_303 = arith.constant 0 : index
    %get3A_304 = arith.constant 0 : index
    %get3A_305 = vector.load %arg14[%get3A_303, %get3A_304] : memref<256x1024xf32, #tpu.memory_space<vmem>>, vector<256x1024xf32>
    %dot_general3A_306 = arith.constant dense<0.000000e+00> : vector<400x256xf32>
    %dot_general3A_307 = tpu.matmul %max3A_302, %get3A_305, %dot_general3A_306 {dimension_numbers = #tpu.dot_dimension_numbers<[1], [1], [0], [0], [0, 0, 1, 0], [], []>, transpose_lhs_hint = false} : vector<400x1024xf32>, vector<256x1024xf32>, vector<400x256xf32> -> vector<400x256xf32>
    %get3A_308 = arith.constant 0 : index
    %get3A_309 = vector.load %arg15[%get3A_308] : memref<256xf32, #tpu.memory_space<vmem>>, vector<256xf32>
    %broadcast_in_dim3A_310 = vector.shape_cast %get3A_309 : vector<256xf32> to vector<1x256xf32>
    %add3A_311 = vector.broadcast %broadcast_in_dim3A_310 : vector<1x256xf32> to vector<400x256xf32>
    %add3A_312 = arith.addf %dot_general3A_307, %add3A_311 : vector<400x256xf32>
    %add3A_313 = arith.addf %add3A_290, %add3A_312 : vector<400x256xf32>
    %get3A_314 = arith.constant 0 : index
    %get3A_315 = vector.load %arg16[%get3A_314] : memref<256xf32, #tpu.memory_space<vmem>>, vector<256xf32>
    %get3A_316 = arith.constant 0 : index
    %get3A_317 = vector.load %arg17[%get3A_316] : memref<256xf32, #tpu.memory_space<vmem>>, vector<256xf32>
    %reduce_sum3A_318 = arith.constant dense<0.000000e+00> : vector<400xf32>
    %reduce_sum3A_319 = vector.multi_reduction <add>, %add3A_313, %reduce_sum3A_318 [1] : vector<400x256xf32> to vector<400xf32>
    %broadcast_in_dim3A_320 = vector.shape_cast %reduce_sum3A_319 : vector<400xf32> to vector<400x1xf32>
    %div3A_321 = arith.constant 2.560000e+02 : f32
    %div3A_322 = vector.broadcast %div3A_321 : f32 to vector<400x1xf32>
    %div3A_323 = arith.divf %broadcast_in_dim3A_320, %div3A_322 : vector<400x1xf32>
    %sub3A_324 = vector.broadcast %div3A_323 : vector<400x1xf32> to vector<400x256xf32>
    %sub3A_325 = arith.subf %add3A_313, %sub3A_324 : vector<400x256xf32>
    %integer_pow3A_326 = arith.mulf %sub3A_325, %sub3A_325 : vector<400x256xf32>
    %reduce_sum3A_327 = arith.constant dense<0.000000e+00> : vector<400xf32>
    %reduce_sum3A_328 = vector.multi_reduction <add>, %integer_pow3A_326, %reduce_sum3A_327 [1] : vector<400x256xf32> to vector<400xf32>
    %broadcast_in_dim3A_329 = vector.shape_cast %reduce_sum3A_328 : vector<400xf32> to vector<400x1xf32>
    %div3A_330 = arith.constant 2.560000e+02 : f32
    %div3A_331 = vector.broadcast %div3A_330 : f32 to vector<400x1xf32>
    %div3A_332 = arith.divf %broadcast_in_dim3A_329, %div3A_331 : vector<400x1xf32>
    %sub3A_333 = vector.broadcast %div3A_323 : vector<400x1xf32> to vector<400x256xf32>
    %sub3A_334 = arith.subf %add3A_313, %sub3A_333 : vector<400x256xf32>
    %add3A_335 = arith.constant 9.99999974E-6 : f32
    %add3A_336 = vector.broadcast %add3A_335 : f32 to vector<400x1xf32>
    %add3A_337 = arith.addf %div3A_332, %add3A_336 : vector<400x1xf32>
    %sqrt3A_338 = math.sqrt %add3A_337 : vector<400x1xf32>
    %div3A_339 = vector.broadcast %sqrt3A_338 : vector<400x1xf32> to vector<400x256xf32>
    %div3A_340 = arith.divf %sub3A_334, %div3A_339 : vector<400x256xf32>
    %broadcast_in_dim3A_341 = vector.shape_cast %get3A_315 : vector<256xf32> to vector<1x256xf32>
    %mul3A_342 = vector.broadcast %broadcast_in_dim3A_341 : vector<1x256xf32> to vector<400x256xf32>
    %mul3A_343 = arith.mulf %div3A_340, %mul3A_342 : vector<400x256xf32>
    %broadcast_in_dim3A_344 = vector.shape_cast %get3A_317 : vector<256xf32> to vector<1x256xf32>
    %add3A_345 = vector.broadcast %broadcast_in_dim3A_344 : vector<1x256xf32> to vector<400x256xf32>
    %add3A_346 = arith.addf %mul3A_343, %add3A_345 : vector<400x256xf32>
    %get3A_347 = arith.constant 0 : index
    %get3A_348 = arith.constant 0 : index
    %get3A_349 = vector.load %arg18[%get3A_347, %get3A_348] : memref<768x256xf32, #tpu.memory_space<vmem>>, vector<768x256xf32>
    %dot_general3A_350 = arith.constant dense<0.000000e+00> : vector<400x768xf32>
    %dot_general3A_351 = tpu.matmul %add3A_346, %get3A_349, %dot_general3A_350 {dimension_numbers = #tpu.dot_dimension_numbers<[1], [1], [0], [0], [0, 0, 1, 0], [], []>, transpose_lhs_hint = false} : vector<400x256xf32>, vector<768x256xf32>, vector<400x768xf32> -> vector<400x768xf32>
    %get3A_352 = arith.constant 0 : index
    %get3A_353 = vector.load %arg19[%get3A_352] : memref<768xf32, #tpu.memory_space<vmem>>, vector<768xf32>
    %broadcast_in_dim3A_354 = vector.shape_cast %get3A_353 : vector<768xf32> to vector<1x768xf32>
    %add3A_355 = vector.broadcast %broadcast_in_dim3A_354 : vector<1x768xf32> to vector<400x768xf32>
    %add3A_356 = arith.addf %dot_general3A_351, %add3A_355 : vector<400x768xf32>
    %slice3A_357 = vector.extract_strided_slice %add3A_356 {offsets = [0, 0], sizes = [200, 32], strides = [1, 1]} : vector<400x768xf32> to vector<200x32xf32>
    %slice3A_358 = vector.extract_strided_slice %add3A_356 {offsets = [0, 256], sizes = [200, 32], strides = [1, 1]} : vector<400x768xf32> to vector<200x32xf32>
    %slice3A_359 = vector.extract_strided_slice %add3A_356 {offsets = [0, 512], sizes = [200, 32], strides = [1, 1]} : vector<400x768xf32> to vector<200x32xf32>
    %dot_general3A_360 = arith.constant dense<0.000000e+00> : vector<200x200xf32>
    %dot_general3A_361 = tpu.matmul %slice3A_357, %slice3A_358, %dot_general3A_360 {dimension_numbers = #tpu.dot_dimension_numbers<[1], [1], [0], [0], [0, 0, 1, 0], [], []>, transpose_lhs_hint = false} : vector<200x32xf32>, vector<200x32xf32>, vector<200x200xf32> -> vector<200x200xf32>
    %exp3A_362 = math.exp %dot_general3A_361 : vector<200x200xf32>
    %mul3A_363 = arith.mulf %exp3A_362, %get3A_12 : vector<200x200xf32>
    %dot_general3A_364 = arith.constant dense<0.000000e+00> : vector<200x32xf32>
    %dot_general3A_365 = tpu.matmul %mul3A_363, %slice3A_359, %dot_general3A_364 {dimension_numbers = #tpu.dot_dimension_numbers<[1], [0], [0], [1], [0, 0, 1, 1], [], []>, transpose_lhs_hint = false} : vector<200x200xf32>, vector<200x32xf32>, vector<200x32xf32> -> vector<200x32xf32>
    %reduce_sum3A_366 = arith.constant dense<0.000000e+00> : vector<200xf32>
    %reduce_sum3A_367 = vector.multi_reduction <add>, %mul3A_363, %reduce_sum3A_366 [1] : vector<200x200xf32> to vector<200xf32>
    %broadcast_in_dim3A_368 = vector.shape_cast %reduce_sum3A_367 : vector<200xf32> to vector<200x1xf32>
    %div3A_369 = vector.broadcast %broadcast_in_dim3A_368 : vector<200x1xf32> to vector<200x32xf32>
    %div3A_370 = arith.divf %dot_general3A_365, %div3A_369 : vector<200x32xf32>
    %slice3A_371 = vector.extract_strided_slice %add3A_356 {offsets = [200, 0], sizes = [200, 32], strides = [1, 1]} : vector<400x768xf32> to vector<200x32xf32>
    %slice3A_372 = vector.extract_strided_slice %add3A_356 {offsets = [200, 256], sizes = [200, 32], strides = [1, 1]} : vector<400x768xf32> to vector<200x32xf32>
    %slice3A_373 = vector.extract_strided_slice %add3A_356 {offsets = [200, 512], sizes = [200, 32], strides = [1, 1]} : vector<400x768xf32> to vector<200x32xf32>
    %dot_general3A_374 = arith.constant dense<0.000000e+00> : vector<200x200xf32>
    %dot_general3A_375 = tpu.matmul %slice3A_371, %slice3A_372, %dot_general3A_374 {dimension_numbers = #tpu.dot_dimension_numbers<[1], [1], [0], [0], [0, 0, 1, 0], [], []>, transpose_lhs_hint = false} : vector<200x32xf32>, vector<200x32xf32>, vector<200x200xf32> -> vector<200x200xf32>
    %exp3A_376 = math.exp %dot_general3A_375 : vector<200x200xf32>
    %mul3A_377 = arith.mulf %exp3A_376, %get3A_12 : vector<200x200xf32>
    %dot_general3A_378 = arith.constant dense<0.000000e+00> : vector<200x32xf32>
    %dot_general3A_379 = tpu.matmul %mul3A_377, %slice3A_373, %dot_general3A_378 {dimension_numbers = #tpu.dot_dimension_numbers<[1], [0], [0], [1], [0, 0, 1, 1], [], []>, transpose_lhs_hint = false} : vector<200x200xf32>, vector<200x32xf32>, vector<200x32xf32> -> vector<200x32xf32>
    %reduce_sum3A_380 = arith.constant dense<0.000000e+00> : vector<200xf32>
    %reduce_sum3A_381 = vector.multi_reduction <add>, %mul3A_377, %reduce_sum3A_380 [1] : vector<200x200xf32> to vector<200xf32>
    %broadcast_in_dim3A_382 = vector.shape_cast %reduce_sum3A_381 : vector<200xf32> to vector<200x1xf32>
    %div3A_383 = vector.broadcast %broadcast_in_dim3A_382 : vector<200x1xf32> to vector<200x32xf32>
    %div3A_384 = arith.divf %dot_general3A_379, %div3A_383 : vector<200x32xf32>
    %concatenate3A_385 = tpu.concatenate %div3A_370, %div3A_384 in 0 : vector<200x32xf32>, vector<200x32xf32> -> vector<400x32xf32>
    %slice3A_386 = vector.extract_strided_slice %add3A_356 {offsets = [0, 32], sizes = [200, 32], strides = [1, 1]} : vector<400x768xf32> to vector<200x32xf32>
    %slice3A_387 = vector.extract_strided_slice %add3A_356 {offsets = [0, 288], sizes = [200, 32], strides = [1, 1]} : vector<400x768xf32> to vector<200x32xf32>
    %slice3A_388 = vector.extract_strided_slice %add3A_356 {offsets = [0, 544], sizes = [200, 32], strides = [1, 1]} : vector<400x768xf32> to vector<200x32xf32>
    %dot_general3A_389 = arith.constant dense<0.000000e+00> : vector<200x200xf32>
    %dot_general3A_390 = tpu.matmul %slice3A_386, %slice3A_387, %dot_general3A_389 {dimension_numbers = #tpu.dot_dimension_numbers<[1], [1], [0], [0], [0, 0, 1, 0], [], []>, transpose_lhs_hint = false} : vector<200x32xf32>, vector<200x32xf32>, vector<200x200xf32> -> vector<200x200xf32>
    %exp3A_391 = math.exp %dot_general3A_390 : vector<200x200xf32>
    %mul3A_392 = arith.mulf %exp3A_391, %get3A_12 : vector<200x200xf32>
    %dot_general3A_393 = arith.constant dense<0.000000e+00> : vector<200x32xf32>
    %dot_general3A_394 = tpu.matmul %mul3A_392, %slice3A_388, %dot_general3A_393 {dimension_numbers = #tpu.dot_dimension_numbers<[1], [0], [0], [1], [0, 0, 1, 1], [], []>, transpose_lhs_hint = false} : vector<200x200xf32>, vector<200x32xf32>, vector<200x32xf32> -> vector<200x32xf32>
    %reduce_sum3A_395 = arith.constant dense<0.000000e+00> : vector<200xf32>
    %reduce_sum3A_396 = vector.multi_reduction <add>, %mul3A_392, %reduce_sum3A_395 [1] : vector<200x200xf32> to vector<200xf32>
    %broadcast_in_dim3A_397 = vector.shape_cast %reduce_sum3A_396 : vector<200xf32> to vector<200x1xf32>
    %div3A_398 = vector.broadcast %broadcast_in_dim3A_397 : vector<200x1xf32> to vector<200x32xf32>
    %div3A_399 = arith.divf %dot_general3A_394, %div3A_398 : vector<200x32xf32>
    %slice3A_400 = vector.extract_strided_slice %add3A_356 {offsets = [200, 32], sizes = [200, 32], strides = [1, 1]} : vector<400x768xf32> to vector<200x32xf32>
    %slice3A_401 = vector.extract_strided_slice %add3A_356 {offsets = [200, 288], sizes = [200, 32], strides = [1, 1]} : vector<400x768xf32> to vector<200x32xf32>
    %slice3A_402 = vector.extract_strided_slice %add3A_356 {offsets = [200, 544], sizes = [200, 32], strides = [1, 1]} : vector<400x768xf32> to vector<200x32xf32>
    %dot_general3A_403 = arith.constant dense<0.000000e+00> : vector<200x200xf32>
    %dot_general3A_404 = tpu.matmul %slice3A_400, %slice3A_401, %dot_general3A_403 {dimension_numbers = #tpu.dot_dimension_numbers<[1], [1], [0], [0], [0, 0, 1, 0], [], []>, transpose_lhs_hint = false} : vector<200x32xf32>, vector<200x32xf32>, vector<200x200xf32> -> vector<200x200xf32>
    %exp3A_405 = math.exp %dot_general3A_404 : vector<200x200xf32>
    %mul3A_406 = arith.mulf %exp3A_405, %get3A_12 : vector<200x200xf32>
    %dot_general3A_407 = arith.constant dense<0.000000e+00> : vector<200x32xf32>
    %dot_general3A_408 = tpu.matmul %mul3A_406, %slice3A_402, %dot_general3A_407 {dimension_numbers = #tpu.dot_dimension_numbers<[1], [0], [0], [1], [0, 0, 1, 1], [], []>, transpose_lhs_hint = false} : vector<200x200xf32>, vector<200x32xf32>, vector<200x32xf32> -> vector<200x32xf32>
    %reduce_sum3A_409 = arith.constant dense<0.000000e+00> : vector<200xf32>
    %reduce_sum3A_410 = vector.multi_reduction <add>, %mul3A_406, %reduce_sum3A_409 [1] : vector<200x200xf32> to vector<200xf32>
    %broadcast_in_dim3A_411 = vector.shape_cast %reduce_sum3A_410 : vector<200xf32> to vector<200x1xf32>
    %div3A_412 = vector.broadcast %broadcast_in_dim3A_411 : vector<200x1xf32> to vector<200x32xf32>
    %div3A_413 = arith.divf %dot_general3A_408, %div3A_412 : vector<200x32xf32>
    %concatenate3A_414 = tpu.concatenate %div3A_399, %div3A_413 in 0 : vector<200x32xf32>, vector<200x32xf32> -> vector<400x32xf32>
    %slice3A_415 = vector.extract_strided_slice %add3A_356 {offsets = [0, 64], sizes = [200, 32], strides = [1, 1]} : vector<400x768xf32> to vector<200x32xf32>
    %slice3A_416 = vector.extract_strided_slice %add3A_356 {offsets = [0, 320], sizes = [200, 32], strides = [1, 1]} : vector<400x768xf32> to vector<200x32xf32>
    %slice3A_417 = vector.extract_strided_slice %add3A_356 {offsets = [0, 576], sizes = [200, 32], strides = [1, 1]} : vector<400x768xf32> to vector<200x32xf32>
    %dot_general3A_418 = arith.constant dense<0.000000e+00> : vector<200x200xf32>
    %dot_general3A_419 = tpu.matmul %slice3A_415, %slice3A_416, %dot_general3A_418 {dimension_numbers = #tpu.dot_dimension_numbers<[1], [1], [0], [0], [0, 0, 1, 0], [], []>, transpose_lhs_hint = false} : vector<200x32xf32>, vector<200x32xf32>, vector<200x200xf32> -> vector<200x200xf32>
    %exp3A_420 = math.exp %dot_general3A_419 : vector<200x200xf32>
    %mul3A_421 = arith.mulf %exp3A_420, %get3A_12 : vector<200x200xf32>
    %dot_general3A_422 = arith.constant dense<0.000000e+00> : vector<200x32xf32>
    %dot_general3A_423 = tpu.matmul %mul3A_421, %slice3A_417, %dot_general3A_422 {dimension_numbers = #tpu.dot_dimension_numbers<[1], [0], [0], [1], [0, 0, 1, 1], [], []>, transpose_lhs_hint = false} : vector<200x200xf32>, vector<200x32xf32>, vector<200x32xf32> -> vector<200x32xf32>
    %reduce_sum3A_424 = arith.constant dense<0.000000e+00> : vector<200xf32>
    %reduce_sum3A_425 = vector.multi_reduction <add>, %mul3A_421, %reduce_sum3A_424 [1] : vector<200x200xf32> to vector<200xf32>
    %broadcast_in_dim3A_426 = vector.shape_cast %reduce_sum3A_425 : vector<200xf32> to vector<200x1xf32>
    %div3A_427 = vector.broadcast %broadcast_in_dim3A_426 : vector<200x1xf32> to vector<200x32xf32>
    %div3A_428 = arith.divf %dot_general3A_423, %div3A_427 : vector<200x32xf32>
    %slice3A_429 = vector.extract_strided_slice %add3A_356 {offsets = [200, 64], sizes = [200, 32], strides = [1, 1]} : vector<400x768xf32> to vector<200x32xf32>
    %slice3A_430 = vector.extract_strided_slice %add3A_356 {offsets = [200, 320], sizes = [200, 32], strides = [1, 1]} : vector<400x768xf32> to vector<200x32xf32>
    %slice3A_431 = vector.extract_strided_slice %add3A_356 {offsets = [200, 576], sizes = [200, 32], strides = [1, 1]} : vector<400x768xf32> to vector<200x32xf32>
    %dot_general3A_432 = arith.constant dense<0.000000e+00> : vector<200x200xf32>
    %dot_general3A_433 = tpu.matmul %slice3A_429, %slice3A_430, %dot_general3A_432 {dimension_numbers = #tpu.dot_dimension_numbers<[1], [1], [0], [0], [0, 0, 1, 0], [], []>, transpose_lhs_hint = false} : vector<200x32xf32>, vector<200x32xf32>, vector<200x200xf32> -> vector<200x200xf32>
    %exp3A_434 = math.exp %dot_general3A_433 : vector<200x200xf32>
    %mul3A_435 = arith.mulf %exp3A_434, %get3A_12 : vector<200x200xf32>
    %dot_general3A_436 = arith.constant dense<0.000000e+00> : vector<200x32xf32>
    %dot_general3A_437 = tpu.matmul %mul3A_435, %slice3A_431, %dot_general3A_436 {dimension_numbers = #tpu.dot_dimension_numbers<[1], [0], [0], [1], [0, 0, 1, 1], [], []>, transpose_lhs_hint = false} : vector<200x200xf32>, vector<200x32xf32>, vector<200x32xf32> -> vector<200x32xf32>
    %reduce_sum3A_438 = arith.constant dense<0.000000e+00> : vector<200xf32>
    %reduce_sum3A_439 = vector.multi_reduction <add>, %mul3A_435, %reduce_sum3A_438 [1] : vector<200x200xf32> to vector<200xf32>
    %broadcast_in_dim3A_440 = vector.shape_cast %reduce_sum3A_439 : vector<200xf32> to vector<200x1xf32>
    %div3A_441 = vector.broadcast %broadcast_in_dim3A_440 : vector<200x1xf32> to vector<200x32xf32>
    %div3A_442 = arith.divf %dot_general3A_437, %div3A_441 : vector<200x32xf32>
    %concatenate3A_443 = tpu.concatenate %div3A_428, %div3A_442 in 0 : vector<200x32xf32>, vector<200x32xf32> -> vector<400x32xf32>
    %slice3A_444 = vector.extract_strided_slice %add3A_356 {offsets = [0, 96], sizes = [200, 32], strides = [1, 1]} : vector<400x768xf32> to vector<200x32xf32>
    %slice3A_445 = vector.extract_strided_slice %add3A_356 {offsets = [0, 352], sizes = [200, 32], strides = [1, 1]} : vector<400x768xf32> to vector<200x32xf32>
    %slice3A_446 = vector.extract_strided_slice %add3A_356 {offsets = [0, 608], sizes = [200, 32], strides = [1, 1]} : vector<400x768xf32> to vector<200x32xf32>
    %dot_general3A_447 = arith.constant dense<0.000000e+00> : vector<200x200xf32>
    %dot_general3A_448 = tpu.matmul %slice3A_444, %slice3A_445, %dot_general3A_447 {dimension_numbers = #tpu.dot_dimension_numbers<[1], [1], [0], [0], [0, 0, 1, 0], [], []>, transpose_lhs_hint = false} : vector<200x32xf32>, vector<200x32xf32>, vector<200x200xf32> -> vector<200x200xf32>
    %exp3A_449 = math.exp %dot_general3A_448 : vector<200x200xf32>
    %mul3A_450 = arith.mulf %exp3A_449, %get3A_12 : vector<200x200xf32>
    %dot_general3A_451 = arith.constant dense<0.000000e+00> : vector<200x32xf32>
    %dot_general3A_452 = tpu.matmul %mul3A_450, %slice3A_446, %dot_general3A_451 {dimension_numbers = #tpu.dot_dimension_numbers<[1], [0], [0], [1], [0, 0, 1, 1], [], []>, transpose_lhs_hint = false} : vector<200x200xf32>, vector<200x32xf32>, vector<200x32xf32> -> vector<200x32xf32>
    %reduce_sum3A_453 = arith.constant dense<0.000000e+00> : vector<200xf32>
    %reduce_sum3A_454 = vector.multi_reduction <add>, %mul3A_450, %reduce_sum3A_453 [1] : vector<200x200xf32> to vector<200xf32>
    %broadcast_in_dim3A_455 = vector.shape_cast %reduce_sum3A_454 : vector<200xf32> to vector<200x1xf32>
    %div3A_456 = vector.broadcast %broadcast_in_dim3A_455 : vector<200x1xf32> to vector<200x32xf32>
    %div3A_457 = arith.divf %dot_general3A_452, %div3A_456 : vector<200x32xf32>
    %slice3A_458 = vector.extract_strided_slice %add3A_356 {offsets = [200, 96], sizes = [200, 32], strides = [1, 1]} : vector<400x768xf32> to vector<200x32xf32>
    %slice3A_459 = vector.extract_strided_slice %add3A_356 {offsets = [200, 352], sizes = [200, 32], strides = [1, 1]} : vector<400x768xf32> to vector<200x32xf32>
    %slice3A_460 = vector.extract_strided_slice %add3A_356 {offsets = [200, 608], sizes = [200, 32], strides = [1, 1]} : vector<400x768xf32> to vector<200x32xf32>
    %dot_general3A_461 = arith.constant dense<0.000000e+00> : vector<200x200xf32>
    %dot_general3A_462 = tpu.matmul %slice3A_458, %slice3A_459, %dot_general3A_461 {dimension_numbers = #tpu.dot_dimension_numbers<[1], [1], [0], [0], [0, 0, 1, 0], [], []>, transpose_lhs_hint = false} : vector<200x32xf32>, vector<200x32xf32>, vector<200x200xf32> -> vector<200x200xf32>
    %exp3A_463 = math.exp %dot_general3A_462 : vector<200x200xf32>
    %mul3A_464 = arith.mulf %exp3A_463, %get3A_12 : vector<200x200xf32>
    %dot_general3A_465 = arith.constant dense<0.000000e+00> : vector<200x32xf32>
    %dot_general3A_466 = tpu.matmul %mul3A_464, %slice3A_460, %dot_general3A_465 {dimension_numbers = #tpu.dot_dimension_numbers<[1], [0], [0], [1], [0, 0, 1, 1], [], []>, transpose_lhs_hint = false} : vector<200x200xf32>, vector<200x32xf32>, vector<200x32xf32> -> vector<200x32xf32>
    %reduce_sum3A_467 = arith.constant dense<0.000000e+00> : vector<200xf32>
    %reduce_sum3A_468 = vector.multi_reduction <add>, %mul3A_464, %reduce_sum3A_467 [1] : vector<200x200xf32> to vector<200xf32>
    %broadcast_in_dim3A_469 = vector.shape_cast %reduce_sum3A_468 : vector<200xf32> to vector<200x1xf32>
    %div3A_470 = vector.broadcast %broadcast_in_dim3A_469 : vector<200x1xf32> to vector<200x32xf32>
    %div3A_471 = arith.divf %dot_general3A_466, %div3A_470 : vector<200x32xf32>
    %concatenate3A_472 = tpu.concatenate %div3A_457, %div3A_471 in 0 : vector<200x32xf32>, vector<200x32xf32> -> vector<400x32xf32>
    %slice3A_473 = vector.extract_strided_slice %add3A_356 {offsets = [0, 128], sizes = [200, 32], strides = [1, 1]} : vector<400x768xf32> to vector<200x32xf32>
    %slice3A_474 = vector.extract_strided_slice %add3A_356 {offsets = [0, 384], sizes = [200, 32], strides = [1, 1]} : vector<400x768xf32> to vector<200x32xf32>
    %slice3A_475 = vector.extract_strided_slice %add3A_356 {offsets = [0, 640], sizes = [200, 32], strides = [1, 1]} : vector<400x768xf32> to vector<200x32xf32>
    %dot_general3A_476 = arith.constant dense<0.000000e+00> : vector<200x200xf32>
    %dot_general3A_477 = tpu.matmul %slice3A_473, %slice3A_474, %dot_general3A_476 {dimension_numbers = #tpu.dot_dimension_numbers<[1], [1], [0], [0], [0, 0, 1, 0], [], []>, transpose_lhs_hint = false} : vector<200x32xf32>, vector<200x32xf32>, vector<200x200xf32> -> vector<200x200xf32>
    %exp3A_478 = math.exp %dot_general3A_477 : vector<200x200xf32>
    %mul3A_479 = arith.mulf %exp3A_478, %get3A_12 : vector<200x200xf32>
    %dot_general3A_480 = arith.constant dense<0.000000e+00> : vector<200x32xf32>
    %dot_general3A_481 = tpu.matmul %mul3A_479, %slice3A_475, %dot_general3A_480 {dimension_numbers = #tpu.dot_dimension_numbers<[1], [0], [0], [1], [0, 0, 1, 1], [], []>, transpose_lhs_hint = false} : vector<200x200xf32>, vector<200x32xf32>, vector<200x32xf32> -> vector<200x32xf32>
    %reduce_sum3A_482 = arith.constant dense<0.000000e+00> : vector<200xf32>
    %reduce_sum3A_483 = vector.multi_reduction <add>, %mul3A_479, %reduce_sum3A_482 [1] : vector<200x200xf32> to vector<200xf32>
    %broadcast_in_dim3A_484 = vector.shape_cast %reduce_sum3A_483 : vector<200xf32> to vector<200x1xf32>
    %div3A_485 = vector.broadcast %broadcast_in_dim3A_484 : vector<200x1xf32> to vector<200x32xf32>
    %div3A_486 = arith.divf %dot_general3A_481, %div3A_485 : vector<200x32xf32>
    %slice3A_487 = vector.extract_strided_slice %add3A_356 {offsets = [200, 128], sizes = [200, 32], strides = [1, 1]} : vector<400x768xf32> to vector<200x32xf32>
    %slice3A_488 = vector.extract_strided_slice %add3A_356 {offsets = [200, 384], sizes = [200, 32], strides = [1, 1]} : vector<400x768xf32> to vector<200x32xf32>
    %slice3A_489 = vector.extract_strided_slice %add3A_356 {offsets = [200, 640], sizes = [200, 32], strides = [1, 1]} : vector<400x768xf32> to vector<200x32xf32>
    %dot_general3A_490 = arith.constant dense<0.000000e+00> : vector<200x200xf32>
    %dot_general3A_491 = tpu.matmul %slice3A_487, %slice3A_488, %dot_general3A_490 {dimension_numbers = #tpu.dot_dimension_numbers<[1], [1], [0], [0], [0, 0, 1, 0], [], []>, transpose_lhs_hint = false} : vector<200x32xf32>, vector<200x32xf32>, vector<200x200xf32> -> vector<200x200xf32>
    %exp3A_492 = math.exp %dot_general3A_491 : vector<200x200xf32>
    %mul3A_493 = arith.mulf %exp3A_492, %get3A_12 : vector<200x200xf32>
    %dot_general3A_494 = arith.constant dense<0.000000e+00> : vector<200x32xf32>
    %dot_general3A_495 = tpu.matmul %mul3A_493, %slice3A_489, %dot_general3A_494 {dimension_numbers = #tpu.dot_dimension_numbers<[1], [0], [0], [1], [0, 0, 1, 1], [], []>, transpose_lhs_hint = false} : vector<200x200xf32>, vector<200x32xf32>, vector<200x32xf32> -> vector<200x32xf32>
    %reduce_sum3A_496 = arith.constant dense<0.000000e+00> : vector<200xf32>
    %reduce_sum3A_497 = vector.multi_reduction <add>, %mul3A_493, %reduce_sum3A_496 [1] : vector<200x200xf32> to vector<200xf32>
    %broadcast_in_dim3A_498 = vector.shape_cast %reduce_sum3A_497 : vector<200xf32> to vector<200x1xf32>
    %div3A_499 = vector.broadcast %broadcast_in_dim3A_498 : vector<200x1xf32> to vector<200x32xf32>
    %div3A_500 = arith.divf %dot_general3A_495, %div3A_499 : vector<200x32xf32>
    %concatenate3A_501 = tpu.concatenate %div3A_486, %div3A_500 in 0 : vector<200x32xf32>, vector<200x32xf32> -> vector<400x32xf32>
    %slice3A_502 = vector.extract_strided_slice %add3A_356 {offsets = [0, 160], sizes = [200, 32], strides = [1, 1]} : vector<400x768xf32> to vector<200x32xf32>
    %slice3A_503 = vector.extract_strided_slice %add3A_356 {offsets = [0, 416], sizes = [200, 32], strides = [1, 1]} : vector<400x768xf32> to vector<200x32xf32>
    %slice3A_504 = vector.extract_strided_slice %add3A_356 {offsets = [0, 672], sizes = [200, 32], strides = [1, 1]} : vector<400x768xf32> to vector<200x32xf32>
    %dot_general3A_505 = arith.constant dense<0.000000e+00> : vector<200x200xf32>
    %dot_general3A_506 = tpu.matmul %slice3A_502, %slice3A_503, %dot_general3A_505 {dimension_numbers = #tpu.dot_dimension_numbers<[1], [1], [0], [0], [0, 0, 1, 0], [], []>, transpose_lhs_hint = false} : vector<200x32xf32>, vector<200x32xf32>, vector<200x200xf32> -> vector<200x200xf32>
    %exp3A_507 = math.exp %dot_general3A_506 : vector<200x200xf32>
    %mul3A_508 = arith.mulf %exp3A_507, %get3A_12 : vector<200x200xf32>
    %dot_general3A_509 = arith.constant dense<0.000000e+00> : vector<200x32xf32>
    %dot_general3A_510 = tpu.matmul %mul3A_508, %slice3A_504, %dot_general3A_509 {dimension_numbers = #tpu.dot_dimension_numbers<[1], [0], [0], [1], [0, 0, 1, 1], [], []>, transpose_lhs_hint = false} : vector<200x200xf32>, vector<200x32xf32>, vector<200x32xf32> -> vector<200x32xf32>
    %reduce_sum3A_511 = arith.constant dense<0.000000e+00> : vector<200xf32>
    %reduce_sum3A_512 = vector.multi_reduction <add>, %mul3A_508, %reduce_sum3A_511 [1] : vector<200x200xf32> to vector<200xf32>
    %broadcast_in_dim3A_513 = vector.shape_cast %reduce_sum3A_512 : vector<200xf32> to vector<200x1xf32>
    %div3A_514 = vector.broadcast %broadcast_in_dim3A_513 : vector<200x1xf32> to vector<200x32xf32>
    %div3A_515 = arith.divf %dot_general3A_510, %div3A_514 : vector<200x32xf32>
    %slice3A_516 = vector.extract_strided_slice %add3A_356 {offsets = [200, 160], sizes = [200, 32], strides = [1, 1]} : vector<400x768xf32> to vector<200x32xf32>
    %slice3A_517 = vector.extract_strided_slice %add3A_356 {offsets = [200, 416], sizes = [200, 32], strides = [1, 1]} : vector<400x768xf32> to vector<200x32xf32>
    %slice3A_518 = vector.extract_strided_slice %add3A_356 {offsets = [200, 672], sizes = [200, 32], strides = [1, 1]} : vector<400x768xf32> to vector<200x32xf32>
    %dot_general3A_519 = arith.constant dense<0.000000e+00> : vector<200x200xf32>
    %dot_general3A_520 = tpu.matmul %slice3A_516, %slice3A_517, %dot_general3A_519 {dimension_numbers = #tpu.dot_dimension_numbers<[1], [1], [0], [0], [0, 0, 1, 0], [], []>, transpose_lhs_hint = false} : vector<200x32xf32>, vector<200x32xf32>, vector<200x200xf32> -> vector<200x200xf32>
    %exp3A_521 = math.exp %dot_general3A_520 : vector<200x200xf32>
    %mul3A_522 = arith.mulf %exp3A_521, %get3A_12 : vector<200x200xf32>
    %dot_general3A_523 = arith.constant dense<0.000000e+00> : vector<200x32xf32>
    %dot_general3A_524 = tpu.matmul %mul3A_522, %slice3A_518, %dot_general3A_523 {dimension_numbers = #tpu.dot_dimension_numbers<[1], [0], [0], [1], [0, 0, 1, 1], [], []>, transpose_lhs_hint = false} : vector<200x200xf32>, vector<200x32xf32>, vector<200x32xf32> -> vector<200x32xf32>
    %reduce_sum3A_525 = arith.constant dense<0.000000e+00> : vector<200xf32>
    %reduce_sum3A_526 = vector.multi_reduction <add>, %mul3A_522, %reduce_sum3A_525 [1] : vector<200x200xf32> to vector<200xf32>
    %broadcast_in_dim3A_527 = vector.shape_cast %reduce_sum3A_526 : vector<200xf32> to vector<200x1xf32>
    %div3A_528 = vector.broadcast %broadcast_in_dim3A_527 : vector<200x1xf32> to vector<200x32xf32>
    %div3A_529 = arith.divf %dot_general3A_524, %div3A_528 : vector<200x32xf32>
    %concatenate3A_530 = tpu.concatenate %div3A_515, %div3A_529 in 0 : vector<200x32xf32>, vector<200x32xf32> -> vector<400x32xf32>
    %slice3A_531 = vector.extract_strided_slice %add3A_356 {offsets = [0, 192], sizes = [200, 32], strides = [1, 1]} : vector<400x768xf32> to vector<200x32xf32>
    %slice3A_532 = vector.extract_strided_slice %add3A_356 {offsets = [0, 448], sizes = [200, 32], strides = [1, 1]} : vector<400x768xf32> to vector<200x32xf32>
    %slice3A_533 = vector.extract_strided_slice %add3A_356 {offsets = [0, 704], sizes = [200, 32], strides = [1, 1]} : vector<400x768xf32> to vector<200x32xf32>
    %dot_general3A_534 = arith.constant dense<0.000000e+00> : vector<200x200xf32>
    %dot_general3A_535 = tpu.matmul %slice3A_531, %slice3A_532, %dot_general3A_534 {dimension_numbers = #tpu.dot_dimension_numbers<[1], [1], [0], [0], [0, 0, 1, 0], [], []>, transpose_lhs_hint = false} : vector<200x32xf32>, vector<200x32xf32>, vector<200x200xf32> -> vector<200x200xf32>
    %exp3A_536 = math.exp %dot_general3A_535 : vector<200x200xf32>
    %mul3A_537 = arith.mulf %exp3A_536, %get3A_12 : vector<200x200xf32>
    %dot_general3A_538 = arith.constant dense<0.000000e+00> : vector<200x32xf32>
    %dot_general3A_539 = tpu.matmul %mul3A_537, %slice3A_533, %dot_general3A_538 {dimension_numbers = #tpu.dot_dimension_numbers<[1], [0], [0], [1], [0, 0, 1, 1], [], []>, transpose_lhs_hint = false} : vector<200x200xf32>, vector<200x32xf32>, vector<200x32xf32> -> vector<200x32xf32>
    %reduce_sum3A_540 = arith.constant dense<0.000000e+00> : vector<200xf32>
    %reduce_sum3A_541 = vector.multi_reduction <add>, %mul3A_537, %reduce_sum3A_540 [1] : vector<200x200xf32> to vector<200xf32>
    %broadcast_in_dim3A_542 = vector.shape_cast %reduce_sum3A_541 : vector<200xf32> to vector<200x1xf32>
    %div3A_543 = vector.broadcast %broadcast_in_dim3A_542 : vector<200x1xf32> to vector<200x32xf32>
    %div3A_544 = arith.divf %dot_general3A_539, %div3A_543 : vector<200x32xf32>
    %slice3A_545 = vector.extract_strided_slice %add3A_356 {offsets = [200, 192], sizes = [200, 32], strides = [1, 1]} : vector<400x768xf32> to vector<200x32xf32>
    %slice3A_546 = vector.extract_strided_slice %add3A_356 {offsets = [200, 448], sizes = [200, 32], strides = [1, 1]} : vector<400x768xf32> to vector<200x32xf32>
    %slice3A_547 = vector.extract_strided_slice %add3A_356 {offsets = [200, 704], sizes = [200, 32], strides = [1, 1]} : vector<400x768xf32> to vector<200x32xf32>
    %dot_general3A_548 = arith.constant dense<0.000000e+00> : vector<200x200xf32>
    %dot_general3A_549 = tpu.matmul %slice3A_545, %slice3A_546, %dot_general3A_548 {dimension_numbers = #tpu.dot_dimension_numbers<[1], [1], [0], [0], [0, 0, 1, 0], [], []>, transpose_lhs_hint = false} : vector<200x32xf32>, vector<200x32xf32>, vector<200x200xf32> -> vector<200x200xf32>
    %exp3A_550 = math.exp %dot_general3A_549 : vector<200x200xf32>
    %mul3A_551 = arith.mulf %exp3A_550, %get3A_12 : vector<200x200xf32>
    %dot_general3A_552 = arith.constant dense<0.000000e+00> : vector<200x32xf32>
    %dot_general3A_553 = tpu.matmul %mul3A_551, %slice3A_547, %dot_general3A_552 {dimension_numbers = #tpu.dot_dimension_numbers<[1], [0], [0], [1], [0, 0, 1, 1], [], []>, transpose_lhs_hint = false} : vector<200x200xf32>, vector<200x32xf32>, vector<200x32xf32> -> vector<200x32xf32>
    %reduce_sum3A_554 = arith.constant dense<0.000000e+00> : vector<200xf32>
    %reduce_sum3A_555 = vector.multi_reduction <add>, %mul3A_551, %reduce_sum3A_554 [1] : vector<200x200xf32> to vector<200xf32>
    %broadcast_in_dim3A_556 = vector.shape_cast %reduce_sum3A_555 : vector<200xf32> to vector<200x1xf32>
    %div3A_557 = vector.broadcast %broadcast_in_dim3A_556 : vector<200x1xf32> to vector<200x32xf32>
    %div3A_558 = arith.divf %dot_general3A_553, %div3A_557 : vector<200x32xf32>
    %concatenate3A_559 = tpu.concatenate %div3A_544, %div3A_558 in 0 : vector<200x32xf32>, vector<200x32xf32> -> vector<400x32xf32>
    %slice3A_560 = vector.extract_strided_slice %add3A_356 {offsets = [0, 224], sizes = [200, 32], strides = [1, 1]} : vector<400x768xf32> to vector<200x32xf32>
    %slice3A_561 = vector.extract_strided_slice %add3A_356 {offsets = [0, 480], sizes = [200, 32], strides = [1, 1]} : vector<400x768xf32> to vector<200x32xf32>
    %slice3A_562 = vector.extract_strided_slice %add3A_356 {offsets = [0, 736], sizes = [200, 32], strides = [1, 1]} : vector<400x768xf32> to vector<200x32xf32>
    %dot_general3A_563 = arith.constant dense<0.000000e+00> : vector<200x200xf32>
    %dot_general3A_564 = tpu.matmul %slice3A_560, %slice3A_561, %dot_general3A_563 {dimension_numbers = #tpu.dot_dimension_numbers<[1], [1], [0], [0], [0, 0, 1, 0], [], []>, transpose_lhs_hint = false} : vector<200x32xf32>, vector<200x32xf32>, vector<200x200xf32> -> vector<200x200xf32>
    %exp3A_565 = math.exp %dot_general3A_564 : vector<200x200xf32>
    %mul3A_566 = arith.mulf %exp3A_565, %get3A_12 : vector<200x200xf32>
    %dot_general3A_567 = arith.constant dense<0.000000e+00> : vector<200x32xf32>
    %dot_general3A_568 = tpu.matmul %mul3A_566, %slice3A_562, %dot_general3A_567 {dimension_numbers = #tpu.dot_dimension_numbers<[1], [0], [0], [1], [0, 0, 1, 1], [], []>, transpose_lhs_hint = false} : vector<200x200xf32>, vector<200x32xf32>, vector<200x32xf32> -> vector<200x32xf32>
    %reduce_sum3A_569 = arith.constant dense<0.000000e+00> : vector<200xf32>
    %reduce_sum3A_570 = vector.multi_reduction <add>, %mul3A_566, %reduce_sum3A_569 [1] : vector<200x200xf32> to vector<200xf32>
    %broadcast_in_dim3A_571 = vector.shape_cast %reduce_sum3A_570 : vector<200xf32> to vector<200x1xf32>
    %div3A_572 = vector.broadcast %broadcast_in_dim3A_571 : vector<200x1xf32> to vector<200x32xf32>
    %div3A_573 = arith.divf %dot_general3A_568, %div3A_572 : vector<200x32xf32>
    %slice3A_574 = vector.extract_strided_slice %add3A_356 {offsets = [200, 224], sizes = [200, 32], strides = [1, 1]} : vector<400x768xf32> to vector<200x32xf32>
    %slice3A_575 = vector.extract_strided_slice %add3A_356 {offsets = [200, 480], sizes = [200, 32], strides = [1, 1]} : vector<400x768xf32> to vector<200x32xf32>
    %slice3A_576 = vector.extract_strided_slice %add3A_356 {offsets = [200, 736], sizes = [200, 32], strides = [1, 1]} : vector<400x768xf32> to vector<200x32xf32>
    %dot_general3A_577 = arith.constant dense<0.000000e+00> : vector<200x200xf32>
    %dot_general3A_578 = tpu.matmul %slice3A_574, %slice3A_575, %dot_general3A_577 {dimension_numbers = #tpu.dot_dimension_numbers<[1], [1], [0], [0], [0, 0, 1, 0], [], []>, transpose_lhs_hint = false} : vector<200x32xf32>, vector<200x32xf32>, vector<200x200xf32> -> vector<200x200xf32>
    %exp3A_579 = math.exp %dot_general3A_578 : vector<200x200xf32>
    %mul3A_580 = arith.mulf %exp3A_579, %get3A_12 : vector<200x200xf32>
    %dot_general3A_581 = arith.constant dense<0.000000e+00> : vector<200x32xf32>
    %dot_general3A_582 = tpu.matmul %mul3A_580, %slice3A_576, %dot_general3A_581 {dimension_numbers = #tpu.dot_dimension_numbers<[1], [0], [0], [1], [0, 0, 1, 1], [], []>, transpose_lhs_hint = false} : vector<200x200xf32>, vector<200x32xf32>, vector<200x32xf32> -> vector<200x32xf32>
    %reduce_sum3A_583 = arith.constant dense<0.000000e+00> : vector<200xf32>
    %reduce_sum3A_584 = vector.multi_reduction <add>, %mul3A_580, %reduce_sum3A_583 [1] : vector<200x200xf32> to vector<200xf32>
    %broadcast_in_dim3A_585 = vector.shape_cast %reduce_sum3A_584 : vector<200xf32> to vector<200x1xf32>
    %div3A_586 = vector.broadcast %broadcast_in_dim3A_585 : vector<200x1xf32> to vector<200x32xf32>
    %div3A_587 = arith.divf %dot_general3A_582, %div3A_586 : vector<200x32xf32>
    %concatenate3A_588 = tpu.concatenate %div3A_573, %div3A_587 in 0 : vector<200x32xf32>, vector<200x32xf32> -> vector<400x32xf32>
    %concatenate3A_589 = tpu.concatenate %concatenate3A_385, %concatenate3A_414, %concatenate3A_443, %concatenate3A_472, %concatenate3A_501, %concatenate3A_530, %concatenate3A_559, %concatenate3A_588 in 1 : vector<400x32xf32>, vector<400x32xf32>, vector<400x32xf32>, vector<400x32xf32>, vector<400x32xf32>, vector<400x32xf32>, vector<400x32xf32>, vector<400x32xf32> -> vector<400x256xf32>
    %get3A_590 = arith.constant 0 : index
    %get3A_591 = arith.constant 0 : index
    %get3A_592 = vector.load %arg20[%get3A_590, %get3A_591] : memref<256x256xf32, #tpu.memory_space<vmem>>, vector<256x256xf32>
    %dot_general3A_593 = arith.constant dense<0.000000e+00> : vector<400x256xf32>
    %dot_general3A_594 = tpu.matmul %concatenate3A_589, %get3A_592, %dot_general3A_593 {dimension_numbers = #tpu.dot_dimension_numbers<[1], [1], [0], [0], [0, 0, 1, 0], [], []>, transpose_lhs_hint = false} : vector<400x256xf32>, vector<256x256xf32>, vector<400x256xf32> -> vector<400x256xf32>
    %get3A_595 = arith.constant 0 : index
    %get3A_596 = vector.load %arg21[%get3A_595] : memref<256xf32, #tpu.memory_space<vmem>>, vector<256xf32>
    %broadcast_in_dim3A_597 = vector.shape_cast %get3A_596 : vector<256xf32> to vector<1x256xf32>
    %add3A_598 = vector.broadcast %broadcast_in_dim3A_597 : vector<1x256xf32> to vector<400x256xf32>
    %add3A_599 = arith.addf %dot_general3A_594, %add3A_598 : vector<400x256xf32>
    %add3A_600 = arith.addf %add3A_346, %add3A_599 : vector<400x256xf32>
    %get3A_601 = arith.constant 0 : index
    %get3A_602 = vector.load %arg22[%get3A_601] : memref<256xf32, #tpu.memory_space<vmem>>, vector<256xf32>
    %get3A_603 = arith.constant 0 : index
    %get3A_604 = vector.load %arg23[%get3A_603] : memref<256xf32, #tpu.memory_space<vmem>>, vector<256xf32>
    %reduce_sum3A_605 = arith.constant dense<0.000000e+00> : vector<400xf32>
    %reduce_sum3A_606 = vector.multi_reduction <add>, %add3A_600, %reduce_sum3A_605 [1] : vector<400x256xf32> to vector<400xf32>
    %broadcast_in_dim3A_607 = vector.shape_cast %reduce_sum3A_606 : vector<400xf32> to vector<400x1xf32>
    %div3A_608 = arith.constant 2.560000e+02 : f32
    %div3A_609 = vector.broadcast %div3A_608 : f32 to vector<400x1xf32>
    %div3A_610 = arith.divf %broadcast_in_dim3A_607, %div3A_609 : vector<400x1xf32>
    %sub3A_611 = vector.broadcast %div3A_610 : vector<400x1xf32> to vector<400x256xf32>
    %sub3A_612 = arith.subf %add3A_600, %sub3A_611 : vector<400x256xf32>
    %integer_pow3A_613 = arith.mulf %sub3A_612, %sub3A_612 : vector<400x256xf32>
    %reduce_sum3A_614 = arith.constant dense<0.000000e+00> : vector<400xf32>
    %reduce_sum3A_615 = vector.multi_reduction <add>, %integer_pow3A_613, %reduce_sum3A_614 [1] : vector<400x256xf32> to vector<400xf32>
    %broadcast_in_dim3A_616 = vector.shape_cast %reduce_sum3A_615 : vector<400xf32> to vector<400x1xf32>
    %div3A_617 = arith.constant 2.560000e+02 : f32
    %div3A_618 = vector.broadcast %div3A_617 : f32 to vector<400x1xf32>
    %div3A_619 = arith.divf %broadcast_in_dim3A_616, %div3A_618 : vector<400x1xf32>
    %sub3A_620 = vector.broadcast %div3A_610 : vector<400x1xf32> to vector<400x256xf32>
    %sub3A_621 = arith.subf %add3A_600, %sub3A_620 : vector<400x256xf32>
    %add3A_622 = arith.constant 9.99999974E-6 : f32
    %add3A_623 = vector.broadcast %add3A_622 : f32 to vector<400x1xf32>
    %add3A_624 = arith.addf %div3A_619, %add3A_623 : vector<400x1xf32>
    %sqrt3A_625 = math.sqrt %add3A_624 : vector<400x1xf32>
    %div3A_626 = vector.broadcast %sqrt3A_625 : vector<400x1xf32> to vector<400x256xf32>
    %div3A_627 = arith.divf %sub3A_621, %div3A_626 : vector<400x256xf32>
    %broadcast_in_dim3A_628 = vector.shape_cast %get3A_602 : vector<256xf32> to vector<1x256xf32>
    %mul3A_629 = vector.broadcast %broadcast_in_dim3A_628 : vector<1x256xf32> to vector<400x256xf32>
    %mul3A_630 = arith.mulf %div3A_627, %mul3A_629 : vector<400x256xf32>
    %broadcast_in_dim3A_631 = vector.shape_cast %get3A_604 : vector<256xf32> to vector<1x256xf32>
    %add3A_632 = vector.broadcast %broadcast_in_dim3A_631 : vector<1x256xf32> to vector<400x256xf32>
    %add3A_633 = arith.addf %mul3A_630, %add3A_632 : vector<400x256xf32>
    %get3A_634 = arith.constant 0 : index
    %get3A_635 = arith.constant 0 : index
    %get3A_636 = vector.load %arg24[%get3A_634, %get3A_635] : memref<1024x256xf32, #tpu.memory_space<vmem>>, vector<1024x256xf32>
    %dot_general3A_637 = arith.constant dense<0.000000e+00> : vector<400x1024xf32>
    %dot_general3A_638 = tpu.matmul %add3A_633, %get3A_636, %dot_general3A_637 {dimension_numbers = #tpu.dot_dimension_numbers<[1], [1], [0], [0], [0, 0, 1, 0], [], []>, transpose_lhs_hint = false} : vector<400x256xf32>, vector<1024x256xf32>, vector<400x1024xf32> -> vector<400x1024xf32>
    %get3A_639 = arith.constant 0 : index
    %get3A_640 = vector.load %arg25[%get3A_639] : memref<1024xf32, #tpu.memory_space<vmem>>, vector<1024xf32>
    %broadcast_in_dim3A_641 = vector.shape_cast %get3A_640 : vector<1024xf32> to vector<1x1024xf32>
    %add3A_642 = vector.broadcast %broadcast_in_dim3A_641 : vector<1x1024xf32> to vector<400x1024xf32>
    %add3A_643 = arith.addf %dot_general3A_638, %add3A_642 : vector<400x1024xf32>
    %max3A_644 = arith.constant 0.000000e+00 : f32
    %max3A_645 = vector.broadcast %max3A_644 : f32 to vector<400x1024xf32>
    %max3A_646 = arith.maximumf %add3A_643, %max3A_645 : vector<400x1024xf32>
    %get3A_647 = arith.constant 0 : index
    %get3A_648 = arith.constant 0 : index
    %get3A_649 = vector.load %arg26[%get3A_647, %get3A_648] : memref<256x1024xf32, #tpu.memory_space<vmem>>, vector<256x1024xf32>
    %dot_general3A_650 = arith.constant dense<0.000000e+00> : vector<400x256xf32>
    %dot_general3A_651 = tpu.matmul %max3A_646, %get3A_649, %dot_general3A_650 {dimension_numbers = #tpu.dot_dimension_numbers<[1], [1], [0], [0], [0, 0, 1, 0], [], []>, transpose_lhs_hint = false} : vector<400x1024xf32>, vector<256x1024xf32>, vector<400x256xf32> -> vector<400x256xf32>
    %get3A_652 = arith.constant 0 : index
    %get3A_653 = vector.load %arg27[%get3A_652] : memref<256xf32, #tpu.memory_space<vmem>>, vector<256xf32>
    %broadcast_in_dim3A_654 = vector.shape_cast %get3A_653 : vector<256xf32> to vector<1x256xf32>
    %add3A_655 = vector.broadcast %broadcast_in_dim3A_654 : vector<1x256xf32> to vector<400x256xf32>
    %add3A_656 = arith.addf %dot_general3A_651, %add3A_655 : vector<400x256xf32>
    %add3A_657 = arith.addf %add3A_633, %add3A_656 : vector<400x256xf32>
    %get3A_658 = arith.constant 0 : index
    %get3A_659 = vector.load %arg28[%get3A_658] : memref<256xf32, #tpu.memory_space<vmem>>, vector<256xf32>
    %get3A_660 = arith.constant 0 : index
    %get3A_661 = vector.load %arg29[%get3A_660] : memref<256xf32, #tpu.memory_space<vmem>>, vector<256xf32>
    %reduce_sum3A_662 = arith.constant dense<0.000000e+00> : vector<400xf32>
    %reduce_sum3A_663 = vector.multi_reduction <add>, %add3A_657, %reduce_sum3A_662 [1] : vector<400x256xf32> to vector<400xf32>
    %broadcast_in_dim3A_664 = vector.shape_cast %reduce_sum3A_663 : vector<400xf32> to vector<400x1xf32>
    %div3A_665 = arith.constant 2.560000e+02 : f32
    %div3A_666 = vector.broadcast %div3A_665 : f32 to vector<400x1xf32>
    %div3A_667 = arith.divf %broadcast_in_dim3A_664, %div3A_666 : vector<400x1xf32>
    %sub3A_668 = vector.broadcast %div3A_667 : vector<400x1xf32> to vector<400x256xf32>
    %sub3A_669 = arith.subf %add3A_657, %sub3A_668 : vector<400x256xf32>
    %integer_pow3A_670 = arith.mulf %sub3A_669, %sub3A_669 : vector<400x256xf32>
    %reduce_sum3A_671 = arith.constant dense<0.000000e+00> : vector<400xf32>
    %reduce_sum3A_672 = vector.multi_reduction <add>, %integer_pow3A_670, %reduce_sum3A_671 [1] : vector<400x256xf32> to vector<400xf32>
    %broadcast_in_dim3A_673 = vector.shape_cast %reduce_sum3A_672 : vector<400xf32> to vector<400x1xf32>
    %div3A_674 = arith.constant 2.560000e+02 : f32
    %div3A_675 = vector.broadcast %div3A_674 : f32 to vector<400x1xf32>
    %div3A_676 = arith.divf %broadcast_in_dim3A_673, %div3A_675 : vector<400x1xf32>
    %sub3A_677 = vector.broadcast %div3A_667 : vector<400x1xf32> to vector<400x256xf32>
    %sub3A_678 = arith.subf %add3A_657, %sub3A_677 : vector<400x256xf32>
    %add3A_679 = arith.constant 9.99999974E-6 : f32
    %add3A_680 = vector.broadcast %add3A_679 : f32 to vector<400x1xf32>
    %add3A_681 = arith.addf %div3A_676, %add3A_680 : vector<400x1xf32>
    %sqrt3A_682 = math.sqrt %add3A_681 : vector<400x1xf32>
    %div3A_683 = vector.broadcast %sqrt3A_682 : vector<400x1xf32> to vector<400x256xf32>
    %div3A_684 = arith.divf %sub3A_678, %div3A_683 : vector<400x256xf32>
    %broadcast_in_dim3A_685 = vector.shape_cast %get3A_659 : vector<256xf32> to vector<1x256xf32>
    %mul3A_686 = vector.broadcast %broadcast_in_dim3A_685 : vector<1x256xf32> to vector<400x256xf32>
    %mul3A_687 = arith.mulf %div3A_684, %mul3A_686 : vector<400x256xf32>
    %broadcast_in_dim3A_688 = vector.shape_cast %get3A_661 : vector<256xf32> to vector<1x256xf32>
    %add3A_689 = vector.broadcast %broadcast_in_dim3A_688 : vector<1x256xf32> to vector<400x256xf32>
    %add3A_690 = arith.addf %mul3A_687, %add3A_689 : vector<400x256xf32>
    %get3A_691 = arith.constant 0 : index
    %get3A_692 = arith.constant 0 : index
    %get3A_693 = vector.load %arg30[%get3A_691, %get3A_692] : memref<128x256xf32, #tpu.memory_space<vmem>>, vector<128x256xf32>
    %dot_general3A_694 = arith.constant dense<0.000000e+00> : vector<400x128xf32>
    %dot_general3A_695 = tpu.matmul %add3A_690, %get3A_693, %dot_general3A_694 {dimension_numbers = #tpu.dot_dimension_numbers<[1], [1], [0], [0], [0, 0, 1, 0], [], []>, transpose_lhs_hint = false} : vector<400x256xf32>, vector<128x256xf32>, vector<400x128xf32> -> vector<400x128xf32>
    %get3A_696 = arith.constant 0 : index
    %get3A_697 = vector.load %arg31[%get3A_696] : memref<128xf32, #tpu.memory_space<vmem>>, vector<128xf32>
    %broadcast_in_dim3A_698 = vector.shape_cast %get3A_697 : vector<128xf32> to vector<1x128xf32>
    %add3A_699 = vector.broadcast %broadcast_in_dim3A_698 : vector<1x128xf32> to vector<400x128xf32>
    %add3A_700 = arith.addf %dot_general3A_695, %add3A_699 : vector<400x128xf32>
    %get3A_701 = arith.constant 0 : index
    %get3A_702 = arith.constant 0 : index
    %get3A_703 = vector.load %arg3[%get3A_701, %get3A_702] : memref<8x400xf32, #tpu.memory_space<vmem>>, vector<8x400xf32>
    %dot_general3A_704 = arith.constant dense<0.000000e+00> : vector<8x128xf32>
    %dot_general3A_705 = tpu.matmul %get3A_703, %add3A_700, %dot_general3A_704 {dimension_numbers = #tpu.dot_dimension_numbers<[1], [0], [0], [1], [0, 0, 1, 1], [], []>, transpose_lhs_hint = false} : vector<8x400xf32>, vector<400x128xf32>, vector<8x128xf32> -> vector<8x128xf32>
    %get3A_706 = arith.constant 0 : index
    %get3A_707 = arith.constant 0 : index
    %get3A_708 = vector.load %arg32[%get3A_706, %get3A_707] : memref<256x128xf32, #tpu.memory_space<vmem>>, vector<256x128xf32>
    %dot_general3A_709 = arith.constant dense<0.000000e+00> : vector<8x256xf32>
    %dot_general3A_710 = tpu.matmul %dot_general3A_705, %get3A_708, %dot_general3A_709 {dimension_numbers = #tpu.dot_dimension_numbers<[1], [1], [0], [0], [0, 0, 1, 0], [], []>, transpose_lhs_hint = false} : vector<8x128xf32>, vector<256x128xf32>, vector<8x256xf32> -> vector<8x256xf32>
    %get3A_711 = arith.constant 0 : index
    %get3A_712 = vector.load %arg33[%get3A_711] : memref<256xf32, #tpu.memory_space<vmem>>, vector<256xf32>
    %broadcast_in_dim3A_713 = vector.shape_cast %get3A_712 : vector<256xf32> to vector<1x256xf32>
    %add3A_714 = vector.broadcast %broadcast_in_dim3A_713 : vector<1x256xf32> to vector<8x256xf32>
    %add3A_715 = arith.addf %dot_general3A_710, %add3A_714 : vector<8x256xf32>
    %max3A_716 = arith.constant 0.000000e+00 : f32
    %max3A_717 = vector.broadcast %max3A_716 : f32 to vector<8x256xf32>
    %max3A_718 = arith.maximumf %add3A_715, %max3A_717 : vector<8x256xf32>
    %get3A_719 = arith.constant 0 : index
    %get3A_720 = arith.constant 0 : index
    %get3A_721 = vector.load %arg34[%get3A_719, %get3A_720] : memref<1x256xf32, #tpu.memory_space<vmem>>, vector<1x256xf32>
    %mul3A_722 = vector.broadcast %get3A_721 : vector<1x256xf32> to vector<8x256xf32>
    %mul3A_723 = arith.mulf %max3A_718, %mul3A_722 : vector<8x256xf32>
    %reduce_sum3A_724 = arith.constant dense<0.000000e+00> : vector<8xf32>
    %reduce_sum3A_725 = vector.multi_reduction <add>, %mul3A_723, %reduce_sum3A_724 [1] : vector<8x256xf32> to vector<8xf32>
    %broadcast_in_dim3A_726 = vector.shape_cast %reduce_sum3A_725 : vector<8xf32> to vector<8x1xf32>
    %get3A_727 = arith.constant 0 : index
    %get3A_728 = vector.load %arg35[%get3A_727] : memref<1xf32, #tpu.memory_space<vmem>>, vector<1xf32>
    %get3A_729 = vector.extract %get3A_728[0] : f32 from vector<1xf32>
    %add3A_730 = vector.broadcast %get3A_729 : f32 to vector<8x1xf32>
    %add3A_731 = arith.addf %broadcast_in_dim3A_726, %add3A_730 : vector<8x1xf32>
    %swap3A = arith.constant 0 : index
    %swap3A_732 = arith.constant 0 : index
    %swap3A_733 = vector.load %arg36[%swap3A, %swap3A_732] : memref<8x1xf32, #tpu.memory_space<vmem>>, vector<8x1xf32>
    tpu.vector_store %arg36[%swap3A, %swap3A_732], %add3A_731 {strides = array<i32>} : memref<8x1xf32, #tpu.memory_space<vmem>>, vector<8x1xf32>,
    return
  }
  func.func @transform_0(%arg0: i32) -> (i32, i32, i32) {
    %c0_i32 = arith.constant 0 : i32
    %c0_i32_0 = arith.constant 0 : i32
    %c0_i32_1 = arith.constant 0 : i32
    return %arg0, %c0_i32, %c0_i32_0 : i32, i32, i32
  }
  func.func @transform_1(%arg0: i32) -> (i32, i32) {
    %c0_i32 = arith.constant 0 : i32
    %c0_i32_0 = arith.constant 0 : i32
    %c0_i32_1 = arith.constant 0 : i32
    return %c0_i32, %c0_i32_0 : i32, i32
  }
  func.func @transform_2(%arg0: i32) -> (i32, i32) {
    %c0_i32 = arith.constant 0 : i32
    %c0_i32_0 = arith.constant 0 : i32
    %c0_i32_1 = arith.constant 0 : i32
    return %c0_i32, %c0_i32_0 : i32, i32
  }
  func.func @transform_3(%arg0: i32) -> (i32, i32) {
    %c0_i32 = arith.constant 0 : i32
    %c0_i32_0 = arith.constant 0 : i32
    %c0_i32_1 = arith.constant 0 : i32
    return %c0_i32, %c0_i32_0 : i32, i32
  }
  func.func @transform_4(%arg0: i32) -> i32 {
    %c0_i32 = arith.constant 0 : i32
    %c0_i32_0 = arith.constant 0 : i32
    return %c0_i32 : i32
  }
  func.func @transform_5(%arg0: i32) -> (i32, i32) {
    %c0_i32 = arith.constant 0 : i32
    %c0_i32_0 = arith.constant 0 : i32
    %c0_i32_1 = arith.constant 0 : i32
    return %c0_i32, %c0_i32_0 : i32, i32
  }
  func.func @transform_6(%arg0: i32) -> i32 {
    %c0_i32 = arith.constant 0 : i32
    %c0_i32_0 = arith.constant 0 : i32
    return %c0_i32 : i32
  }
  func.func @transform_7(%arg0: i32) -> (i32, i32) {
    %c0_i32 = arith.constant 0 : i32
    %c0_i32_0 = arith.constant 0 : i32
    %c0_i32_1 = arith.constant 0 : i32
    return %c0_i32, %c0_i32_0 : i32, i32
  }
  func.func @transform_8(%arg0: i32) -> i32 {
    %c0_i32 = arith.constant 0 : i32
    %c0_i32_0 = arith.constant 0 : i32
    return %c0_i32 : i32
  }
  func.func @transform_9(%arg0: i32) -> i32 {
    %c0_i32 = arith.constant 0 : i32
    %c0_i32_0 = arith.constant 0 : i32
    return %c0_i32 : i32
  }
  func.func @transform_10(%arg0: i32) -> i32 {
    %c0_i32 = arith.constant 0 : i32
    %c0_i32_0 = arith.constant 0 : i32
    return %c0_i32 : i32
  }
  func.func @transform_11(%arg0: i32) -> (i32, i32) {
    %c0_i32 = arith.constant 0 : i32
    %c0_i32_0 = arith.constant 0 : i32
    %c0_i32_1 = arith.constant 0 : i32
    return %c0_i32, %c0_i32_0 : i32, i32
  }
  func.func @transform_12(%arg0: i32) -> i32 {
    %c0_i32 = arith.constant 0 : i32
    %c0_i32_0 = arith.constant 0 : i32
    return %c0_i32 : i32
  }
  func.func @transform_13(%arg0: i32) -> (i32, i32) {
    %c0_i32 = arith.constant 0 : i32
    %c0_i32_0 = arith.constant 0 : i32
    %c0_i32_1 = arith.constant 0 : i32
    return %c0_i32, %c0_i32_0 : i32, i32
  }
  func.func @transform_14(%arg0: i32) -> i32 {
    %c0_i32 = arith.constant 0 : i32
    %c0_i32_0 = arith.constant 0 : i32
    return %c0_i32 : i32
  }
  func.func @transform_15(%arg0: i32) -> i32 {
    %c0_i32 = arith.constant 0 : i32
    %c0_i32_0 = arith.constant 0 : i32
    return %c0_i32 : i32
  }
  func.func @transform_16(%arg0: i32) -> i32 {
    %c0_i32 = arith.constant 0 : i32
    %c0_i32_0 = arith.constant 0 : i32
    return %c0_i32 : i32
  }
  func.func @transform_17(%arg0: i32) -> (i32, i32) {
    %c0_i32 = arith.constant 0 : i32
    %c0_i32_0 = arith.constant 0 : i32
    %c0_i32_1 = arith.constant 0 : i32
    return %c0_i32, %c0_i32_0 : i32, i32
  }
  func.func @transform_18(%arg0: i32) -> i32 {
    %c0_i32 = arith.constant 0 : i32
    %c0_i32_0 = arith.constant 0 : i32
    return %c0_i32 : i32
  }
  func.func @transform_19(%arg0: i32) -> (i32, i32) {
    %c0_i32 = arith.constant 0 : i32
    %c0_i32_0 = arith.constant 0 : i32
    %c0_i32_1 = arith.constant 0 : i32
    return %c0_i32, %c0_i32_0 : i32, i32
  }
  func.func @transform_20(%arg0: i32) -> i32 {
    %c0_i32 = arith.constant 0 : i32
    %c0_i32_0 = arith.constant 0 : i32
    return %c0_i32 : i32
  }
  func.func @transform_21(%arg0: i32) -> i32 {
    %c0_i32 = arith.constant 0 : i32
    %c0_i32_0 = arith.constant 0 : i32
    return %c0_i32 : i32
  }
  func.func @transform_22(%arg0: i32) -> i32 {
    %c0_i32 = arith.constant 0 : i32
    %c0_i32_0 = arith.constant 0 : i32
    return %c0_i32 : i32
  }
  func.func @transform_23(%arg0: i32) -> (i32, i32) {
    %c0_i32 = arith.constant 0 : i32
    %c0_i32_0 = arith.constant 0 : i32
    %c0_i32_1 = arith.constant 0 : i32
    return %c0_i32, %c0_i32_0 : i32, i32
  }
  func.func @transform_24(%arg0: i32) -> i32 {
    %c0_i32 = arith.constant 0 : i32
    %c0_i32_0 = arith.constant 0 : i32
    return %c0_i32 : i32
  }
  func.func @transform_25(%arg0: i32) -> (i32, i32) {
    %c0_i32 = arith.constant 0 : i32
    %c0_i32_0 = arith.constant 0 : i32
    %c0_i32_1 = arith.constant 0 : i32
    return %c0_i32, %c0_i32_0 : i32, i32
  }
  func.func @transform_26(%arg0: i32) -> i32 {
    %c0_i32 = arith.constant 0 : i32
    %c0_i32_0 = arith.constant 0 : i32
    return %c0_i32 : i32
  }
  func.func @transform_27(%arg0: i32) -> i32 {
    %c0_i32 = arith.constant 0 : i32
    %c0_i32_0 = arith.constant 0 : i32
    return %c0_i32 : i32
  }
  func.func @transform_28(%arg0: i32) -> i32 {
    %c0_i32 = arith.constant 0 : i32
    %c0_i32_0 = arith.constant 0 : i32
    return %c0_i32 : i32
  }
  func.func @transform_29(%arg0: i32) -> (i32, i32) {
    %c0_i32 = arith.constant 0 : i32
    %c0_i32_0 = arith.constant 0 : i32
    %c0_i32_1 = arith.constant 0 : i32
    return %c0_i32, %c0_i32_0 : i32, i32
  }
  func.func @transform_30(%arg0: i32) -> i32 {
    %c0_i32 = arith.constant 0 : i32
    %c0_i32_0 = arith.constant 0 : i32
    return %c0_i32 : i32
  }
  func.func @transform_31(%arg0: i32) -> (i32, i32) {
    %c0_i32 = arith.constant 0 : i32
    %c0_i32_0 = arith.constant 0 : i32
    %c0_i32_1 = arith.constant 0 : i32
    return %c0_i32, %c0_i32_0 : i32, i32
  }
  func.func @transform_32(%arg0: i32) -> i32 {
    %c0_i32 = arith.constant 0 : i32
    %c0_i32_0 = arith.constant 0 : i32
    return %c0_i32 : i32
  }
  func.func @transform_33(%arg0: i32) -> (i32, i32) {
    %c0_i32 = arith.constant 0 : i32
    %c0_i32_0 = arith.constant 0 : i32
    %c0_i32_1 = arith.constant 0 : i32
    return %c0_i32, %c0_i32_0 : i32, i32
  }
  func.func @transform_34(%arg0: i32) -> i32 {
    %c0_i32 = arith.constant 0 : i32
    %c0_i32_0 = arith.constant 0 : i32
    return %c0_i32 : i32
  }
  func.func @transform_35(%arg0: i32) -> (i32, i32) {
    %c0_i32 = arith.constant 0 : i32
    %c0_i32_0 = arith.constant 0 : i32
    return %arg0, %c0_i32 : i32, i32
  }
}

</mosaic_0001>

<sc_bundles>
// kernel: kernel.6.cloned.1.call-start
scs
__scs_entry_jumppad:
0x0: {  	(pc) =	sbr.rel $0x88, $3  }
0x1: {  	(tag) =	ssettag $0x0;
	lr =	simm.s32 $0x1  }
0x2: {  	[smem:$0x3F7D] =	sst lr;
	_ =	strace $0xD0000000  }
0x3: {  	_ = 	snop  }
0x4: {  	_ = 	snop  }
0x5: {  	_ = 	snop  }
0x6: {  	_ = 	snop  }
0x7: {  	_ = 	snop  }
__scs_overlays_trampoline_lowered:
0x8: {  	[smem:$0x3F8C] =	sst s0  }
0x9: {  	[smem:$0x3F8D] =	sst s1  }
0xa: {  	[smem:$0x3F8E] =	sst s2  }
0xb: {  	[smem:$0x3F8F] =	sst s3  }
0xc: {  	[smem:$0x3F90] =	sst s4  }
0xd: {  	[smem:$0x3F91] =	sst s5  }
0xe: {  	[smem:$0x3F92] =	sst s6  }
0xf: {  	[smem:$0x3F93] =	sst s7  }
0x10: {  	[smem:$0x3F94] =	sst s8  }
0x11: {  	[smem:$0x3F95] =	sst s9;
	s0 =	simm.s32 @!p0 $0x0  }
0x12: {  	s1 =	sld [smem:$0x3F7B];
	s0 =	simm.s32 @p0 $0x1  }
0x13: {  	[smem:$0x3F96] =	sst s0;
	s0 =	simm.s32 @!p1 $0x0  }
0x14: {  	s2 =	sld [smem:$0x3F7A];
	s0 =	simm.s32 @p1 $0x1  }
0x15: {  	[smem:$0x3F97] =	sst s0;
	s0 =	simm.s32 @!p2 $0x0  }
0x16: {  	s3 =	sld [smem:$0x3FDB];
	s0 =	simm.s32 @p2 $0x1  }
0x17: {  	s4 =	simm.s32 $0x1BF5;
	[smem:$0x3F99] =	sst s0  }
0x18: {  	s0 =	sld [smem:$0x3F7C];
	_ =	swait.ge [sflag:s4], $0x0  }
0x19: {  	s7 =	sld [smem:$0x3F7D]  }
0x1a: {  	s8 =	sadd.s32 $0xFFFFE003, lr  }
0x1b: {  	s9 =	sadd.s32 $0xFFFFFEF7, lr;
	s5 =	simm.s32 $0xFFFFFFFF;
	p2 =	slt.u32 s8, $0xFFFFF086  }
0x1c: {  	p1 =	slt.u32 s9, $0xF7A;
	s5 =	simm.s32 @!p2 $0x0  }
0x1d: {  	s5 =	simm.s32 @p1 $0x1;
	p0 =	seq.s32 s7, s2  }
0x1e: {  	s7 =	smul.u32 @!p0 $0xF7A, s2;
	p2 =	seq.s32 @!p0 s5, $0x0  }
0x1f: {  	s9 =	smul.u32 $0xF7A, s1;
	s8 =	simm.s32 @!p0 $0x1BF5;
	p2 =	por !p2, p0  }
0x20: {  	[sflag:s8] =	ssyncset.s32 @!p0 $0xFFFFF086;
	s6 =	sadd.s32 @!p0 s3, s7;
	s7 =	simm.s32 @!p0 $0x108  }
0x21: {  	s3 =	sadd.s32 s3, s9;
	s6 =	sadd.s32 @!p0 $0x88, s6;
	s7 =	simm.s32 @p2 $0x1082  }
0x22: {  	[simem:s7], [sflag:s8] =	dma.local @!p0 [hbm:s6], $0xF7A  }
0x23: {  	s9 =	sor.u32 $0xD0000000, s2;
	s6 =	simm.s32 $0x108;
	_ =	swait.ge @!p0 [sflag:s8], $0x0  }
0x24: {  	s3 =	sadd.s32 $0x88, s3;
	s6 =	simm.s32 @!p1 $0x1082;
	[sflag:s4] =	ssyncset.s32 $0xFFFFF086  }
0x25: {  	[simem:s6], [sflag:s4] =	dma.local [hbm:s3], $0xF7A  }
0x26: {  	[smem:$0x3F7D] =	sst s1;
	(tag) =	ssettag s2;
	_ =	strace s9  }
0x27: {  	s1 =	sld [smem:$0x3F8D]  }
0x28: {  	s2 =	sld [smem:$0x3F8E]  }
0x29: {  	s4 =	sld [smem:$0x3F90]  }
0x2a: {  	p0 =	seq.s32 s5, $0x0;
	s5 =	sld [smem:$0x3F91]  }
0x2b: {  	s6 =	sld [smem:$0x3F92]  }
0x2c: {  	s7 =	sld [smem:$0x3F93]  }
0x2d: {  	s3 =	simm.s32 $0x108;
	s8 =	sld [smem:$0x3F94]  }
0x2e: {  	s3 =	simm.s32 @!p0 $0x1082;
	s9 =	sld [smem:$0x3F95]  }
0x2f: {  	lr =	sadd.s32 s0, s3;
	s0 =	sld [smem:$0x3F8C]  }
0x30: {  	s3 =	sld [smem:$0x3F8F]  }
0x31: {  	[smem:$0x3F98] =	sst s10  }
0x32: {  	s10 =	sld [smem:$0x3F96];
	_ =	sdelay $0x3  }
0x33: {  	p0 =	seq.s32 s10, $0x1;
	s10 =	sld [smem:$0x3F98];
	_ =	sdelay $0x3  }
0x34: {  	[smem:$0x3F98] =	sst s10  }
0x35: {  	s10 =	sld [smem:$0x3F97];
	_ =	sdelay $0x3  }
0x36: {  	p1 =	seq.s32 s10, $0x1;
	s10 =	sld [smem:$0x3F98];
	_ =	sdelay $0x3  }
0x37: {  	[smem:$0x3F98] =	sst s10  }
0x38: {  	s10 =	sld [smem:$0x3F99]  }
0x39: {  	_ = 	snop;
	(pc) =	sbr.ind lr, $3  }
0x3a: {  	_ = 	snop  }
0x3b: {  	_ = 	snop  }
0x3c: {  	p2 =	seq.s32 s10, $0x1;
	s10 =	sld [smem:$0x3F98]  }
0x3d: {  	_ =	shalt  }
0x3e: {  	_ =	shalt  }
0x3f: {  	_ =	shalt  }
0x40: {  	_ =	shalt  }
0x41: {  	_ =	shalt  }
0x42: {  	_ =	shalt  }
0x43: {  	_ =	shalt  }
0x44: {  	_ =	shalt  }
0x45: {  	_ =	shalt  }
0x46: {  	_ =	shalt  }
0x47: {  	_ =	shalt  }
0x48: {  	_ =	shalt  }
0x49: {  	_ =	shalt  }
0x4a: {  	_ =	shalt  }
0x4b: {  	_ =	shalt  }
0x4c: {  	_ =	shalt  }
0x4d: {  	_ =	shalt  }
0x4e: {  	_ =	shalt  }
0x4f: {  	_ =	shalt  }
0x50: {  	_ =	shalt  }
0x51: {  	_ =	shalt  }
0x52: {  	_ =	shalt  }
0x53: {  	_ =	shalt  }
0x54: {  	_ =	shalt  }
0x55: {  	_ =	shalt  }
0x56: {  	_ =	shalt  }
0x57: {  	_ =	shalt  }
0x58: {  	_ =	shalt  }
0x59: {  	_ =	shalt  }
0x5a: {  	_ =	shalt  }
0x5b: {  	_ =	shalt  }
0x5c: {  	_ =	shalt  }
0x5d: {  	_ =	shalt  }
0x5e: {  	_ =	shalt  }
0x5f: {  	_ =	shalt  }
0x60: {  	_ =	shalt  }
0x61: {  	_ =	shalt  }
0x62: {  	_ =	shalt  }
0x63: {  	_ =	shalt  }
0x64: {  	_ =	shalt  }
0x65: {  	_ =	shalt  }
0x66: {  	_ =	shalt  }
0x67: {  	_ =	shalt  }
0x68: {  	_ =	shalt  }
0x69: {  	_ =	shalt  }
0x6a: {  	_ =	shalt  }
0x6b: {  	_ =	shalt  }
0x6c: {  	_ =	shalt  }
0x6d: {  	_ =	shalt  }
0x6e: {  	_ =	shalt  }
0x6f: {  	_ =	shalt  }
0x70: {  	_ =	shalt  }
0x71: {  	_ =	shalt  }
0x72: {  	_ =	shalt  }
0x73: {  	_ =	shalt  }
0x74: {  	_ =	shalt  }
0x75: {  	_ =	shalt  }
0x76: {  	_ =	shalt  }
0x77: {  	_ =	shalt  }
0x78: {  	_ =	shalt  }
0x79: {  	_ =	shalt  }
0x7a: {  	_ =	shalt  }
0x7b: {  	_ =	shalt  }
0x7c: {  	_ =	shalt  }
0x7d: {  	_ =	shalt  }
0x7e: {  	_ =	shalt  }
0x7f: {  	_ =	shalt  }
0x80: {  	_ =	shalt  }
0x81: {  	_ =	shalt  }
0x82: {  	_ =	shalt  }
0x83: {  	_ =	shalt  }
0x84: {  	_ =	shalt  }
0x85: {  	_ =	shalt  }
0x86: {  	_ =	shalt  }
0x87: {  	_ =	shalt  }
.Lfunc_end0:
.L_simem_size_0:
called_computation_lowered:
.L_overlay_start_0:
0x88: {  	s2 =	sld [smem:$0x3FD9]  }
0x89: {  	s3 =	sld [smem:$0x3FFE];
	_ =	sdelay $0x1  }
0x8a: {  	s1 =	srdreg.scid  }
0x8b: {  	s0 =	sand.u32 $0x1, s1  }
0x8c: {  	s17 =	sshll.u32 s0, $0xA;
	s2 =	sadd.s32 s3, s2  }
0x8d: {  	s2 =	sadd.s32 s2, s17  }
0x8e: {  	[smem:$0x3FA4] =	sst s2  }
0x8f: {  	_ = 	snop  }
0x90: {  	s2 =	sld [smem:$0x3FC7]  }
0x91: {  	s18 =	sld [smem:$0x3FC6];
	(tm) =	ssettm $0x1  }
0x92: {  	s4 =	sld [smem:$0x3FFB];
	_ =	sdelay $0x3  }
0x93: {  	_ =	strace s4  }
0x94: {  	s4 =	sld [smem:$0x3FFC];
	_ =	sdelay $0x3  }
0x95: {  	_ =	strace s4  }
0x96: {  	s4 =	sld [smem:$0x3FFD];
	_ =	sdelay $0x3  }
0x97: {  	_ =	strace s4  }
0x98: {  	_ =	strace $0x8FFFFFFF  }
0x99: {  	s19 =	sld [smem:$0x3FDB];
	_ =	sdelay $0x1  }
0x9a: {  	s5 =	simm.s32 $_scs_section_size  }
0x9b: {  	s6 =	simm.s32 $_size__tile_overlayer_lowered;
	s7 =	simm.s32 $_tile_overlayer_lowered  }
0x9c: {  	s22 =	simm.s32 $0x1BFF;
	s21 =	sshll.u32 s7, $0x1;
	s4 =	sadd.s32 s5, s19  }
0x9d: {  	s8 =	simm.s32 $0x0;
	s20 =	sshll.u32 s6, $0x1;
	s6 =	sadd.s32 s21, s4  }
0x9e: {  	[timem:s8], [sflag:s22] =	dma.local [hbm:s6], s20  }
0x9f: {  	_ =	swait.ge [sflag:s22], s20  }
0xa0: {  	s5 =	ssub.s32 $0x0, s20;
	[sflag:s22] =	ssyncset.done $0x0  }
0xa1: {  	[sflag:s22] =	ssyncadd.s32 s5;
	_ =	sdelay $0x1  }
0xa2: {  	s23 =	simm.s32 $0x1B8B  }
0xa3: {  	_ =	swait.ge [sflag:s23], $0x1  }
0xa4: {  	[sflag:s23] =	ssyncset.done $0x0  }
0xa5: {  	s25 =	simm.s32 $0x1B8E;
	s24 =	sld [smem:$0x3FFE];
	[sflag:s23] =	ssyncadd.s32 $0xFFFFFFFF  }
0xa6: {  	s26 =	simm.s32 $execute0_lowered;
	[smem:$0x3FD2] =	sst s25  }
0xa7: {  	s6 =	sshll.u32 s26, $0x1;
	_ =	strace $0x80000046;
	[dreg:$0x1] =	wrdreg $0xFFFFFFFF  }
0xa8: {  	s28 =	simm.s32 $_size_execute0_lowered;
	s4 =	sadd.s32 s4, s6;
	[dreg:$0x0] =	wrdreg $0x0  }
0xa9: {  	s6 =	sshll.u32 s28, $0x1;
	[dreg:$0x2] =	wrdreg s4  }
0xaa: {  	[dreg:$0x3] =	wrdreg s6  }
0xab: {  	[dreg:$0x4] =	wrdreg $0xC0  }
0xac: {  	_ =	task [dreg:s8], $0x5FFFF  }
0xad: {  	[dreg:$0x1] =	wrdreg $0xFFFFFFFF  }
0xae: {  	[dreg:$0x0] =	wrdreg $0x60  }
0xaf: {  	[dreg:$0x2] =	wrdreg s24  }
0xb0: {  	[dreg:$0x3] =	wrdreg s2  }
0xb1: {  	[dreg:$0x4] =	wrdreg s18  }
0xb2: {  	[dreg:$0x5] =	wrdreg $0x9  }
0xb3: {  	_ =	task.clear_ibuf [dreg:s8], $0x6FFFF;
	_ =	strace $0x90000046  }
0xb4: {  	s29 =	simm.s32 $0x9;
	_ =	strace $0x80000048  }
0xb5: {  	_ =	swait.ge [sflag:s29], $0x1  }
0xb6: {  	[sflag:s29] =	ssyncadd.s32 $0xFFFFFFFF  }
0xb7: {  	_ =	strace $0x90000048  }
0xb8: {  	_ =	sfence  }
0xb9: {  	s30 =	sld [smem:$0x0];
	_ =	sdelay $0x2  }
0xba: {  	s31 =	sshll.u32 s1, $0xD;
	s1 =	sshrl.u32 s1, $0x2  }
0xbb: {  	s3 =	sand.u32 $0x4000, s31;
	s1 =	sadd.s32 s1, s30  }
0xbc: {  	s0 =	sor.u32 s3, s0;
	s1 =	sshll.u32 s1, $0x11  }
0xbd: {  	s0 =	sor.u32 s1, s0  }
0xbe: {  	s0 =	sadd.s32 $0x8F2B, s0  }
0xbf: {  	[sflag:s0] =	ssyncadd.remote.s32 $0x1  }
0xc0: {  	_ =	sfence.sel $0xFFFF  }
0xc1: {  	[dreg:$0x0] =	wrdreg $0xFFFFFFFF;
	(pc) =	sbr.abs _section_cstart, $3  }
0xc2: {  	[dreg:$0x1] =	wrdreg $0xFFFFFFFF  }
0xc3: {  	_ =	task.clear_ibuf [dreg:s8], $0x2FFFF;
	_ =	strace $0x9FFFFFFF  }
0xc4: {  	(tm) =	ssettm $0x7FFFFFFF  }
0xc5: {  	_ =	shalt  }
tec
execute0_lowered:
.L_overlay_start_1:
0x0: {  	(tag) =	ssettag $0x1  }
0x1: {  	s1 =	srdreg.scid;
	s0 =	stileid.u32  }
0x2: {  	s1 =	sand.u32 $0x1, s1;
	s4 =	sshll.u32 s0, $0x1  }
0x3: {  	s5 =	rddreg [dreg:$0x0];
	s6 =	sor.u32 s1, s4  }
0x4: {  	s2 =	rddreg [dreg:$0x1];
	s4 =	simm.s32 $0x0;
	s7 =	sshll.u32 s6, $0x8  }
0x5: {  	[smem:$0x7FF] =	sst s4;
	s6 =	smul.u32 $0x3200, s6;
	s7 =	sadd.s32 s7, s5  }
0x6: {  	s3 =	rddreg [dreg:$0x2];
	_ =	strace $0x80000047;
	s8 =	sadd.s32 $0x5400, s7  }
0x7: {  	s31 =	sadd.s32 s6, s5;
	s15 =	sadd.s32 $0x7400, s7;
	[dreg:$0x4] =	wrdreg s8  }
0x8: {  	[dreg:$0x5] =	wrdreg s15;
	s16 =	sadd.s32 $0x9400, s31  }
0x9: {  	s17 =	sadd.s32 $0x9900, s31;
	[dreg:$0x6] =	wrdreg s16  }
0xa: {  	s18 =	sadd.s32 $0x9E00, s31;
	[dreg:$0x7] =	wrdreg s17  }
0xb: {  	s19 =	sadd.s32 $0xA300, s31;
	[dreg:$0x8] =	wrdreg s18  }
0xc: {  	s20 =	sadd.s32 $0xA800, s31;
	[dreg:$0x9] =	wrdreg s19  }
0xd: {  	s21 =	sadd.s32 $0xAD00, s31;
	[dreg:$0xa] =	wrdreg s20  }
0xe: {  	s22 =	sadd.s32 $0xB200, s31;
	[dreg:$0xb] =	wrdreg s21  }
0xf: {  	[dreg:$0xc] =	wrdreg s22  }
0x10: {  	s23 =	sadd.s32 $0xB700, s31;
	s24 =	rddreg [dreg:$0x4]  }
0x11: {  	s25 =	sadd.s32 $0xBC00, s31;
	[dreg:$0xd] =	wrdreg s23  }
0x12: {  	s5 =	simm.s32 $0x3;
	[dreg:$0xe] =	wrdreg s25  }
0x13: {  	[tilespmem:s4], [sflag:$0x3] =	stream.linear.gather [hbm4b:s24+s4], $0x500, $0x38;
	[tilespmem:$0x6000] =	vst v63  }
0x14: {  	_ =	swait.ge [sflag:s5], $0x500  }
0x15: {  	[sflag:s5] =	ssyncset.done $0x0  }
0x16: {  	s6 =	simm.s32 $0x800;
	s26 =	rddreg [dreg:$0x5];
	[sflag:s5] =	ssyncadd.s32 $0xFFFFFB00  }
0x17: {  	[tilespmem:s6], [sflag:$0x3] =	stream.linear.gather [hbm4b:s26+s4], $0x500, $0x38;
	[tilespmem:$0x6000] =	vst v63  }
0x18: {  	_ =	swait.ge [sflag:s5], $0x500  }
0x19: {  	s9 =	simm.s32 $0x1;
	[sflag:s5] =	ssyncset.done $0x0  }
0x1a: {  	s7 =	simm.s32 $0x50;
	s8 =	simm.s32 $0x1000;
	[sflag:s5] =	ssyncadd.s32 $0xFFFFFB00  }
0x1b: {  	[tilespmem:s8], [sflag:$0x1] =	stream.indirect.gather [hbm4b:s2+s7], $0x80, s4, s7, $0xb8;
	[tilespmem:$0x6000] =	vst v63  }
0x1c: {  	_ =	swait.ge [sflag:s9], $0x2800  }
0x1d: {  	[sflag:s9] =	ssyncset.done $0x0  }
0x1e: {  	[sflag:s9] =	ssyncadd.s32 $0xFFFFD800  }
0x1f: {  	[tilespmem:s8], [sflag:$0x1] =	stream.indirect.gather.add.f32 [hbm:s3], $0x80, s6, s7, $0xb8;
	[tilespmem:$0x6000] =	vst v63  }
0x20: {  	_ =	swait.ge [sflag:s9], $0x2800  }
0x21: {  	[sflag:s9] =	ssyncset.done $0x0  }
0x22: {  	s10 =	rddreg [dreg:$0x6];
	[sflag:s9] =	ssyncadd.s32 $0xFFFFD800  }
0x23: {  	[hbm4b:s10+s4] =	stream.linear.scatter [tilespmem:s8], [sflag:$0x1], $0x2800, $0x38;
	[tilespmem:$0x6000] =	vst v63  }
0x24: {  	s12 =	simm.s32 $0x3800;
	s11 =	simm.s32 $0x2;
	s10 =	simm.s32 $0x80  }
0x25: {  	[tilespmem:s12], [sflag:$0x2] =	stream.indirect.gather [hbm4b:s2+s7], $0x80, s10, s7, $0xb8;
	[tilespmem:$0x6000] =	vst v63  }
0x26: {  	_ =	swait.ge [sflag:s11], $0x2800  }
0x27: {  	[sflag:s11] =	ssyncset.done $0x0  }
0x28: {  	s13 =	simm.s32 $0x880;
	[sflag:s11] =	ssyncadd.s32 $0xFFFFD800  }
0x29: {  	[tilespmem:s12], [sflag:$0x2] =	stream.indirect.gather.add.f32 [hbm:s3], $0x80, s13, s7, $0xb8;
	[tilespmem:$0x6000] =	vst v63  }
0x2a: {  	_ =	swait.ge [sflag:s11], $0x2800  }
0x2b: {  	[sflag:s11] =	ssyncset.done $0x0  }
0x2c: {  	s14 =	rddreg [dreg:$0x7];
	[sflag:s11] =	ssyncadd.s32 $0xFFFFD800  }
0x2d: {  	[hbm4b:s14+s4] =	stream.linear.scatter [tilespmem:s12], [sflag:$0x2], $0x2800, $0x38;
	[tilespmem:$0x6000] =	vst v63  }
0x2e: {  	_ =	swait.ge [sflag:s9], $0x2800  }
0x2f: {  	[sflag:s9] =	ssyncset.done $0x0  }
0x30: {  	s14 =	simm.s32 $0x100;
	[sflag:s9] =	ssyncadd.s32 $0xFFFFD800  }
0x31: {  	[tilespmem:s8], [sflag:$0x1] =	stream.indirect.gather [hbm4b:s2+s7], $0x80, s14, s7, $0xb8;
	[tilespmem:$0x6000] =	vst v63  }
0x32: {  	_ =	swait.ge [sflag:s9], $0x2800  }
0x33: {  	[sflag:s9] =	ssyncset.done $0x0  }
0x34: {  	s15 =	simm.s32 $0x900;
	[sflag:s9] =	ssyncadd.s32 $0xFFFFD800  }
0x35: {  	[tilespmem:s8], [sflag:$0x1] =	stream.indirect.gather.add.f32 [hbm:s3], $0x80, s15, s7, $0xb8;
	[tilespmem:$0x6000] =	vst v63  }
0x36: {  	_ =	swait.ge [sflag:s9], $0x2800  }
0x37: {  	[sflag:s9] =	ssyncset.done $0x0  }
0x38: {  	s16 =	rddreg [dreg:$0x8];
	[sflag:s9] =	ssyncadd.s32 $0xFFFFD800  }
0x39: {  	[hbm4b:s16+s4] =	stream.linear.scatter [tilespmem:s8], [sflag:$0x1], $0x2800, $0x38;
	[tilespmem:$0x6000] =	vst v63  }
0x3a: {  	_ =	swait.ge [sflag:s11], $0x2800  }
0x3b: {  	[sflag:s11] =	ssyncset.done $0x0  }
0x3c: {  	s16 =	simm.s32 $0x180;
	[sflag:s11] =	ssyncadd.s32 $0xFFFFD800  }
0x3d: {  	[tilespmem:s12], [sflag:$0x2] =	stream.indirect.gather [hbm4b:s2+s7], $0x80, s16, s7, $0xb8;
	[tilespmem:$0x6000] =	vst v63  }
0x3e: {  	_ =	swait.ge [sflag:s11], $0x2800  }
0x3f: {  	[sflag:s11] =	ssyncset.done $0x0  }
0x40: {  	s17 =	simm.s32 $0x980;
	[sflag:s11] =	ssyncadd.s32 $0xFFFFD800  }
0x41: {  	[tilespmem:s12], [sflag:$0x2] =	stream.indirect.gather.add.f32 [hbm:s3], $0x80, s17, s7, $0xb8;
	[tilespmem:$0x6000] =	vst v63  }
0x42: {  	_ =	swait.ge [sflag:s11], $0x2800  }
0x43: {  	[sflag:s11] =	ssyncset.done $0x0  }
0x44: {  	s18 =	rddreg [dreg:$0x9];
	[sflag:s11] =	ssyncadd.s32 $0xFFFFD800  }
0x45: {  	[hbm4b:s18+s4] =	stream.linear.scatter [tilespmem:s12], [sflag:$0x2], $0x2800, $0x38;
	[tilespmem:$0x6000] =	vst v63  }
0x46: {  	_ =	swait.ge [sflag:s9], $0x2800  }
0x47: {  	[sflag:s9] =	ssyncset.done $0x0  }
0x48: {  	s18 =	simm.s32 $0x200;
	[sflag:s9] =	ssyncadd.s32 $0xFFFFD800  }
0x49: {  	[tilespmem:s8], [sflag:$0x1] =	stream.indirect.gather [hbm4b:s2+s7], $0x80, s18, s7, $0xb8;
	[tilespmem:$0x6000] =	vst v63  }
0x4a: {  	_ =	swait.ge [sflag:s9], $0x2800  }
0x4b: {  	[sflag:s9] =	ssyncset.done $0x0  }
0x4c: {  	s19 =	simm.s32 $0xA00;
	[sflag:s9] =	ssyncadd.s32 $0xFFFFD800  }
0x4d: {  	[tilespmem:s8], [sflag:$0x1] =	stream.indirect.gather.add.f32 [hbm:s3], $0x80, s19, s7, $0xb8;
	[tilespmem:$0x6000] =	vst v63  }
0x4e: {  	_ =	swait.ge [sflag:s9], $0x2800  }
0x4f: {  	[sflag:s9] =	ssyncset.done $0x0  }
0x50: {  	s20 =	rddreg [dreg:$0xa];
	[sflag:s9] =	ssyncadd.s32 $0xFFFFD800  }
0x51: {  	[hbm4b:s20+s4] =	stream.linear.scatter [tilespmem:s8], [sflag:$0x1], $0x2800, $0x38;
	[tilespmem:$0x6000] =	vst v63  }
0x52: {  	_ =	swait.ge [sflag:s11], $0x2800  }
0x53: {  	[sflag:s11] =	ssyncset.done $0x0  }
0x54: {  	s20 =	simm.s32 $0x280;
	[sflag:s11] =	ssyncadd.s32 $0xFFFFD800  }
0x55: {  	[tilespmem:s12], [sflag:$0x2] =	stream.indirect.gather [hbm4b:s2+s7], $0x80, s20, s7, $0xb8;
	[tilespmem:$0x6000] =	vst v63  }
0x56: {  	_ =	swait.ge [sflag:s11], $0x2800  }
0x57: {  	[sflag:s11] =	ssyncset.done $0x0  }
0x58: {  	s21 =	simm.s32 $0xA80;
	[sflag:s11] =	ssyncadd.s32 $0xFFFFD800  }
0x59: {  	[tilespmem:s12], [sflag:$0x2] =	stream.indirect.gather.add.f32 [hbm:s3], $0x80, s21, s7, $0xb8;
	[tilespmem:$0x6000] =	vst v63  }
0x5a: {  	_ =	swait.ge [sflag:s11], $0x2800  }
0x5b: {  	[sflag:s11] =	ssyncset.done $0x0  }
0x5c: {  	s22 =	rddreg [dreg:$0xb];
	[sflag:s11] =	ssyncadd.s32 $0xFFFFD800  }
0x5d: {  	[hbm4b:s22+s4] =	stream.linear.scatter [tilespmem:s12], [sflag:$0x2], $0x2800, $0x38;
	[tilespmem:$0x6000] =	vst v63  }
0x5e: {  	_ =	swait.ge [sflag:s9], $0x2800  }
0x5f: {  	[sflag:s9] =	ssyncset.done $0x0  }
0x60: {  	s22 =	simm.s32 $0x300;
	[sflag:s9] =	ssyncadd.s32 $0xFFFFD800  }
0x61: {  	[tilespmem:s8], [sflag:$0x1] =	stream.indirect.gather [hbm4b:s2+s7], $0x80, s22, s7, $0xb8;
	[tilespmem:$0x6000] =	vst v63  }
0x62: {  	_ =	swait.ge [sflag:s9], $0x2800  }
0x63: {  	[sflag:s9] =	ssyncset.done $0x0  }
0x64: {  	s23 =	simm.s32 $0xB00;
	[sflag:s9] =	ssyncadd.s32 $0xFFFFD800  }
0x65: {  	[tilespmem:s8], [sflag:$0x1] =	stream.indirect.gather.add.f32 [hbm:s3], $0x80, s23, s7, $0xb8;
	[tilespmem:$0x6000] =	vst v63  }
0x66: {  	_ =	swait.ge [sflag:s9], $0x2800  }
0x67: {  	[sflag:s9] =	ssyncset.done $0x0  }
0x68: {  	s24 =	rddreg [dreg:$0xc];
	[sflag:s9] =	ssyncadd.s32 $0xFFFFD800  }
0x69: {  	[hbm4b:s24+s4] =	stream.linear.scatter [tilespmem:s8], [sflag:$0x1], $0x2800, $0x38;
	[tilespmem:$0x6000] =	vst v63  }
0x6a: {  	_ =	swait.ge [sflag:s11], $0x2800  }
0x6b: {  	[sflag:s11] =	ssyncset.done $0x0  }
0x6c: {  	s24 =	simm.s32 $0x380;
	[sflag:s11] =	ssyncadd.s32 $0xFFFFD800  }
0x6d: {  	[tilespmem:s12], [sflag:$0x2] =	stream.indirect.gather [hbm4b:s2+s7], $0x80, s24, s7, $0xb8;
	[tilespmem:$0x6000] =	vst v63  }
0x6e: {  	_ =	swait.ge [sflag:s11], $0x2800  }
0x6f: {  	[sflag:s11] =	ssyncset.done $0x0  }
0x70: {  	s25 =	simm.s32 $0xB80;
	[sflag:s11] =	ssyncadd.s32 $0xFFFFD800  }
0x71: {  	[tilespmem:s12], [sflag:$0x2] =	stream.indirect.gather.add.f32 [hbm:s3], $0x80, s25, s7, $0xb8;
	[tilespmem:$0x6000] =	vst v63  }
0x72: {  	_ =	swait.ge [sflag:s11], $0x2800  }
0x73: {  	[sflag:s11] =	ssyncset.done $0x0  }
0x74: {  	s26 =	rddreg [dreg:$0xd];
	[sflag:s11] =	ssyncadd.s32 $0xFFFFD800  }
0x75: {  	[hbm4b:s26+s4] =	stream.linear.scatter [tilespmem:s12], [sflag:$0x2], $0x2800, $0x38;
	[tilespmem:$0x6000] =	vst v63  }
0x76: {  	_ =	swait.ge [sflag:s9], $0x2800  }
0x77: {  	[sflag:s9] =	ssyncset.done $0x0  }
0x78: {  	s26 =	simm.s32 $0x400;
	[sflag:s9] =	ssyncadd.s32 $0xFFFFD800  }
0x79: {  	[tilespmem:s8], [sflag:$0x1] =	stream.indirect.gather [hbm4b:s2+s7], $0x80, s26, s7, $0xb8;
	[tilespmem:$0x6000] =	vst v63  }
0x7a: {  	_ =	swait.ge [sflag:s9], $0x2800  }
0x7b: {  	[sflag:s9] =	ssyncset.done $0x0  }
0x7c: {  	s28 =	simm.s32 $0xC00;
	[sflag:s9] =	ssyncadd.s32 $0xFFFFD800  }
0x7d: {  	[tilespmem:s8], [sflag:$0x1] =	stream.indirect.gather.add.f32 [hbm:s3], $0x80, s28, s7, $0xb8;
	[tilespmem:$0x6000] =	vst v63  }
0x7e: {  	_ =	swait.ge [sflag:s9], $0x2800  }
0x7f: {  	[sflag:s9] =	ssyncset.done $0x0  }
0x80: {  	s29 =	rddreg [dreg:$0xe];
	[sflag:s9] =	ssyncadd.s32 $0xFFFFD800  }
0x81: {  	[hbm4b:s29+s4] =	stream.linear.scatter [tilespmem:s8], [sflag:$0x1], $0x2800, $0x38;
	[tilespmem:$0x6000] =	vst v63  }
0x82: {  	_ =	swait.ge [sflag:s11], $0x2800  }
0x83: {  	[sflag:s11] =	ssyncset.done $0x0  }
0x84: {  	s29 =	simm.s32 $0x480;
	[sflag:s11] =	ssyncadd.s32 $0xFFFFD800  }
0x85: {  	[tilespmem:s12], [sflag:$0x2] =	stream.indirect.gather [hbm4b:s2+s7], $0x80, s29, s7, $0xb8;
	[tilespmem:$0x6000] =	vst v63  }
0x86: {  	_ =	swait.ge [sflag:s11], $0x2800  }
0x87: {  	s1 =	ssub.s32 $0x2, s1;
	[sflag:s11] =	ssyncset.done $0x0  }
0x88: {  	s30 =	simm.s32 $0xC80;
	s0 =	sshrl.u32 s1, $0x1;
	[sflag:s11] =	ssyncadd.s32 $0xFFFFD800  }
0x89: {  	[tilespmem:s12], [sflag:$0x2] =	stream.indirect.gather.add.f32 [hbm:s3], $0x80, s30, s7, $0xb8;
	[tilespmem:$0x6000] =	vst v63  }
0x8a: {  	s0 =	ssub.s32 s1, s0;
	_ =	swait.ge [sflag:s11], $0x2800  }
0x8b: {  	s0 =	smax.u32 s0, $0x1;
	[sflag:s11] =	ssyncset.done $0x0  }
0x8c: {  	s31 =	sadd.s32 $0xC100, s31;
	p0 =	sne.s32 s0, $0x1;
	[sflag:s11] =	ssyncadd.s32 $0xFFFFD800  }
0x8d: {  	[hbm4b:s31+s4] =	stream.linear.scatter [tilespmem:s12], [sflag:$0x2], $0x2800, $0x38;
	[tilespmem:$0x6000] =	vst v63  }
.Ltmp0:
0x8e: {  	_ =	swait.ge [sflag:s9], $0x2800;
	(pc) =	sbr.rel @!p0 .LBB2_2-.Ltmp0, $4  }
0x8f: {  	[sflag:s9] =	ssyncset.done $0x0  }
0x90: {  	[sflag:s9] =	ssyncadd.s32 $0xFFFFD800  }
0x91: {  	_ =	swait.ge [sflag:s11], $0x2800  }
0x92: {  	s1 =	sadd.s32 $0xFFFFFFFF, s0;
	[sflag:s11] =	ssyncset.done $0x0  }
.LBB2_1:
0x93: {  	s0 =	rddreg [dreg:$0x4];
	[sflag:s11] =	ssyncadd.s32 $0xFFFFD800  }
0x94: {  	[tilespmem:s4], [sflag:$0x3] =	stream.linear.gather [hbm4b:s0+s4], $0x500, $0x38;
	[tilespmem:$0x6000] =	vst v63  }
0x95: {  	_ =	swait.ge [sflag:s5], $0x500  }
0x96: {  	[sflag:s5] =	ssyncset.done $0x0  }
0x97: {  	s0 =	rddreg [dreg:$0x5];
	[sflag:s5] =	ssyncadd.s32 $0xFFFFFB00  }
0x98: {  	[tilespmem:s6], [sflag:$0x3] =	stream.linear.gather [hbm4b:s0+s4], $0x500, $0x38;
	[tilespmem:$0x6000] =	vst v63  }
0x99: {  	_ =	swait.ge [sflag:s5], $0x500  }
0x9a: {  	[sflag:s5] =	ssyncset.done $0x0  }
0x9b: {  	[sflag:s5] =	ssyncadd.s32 $0xFFFFFB00  }
0x9c: {  	[tilespmem:s8], [sflag:$0x1] =	stream.indirect.gather [hbm4b:s2+s7], $0x80, s4, s7, $0xb8;
	[tilespmem:$0x6000] =	vst v63  }
0x9d: {  	_ =	swait.ge [sflag:s9], $0x2800  }
0x9e: {  	[sflag:s9] =	ssyncset.done $0x0  }
0x9f: {  	[sflag:s9] =	ssyncadd.s32 $0xFFFFD800  }
0xa0: {  	[tilespmem:s8], [sflag:$0x1] =	stream.indirect.gather.add.f32 [hbm:s3], $0x80, s6, s7, $0xb8;
	[tilespmem:$0x6000] =	vst v63  }
0xa1: {  	_ =	swait.ge [sflag:s9], $0x2800  }
0xa2: {  	[sflag:s9] =	ssyncset.done $0x0  }
0xa3: {  	s0 =	rddreg [dreg:$0x6];
	[sflag:s9] =	ssyncadd.s32 $0xFFFFD800  }
0xa4: {  	[hbm4b:s0+s4] =	stream.linear.scatter [tilespmem:s8], [sflag:$0x1], $0x2800, $0x38;
	[tilespmem:$0x6000] =	vst v63  }
0xa5: {  	_ = 	snop  }
0xa6: {  	[tilespmem:s12], [sflag:$0x2] =	stream.indirect.gather [hbm4b:s2+s7], $0x80, s10, s7, $0xb8;
	[tilespmem:$0x6000] =	vst v63  }
0xa7: {  	_ =	swait.ge [sflag:s11], $0x2800  }
0xa8: {  	[sflag:s11] =	ssyncset.done $0x0  }
0xa9: {  	[sflag:s11] =	ssyncadd.s32 $0xFFFFD800  }
0xaa: {  	[tilespmem:s12], [sflag:$0x2] =	stream.indirect.gather.add.f32 [hbm:s3], $0x80, s13, s7, $0xb8;
	[tilespmem:$0x6000] =	vst v63  }
0xab: {  	_ =	swait.ge [sflag:s11], $0x2800  }
0xac: {  	[sflag:s11] =	ssyncset.done $0x0  }
0xad: {  	s0 =	rddreg [dreg:$0x7];
	[sflag:s11] =	ssyncadd.s32 $0xFFFFD800  }
0xae: {  	[hbm4b:s0+s4] =	stream.linear.scatter [tilespmem:s12], [sflag:$0x2], $0x2800, $0x38;
	[tilespmem:$0x6000] =	vst v63  }
0xaf: {  	_ =	swait.ge [sflag:s9], $0x2800  }
0xb0: {  	[sflag:s9] =	ssyncset.done $0x0  }
0xb1: {  	[sflag:s9] =	ssyncadd.s32 $0xFFFFD800  }
0xb2: {  	[tilespmem:s8], [sflag:$0x1] =	stream.indirect.gather [hbm4b:s2+s7], $0x80, s14, s7, $0xb8;
	[tilespmem:$0x6000] =	vst v63  }
0xb3: {  	_ =	swait.ge [sflag:s9], $0x2800  }
0xb4: {  	[sflag:s9] =	ssyncset.done $0x0  }
0xb5: {  	[sflag:s9] =	ssyncadd.s32 $0xFFFFD800  }
0xb6: {  	[tilespmem:s8], [sflag:$0x1] =	stream.indirect.gather.add.f32 [hbm:s3], $0x80, s15, s7, $0xb8;
	[tilespmem:$0x6000] =	vst v63  }
0xb7: {  	_ =	swait.ge [sflag:s9], $0x2800  }
0xb8: {  	[sflag:s9] =	ssyncset.done $0x0  }
0xb9: {  	s0 =	rddreg [dreg:$0x8];
	[sflag:s9] =	ssyncadd.s32 $0xFFFFD800  }
0xba: {  	[hbm4b:s0+s4] =	stream.linear.scatter [tilespmem:s8], [sflag:$0x1], $0x2800, $0x38;
	[tilespmem:$0x6000] =	vst v63  }
0xbb: {  	_ =	swait.ge [sflag:s11], $0x2800  }
0xbc: {  	[sflag:s11] =	ssyncset.done $0x0  }
0xbd: {  	[sflag:s11] =	ssyncadd.s32 $0xFFFFD800  }
0xbe: {  	[tilespmem:s12], [sflag:$0x2] =	stream.indirect.gather [hbm4b:s2+s7], $0x80, s16, s7, $0xb8;
	[tilespmem:$0x6000] =	vst v63  }
0xbf: {  	_ =	swait.ge [sflag:s11], $0x2800  }
0xc0: {  	[sflag:s11] =	ssyncset.done $0x0  }
0xc1: {  	[sflag:s11] =	ssyncadd.s32 $0xFFFFD800  }
0xc2: {  	[tilespmem:s12], [sflag:$0x2] =	stream.indirect.gather.add.f32 [hbm:s3], $0x80, s17, s7, $0xb8;
	[tilespmem:$0x6000] =	vst v63  }
0xc3: {  	_ =	swait.ge [sflag:s11], $0x2800  }
0xc4: {  	[sflag:s11] =	ssyncset.done $0x0  }
0xc5: {  	s0 =	rddreg [dreg:$0x9];
	[sflag:s11] =	ssyncadd.s32 $0xFFFFD800  }
0xc6: {  	[hbm4b:s0+s4] =	stream.linear.scatter [tilespmem:s12], [sflag:$0x2], $0x2800, $0x38;
	[tilespmem:$0x6000] =	vst v63  }
0xc7: {  	_ =	swait.ge [sflag:s9], $0x2800  }
0xc8: {  	[sflag:s9] =	ssyncset.done $0x0  }
0xc9: {  	[sflag:s9] =	ssyncadd.s32 $0xFFFFD800  }
0xca: {  	[tilespmem:s8], [sflag:$0x1] =	stream.indirect.gather [hbm4b:s2+s7], $0x80, s18, s7, $0xb8;
	[tilespmem:$0x6000] =	vst v63  }
0xcb: {  	_ =	swait.ge [sflag:s9], $0x2800  }
0xcc: {  	[sflag:s9] =	ssyncset.done $0x0  }
0xcd: {  	[sflag:s9] =	ssyncadd.s32 $0xFFFFD800  }
0xce: {  	[tilespmem:s8], [sflag:$0x1] =	stream.indirect.gather.add.f32 [hbm:s3], $0x80, s19, s7, $0xb8;
	[tilespmem:$0x6000] =	vst v63  }
0xcf: {  	_ =	swait.ge [sflag:s9], $0x2800  }
0xd0: {  	[sflag:s9] =	ssyncset.done $0x0  }
0xd1: {  	s0 =	rddreg [dreg:$0xa];
	[sflag:s9] =	ssyncadd.s32 $0xFFFFD800  }
0xd2: {  	[hbm4b:s0+s4] =	stream.linear.scatter [tilespmem:s8], [sflag:$0x1], $0x2800, $0x38;
	[tilespmem:$0x6000] =	vst v63  }
0xd3: {  	_ =	swait.ge [sflag:s11], $0x2800  }
0xd4: {  	[sflag:s11] =	ssyncset.done $0x0  }
0xd5: {  	[sflag:s11] =	ssyncadd.s32 $0xFFFFD800  }
0xd6: {  	[tilespmem:s12], [sflag:$0x2] =	stream.indirect.gather [hbm4b:s2+s7], $0x80, s20, s7, $0xb8;
	[tilespmem:$0x6000] =	vst v63  }
0xd7: {  	_ =	swait.ge [sflag:s11], $0x2800  }
0xd8: {  	[sflag:s11] =	ssyncset.done $0x0  }
0xd9: {  	[sflag:s11] =	ssyncadd.s32 $0xFFFFD800  }
0xda: {  	[tilespmem:s12], [sflag:$0x2] =	stream.indirect.gather.add.f32 [hbm:s3], $0x80, s21, s7, $0xb8;
	[tilespmem:$0x6000] =	vst v63  }
0xdb: {  	_ =	swait.ge [sflag:s11], $0x2800  }
0xdc: {  	[sflag:s11] =	ssyncset.done $0x0  }
0xdd: {  	s0 =	rddreg [dreg:$0xb];
	[sflag:s11] =	ssyncadd.s32 $0xFFFFD800  }
0xde: {  	[hbm4b:s0+s4] =	stream.linear.scatter [tilespmem:s12], [sflag:$0x2], $0x2800, $0x38;
	[tilespmem:$0x6000] =	vst v63  }
0xdf: {  	_ =	swait.ge [sflag:s9], $0x2800  }
0xe0: {  	[sflag:s9] =	ssyncset.done $0x0  }
0xe1: {  	[sflag:s9] =	ssyncadd.s32 $0xFFFFD800  }
0xe2: {  	[tilespmem:s8], [sflag:$0x1] =	stream.indirect.gather [hbm4b:s2+s7], $0x80, s22, s7, $0xb8;
	[tilespmem:$0x6000] =	vst v63  }
0xe3: {  	_ =	swait.ge [sflag:s9], $0x2800  }
0xe4: {  	[sflag:s9] =	ssyncset.done $0x0  }
0xe5: {  	[sflag:s9] =	ssyncadd.s32 $0xFFFFD800  }
0xe6: {  	[tilespmem:s8], [sflag:$0x1] =	stream.indirect.gather.add.f32 [hbm:s3], $0x80, s23, s7, $0xb8;
	[tilespmem:$0x6000] =	vst v63  }
0xe7: {  	_ =	swait.ge [sflag:s9], $0x2800  }
0xe8: {  	[sflag:s9] =	ssyncset.done $0x0  }
0xe9: {  	s0 =	rddreg [dreg:$0xc];
	[sflag:s9] =	ssyncadd.s32 $0xFFFFD800  }
0xea: {  	[hbm4b:s0+s4] =	stream.linear.scatter [tilespmem:s8], [sflag:$0x1], $0x2800, $0x38;
	[tilespmem:$0x6000] =	vst v63  }
0xeb: {  	_ =	swait.ge [sflag:s11], $0x2800  }
0xec: {  	[sflag:s11] =	ssyncset.done $0x0  }
0xed: {  	[sflag:s11] =	ssyncadd.s32 $0xFFFFD800  }
0xee: {  	[tilespmem:s12], [sflag:$0x2] =	stream.indirect.gather [hbm4b:s2+s7], $0x80, s24, s7, $0xb8;
	[tilespmem:$0x6000] =	vst v63  }
0xef: {  	_ =	swait.ge [sflag:s11], $0x2800  }
0xf0: {  	[sflag:s11] =	ssyncset.done $0x0  }
0xf1: {  	[sflag:s11] =	ssyncadd.s32 $0xFFFFD800  }
0xf2: {  	[tilespmem:s12], [sflag:$0x2] =	stream.indirect.gather.add.f32 [hbm:s3], $0x80, s25, s7, $0xb8;
	[tilespmem:$0x6000] =	vst v63  }
0xf3: {  	_ =	swait.ge [sflag:s11], $0x2800  }
0xf4: {  	[sflag:s11] =	ssyncset.done $0x0  }
0xf5: {  	s0 =	rddreg [dreg:$0xd];
	[sflag:s11] =	ssyncadd.s32 $0xFFFFD800  }
0xf6: {  	[hbm4b:s0+s4] =	stream.linear.scatter [tilespmem:s12], [sflag:$0x2], $0x2800, $0x38;
	[tilespmem:$0x6000] =	vst v63  }
0xf7: {  	_ =	swait.ge [sflag:s9], $0x2800  }
0xf8: {  	[sflag:s9] =	ssyncset.done $0x0  }
0xf9: {  	[sflag:s9] =	ssyncadd.s32 $0xFFFFD800  }
0xfa: {  	[tilespmem:s8], [sflag:$0x1] =	stream.indirect.gather [hbm4b:s2+s7], $0x80, s26, s7, $0xb8;
	[tilespmem:$0x6000] =	vst v63  }
0xfb: {  	_ =	swait.ge [sflag:s9], $0x2800  }
0xfc: {  	[sflag:s9] =	ssyncset.done $0x0  }
0xfd: {  	[sflag:s9] =	ssyncadd.s32 $0xFFFFD800  }
0xfe: {  	[tilespmem:s8], [sflag:$0x1] =	stream.indirect.gather.add.f32 [hbm:s3], $0x80, s28, s7, $0xb8;
	[tilespmem:$0x6000] =	vst v63  }
0xff: {  	_ =	swait.ge [sflag:s9], $0x2800  }
0x100: {  	[sflag:s9] =	ssyncset.done $0x0  }
0x101: {  	s0 =	rddreg [dreg:$0xe];
	[sflag:s9] =	ssyncadd.s32 $0xFFFFD800  }
0x102: {  	[hbm4b:s0+s4] =	stream.linear.scatter [tilespmem:s8], [sflag:$0x1], $0x2800, $0x38;
	[tilespmem:$0x6000] =	vst v63  }
0x103: {  	_ =	swait.ge [sflag:s11], $0x2800  }
0x104: {  	[sflag:s11] =	ssyncset.done $0x0  }
0x105: {  	[sflag:s11] =	ssyncadd.s32 $0xFFFFD800  }
0x106: {  	[tilespmem:s12], [sflag:$0x2] =	stream.indirect.gather [hbm4b:s2+s7], $0x80, s29, s7, $0xb8;
	[tilespmem:$0x6000] =	vst v63  }
0x107: {  	_ =	swait.ge [sflag:s11], $0x2800  }
0x108: {  	[sflag:s11] =	ssyncset.done $0x0  }
0x109: {  	[sflag:s11] =	ssyncadd.s32 $0xFFFFD800  }
0x10a: {  	[tilespmem:s12], [sflag:$0x2] =	stream.indirect.gather.add.f32 [hbm:s3], $0x80, s30, s7, $0xb8;
	[tilespmem:$0x6000] =	vst v63  }
0x10b: {  	_ =	swait.ge [sflag:s11], $0x2800  }
0x10c: {  	[sflag:s11] =	ssyncset.done $0x0  }
0x10d: {  	p0 =	sne.s32 s1, $0x1;
	[sflag:s11] =	ssyncadd.s32 $0xFFFFD800  }
0x10e: {  	[hbm4b:s31+s4] =	stream.linear.scatter [tilespmem:s12], [sflag:$0x2], $0x2800, $0x38;
	[tilespmem:$0x6000] =	vst v63  }
.Ltmp1:
0x10f: {  	_ =	swait.ge [sflag:s9], $0x2800;
	(pc) =	sbr.rel @p0 .LBB2_1-.Ltmp1, $4  }
0x110: {  	[sflag:s9] =	ssyncset.done $0x0  }
0x111: {  	[sflag:s9] =	ssyncadd.s32 $0xFFFFD800  }
0x112: {  	_ =	swait.ge [sflag:s11], $0x2800  }
0x113: {  	s1 =	sadd.s32 $0xFFFFFFFF, s1;
	[sflag:s11] =	ssyncset.done $0x0  }
.LBB2_2:
0x114: {  	[sflag:s11] =	ssyncadd.s32 $0xFFFFD800  }
0x115: {  	_ =	sfence.sel $0x180000  }
0x116: {  	[bflag:$0x0] =	sbarrier.arrive $0xFFFF  }
0x117: {  	_ =	strace $0x90000047  }
0x118: {  	s0 =	stileid.u32;
	[bflag:$0x2] =	sbarrier.arrive $0xFFFF  }
0x119: {  	p0 =	sne.s32 s0, $0x0;
	s0 =	rddreg [dreg:$0x3]  }
0x11a: {  	s0 =	sadd.s32 @!p0 $0x100000, s0  }
0x11b: {  	[sflag:s0] =	ssyncadd.tile.s32 @!p0 $0x1;
	_ =	shalt  }
.Lfunc_end2:
_tile_overlayer_lowered:
.L_overlay_start_2:
0x11c: {  	(tag) =	ssettag $0x2  }
0x11d: {  	s0 =	rddreg [dreg:$0x0];
	s2 =	stileid.u32  }
0x11e: {  	s1 =	rddreg [dreg:$0x1];
	p0 =	sne.s32 s2, $0x0  }
0x11f: {  	s3 =	rddreg [dreg:$0x2];
	[bflag:$0x3] =	sbarrier.arrive $0xFFFF;
	s2 =	simm.s32 @!p0 $0x1C03  }
0x120: {  	[timem:s3], [sflag:s2] =	dma.local @!p0 [hbm:s0], s1  }
0x121: {  	s0 =	simm.s32 @!p0 $0x3  }
0x122: {  	_ =	swait.ge @!p0 [sflag:s0], s1  }
0x123: {  	s1 =	ssub.s32 @!p0 $0x0, s1;
	[sflag:s0] =	ssyncset.done @!p0 $0x0  }
0x124: {  	[sflag:s0] =	ssyncadd.s32 @!p0 s1  }
0x125: {  	[bflag:$0x3] =	sbarrier.arrive $0xFFFF  }
0x126: {  	_ =	shalt  }

// kernel: kernel.9.cloned.1.call-start
scs
__scs_entry_jumppad:
0x0: {  	(pc) =	sbr.rel $0x88, $3  }
0x1: {  	(tag) =	ssettag $0x0;
	lr =	simm.s32 $0x1  }
0x2: {  	[smem:$0x3F7D] =	sst lr;
	_ =	strace $0xD0000000  }
0x3: {  	_ = 	snop  }
0x4: {  	_ = 	snop  }
0x5: {  	_ = 	snop  }
0x6: {  	_ = 	snop  }
0x7: {  	_ = 	snop  }
__scs_overlays_trampoline_lowered:
0x8: {  	[smem:$0x3F8C] =	sst s0  }
0x9: {  	[smem:$0x3F8D] =	sst s1  }
0xa: {  	[smem:$0x3F8E] =	sst s2  }
0xb: {  	[smem:$0x3F8F] =	sst s3  }
0xc: {  	[smem:$0x3F90] =	sst s4  }
0xd: {  	[smem:$0x3F91] =	sst s5  }
0xe: {  	[smem:$0x3F92] =	sst s6  }
0xf: {  	[smem:$0x3F93] =	sst s7  }
0x10: {  	[smem:$0x3F94] =	sst s8  }
0x11: {  	[smem:$0x3F95] =	sst s9;
	s0 =	simm.s32 @!p0 $0x0  }
0x12: {  	s1 =	sld [smem:$0x3F7B];
	s0 =	simm.s32 @p0 $0x1  }
0x13: {  	[smem:$0x3F96] =	sst s0;
	s0 =	simm.s32 @!p1 $0x0  }
0x14: {  	s2 =	sld [smem:$0x3F7A];
	s0 =	simm.s32 @p1 $0x1  }
0x15: {  	[smem:$0x3F97] =	sst s0;
	s0 =	simm.s32 @!p2 $0x0  }
0x16: {  	s3 =	sld [smem:$0x3FDB];
	s0 =	simm.s32 @p2 $0x1  }
0x17: {  	s4 =	simm.s32 $0x1BF5;
	[smem:$0x3F99] =	sst s0  }
0x18: {  	s0 =	sld [smem:$0x3F7C];
	_ =	swait.ge [sflag:s4], $0x0  }
0x19: {  	s7 =	sld [smem:$0x3F7D]  }
0x1a: {  	s8 =	sadd.s32 $0xFFFFE003, lr  }
0x1b: {  	s9 =	sadd.s32 $0xFFFFFEF7, lr;
	s5 =	simm.s32 $0xFFFFFFFF;
	p2 =	slt.u32 s8, $0xFFFFF086  }
0x1c: {  	p1 =	slt.u32 s9, $0xF7A;
	s5 =	simm.s32 @!p2 $0x0  }
0x1d: {  	s5 =	simm.s32 @p1 $0x1;
	p0 =	seq.s32 s7, s2  }
0x1e: {  	s7 =	smul.u32 @!p0 $0xF7A, s2;
	p2 =	seq.s32 @!p0 s5, $0x0  }
0x1f: {  	s9 =	smul.u32 $0xF7A, s1;
	s8 =	simm.s32 @!p0 $0x1BF5;
	p2 =	por !p2, p0  }
0x20: {  	[sflag:s8] =	ssyncset.s32 @!p0 $0xFFFFF086;
	s6 =	sadd.s32 @!p0 s3, s7;
	s7 =	simm.s32 @!p0 $0x108  }
0x21: {  	s3 =	sadd.s32 s3, s9;
	s6 =	sadd.s32 @!p0 $0x88, s6;
	s7 =	simm.s32 @p2 $0x1082  }
0x22: {  	[simem:s7], [sflag:s8] =	dma.local @!p0 [hbm:s6], $0xF7A  }
0x23: {  	s9 =	sor.u32 $0xD0000000, s2;
	s6 =	simm.s32 $0x108;
	_ =	swait.ge @!p0 [sflag:s8], $0x0  }
0x24: {  	s3 =	sadd.s32 $0x88, s3;
	s6 =	simm.s32 @!p1 $0x1082;
	[sflag:s4] =	ssyncset.s32 $0xFFFFF086  }
0x25: {  	[simem:s6], [sflag:s4] =	dma.local [hbm:s3], $0xF7A  }
0x26: {  	[smem:$0x3F7D] =	sst s1;
	(tag) =	ssettag s2;
	_ =	strace s9  }
0x27: {  	s1 =	sld [smem:$0x3F8D]  }
0x28: {  	s2 =	sld [smem:$0x3F8E]  }
0x29: {  	s4 =	sld [smem:$0x3F90]  }
0x2a: {  	p0 =	seq.s32 s5, $0x0;
	s5 =	sld [smem:$0x3F91]  }
0x2b: {  	s6 =	sld [smem:$0x3F92]  }
0x2c: {  	s7 =	sld [smem:$0x3F93]  }
0x2d: {  	s3 =	simm.s32 $0x108;
	s8 =	sld [smem:$0x3F94]  }
0x2e: {  	s3 =	simm.s32 @!p0 $0x1082;
	s9 =	sld [smem:$0x3F95]  }
0x2f: {  	lr =	sadd.s32 s0, s3;
	s0 =	sld [smem:$0x3F8C]  }
0x30: {  	s3 =	sld [smem:$0x3F8F]  }
0x31: {  	[smem:$0x3F98] =	sst s10  }
0x32: {  	s10 =	sld [smem:$0x3F96];
	_ =	sdelay $0x3  }
0x33: {  	p0 =	seq.s32 s10, $0x1;
	s10 =	sld [smem:$0x3F98];
	_ =	sdelay $0x3  }
0x34: {  	[smem:$0x3F98] =	sst s10  }
0x35: {  	s10 =	sld [smem:$0x3F97];
	_ =	sdelay $0x3  }
0x36: {  	p1 =	seq.s32 s10, $0x1;
	s10 =	sld [smem:$0x3F98];
	_ =	sdelay $0x3  }
0x37: {  	[smem:$0x3F98] =	sst s10  }
0x38: {  	s10 =	sld [smem:$0x3F99]  }
0x39: {  	_ = 	snop;
	(pc) =	sbr.ind lr, $3  }
0x3a: {  	_ = 	snop  }
0x3b: {  	_ = 	snop  }
0x3c: {  	p2 =	seq.s32 s10, $0x1;
	s10 =	sld [smem:$0x3F98]  }
0x3d: {  	_ =	shalt  }
0x3e: {  	_ =	shalt  }
0x3f: {  	_ =	shalt  }
0x40: {  	_ =	shalt  }
0x41: {  	_ =	shalt  }
0x42: {  	_ =	shalt  }
0x43: {  	_ =	shalt  }
0x44: {  	_ =	shalt  }
0x45: {  	_ =	shalt  }
0x46: {  	_ =	shalt  }
0x47: {  	_ =	shalt  }
0x48: {  	_ =	shalt  }
0x49: {  	_ =	shalt  }
0x4a: {  	_ =	shalt  }
0x4b: {  	_ =	shalt  }
0x4c: {  	_ =	shalt  }
0x4d: {  	_ =	shalt  }
0x4e: {  	_ =	shalt  }
0x4f: {  	_ =	shalt  }
0x50: {  	_ =	shalt  }
0x51: {  	_ =	shalt  }
0x52: {  	_ =	shalt  }
0x53: {  	_ =	shalt  }
0x54: {  	_ =	shalt  }
0x55: {  	_ =	shalt  }
0x56: {  	_ =	shalt  }
0x57: {  	_ =	shalt  }
0x58: {  	_ =	shalt  }
0x59: {  	_ =	shalt  }
0x5a: {  	_ =	shalt  }
0x5b: {  	_ =	shalt  }
0x5c: {  	_ =	shalt  }
0x5d: {  	_ =	shalt  }
0x5e: {  	_ =	shalt  }
0x5f: {  	_ =	shalt  }
0x60: {  	_ =	shalt  }
0x61: {  	_ =	shalt  }
0x62: {  	_ =	shalt  }
0x63: {  	_ =	shalt  }
0x64: {  	_ =	shalt  }
0x65: {  	_ =	shalt  }
0x66: {  	_ =	shalt  }
0x67: {  	_ =	shalt  }
0x68: {  	_ =	shalt  }
0x69: {  	_ =	shalt  }
0x6a: {  	_ =	shalt  }
0x6b: {  	_ =	shalt  }
0x6c: {  	_ =	shalt  }
0x6d: {  	_ =	shalt  }
0x6e: {  	_ =	shalt  }
0x6f: {  	_ =	shalt  }
0x70: {  	_ =	shalt  }
0x71: {  	_ =	shalt  }
0x72: {  	_ =	shalt  }
0x73: {  	_ =	shalt  }
0x74: {  	_ =	shalt  }
0x75: {  	_ =	shalt  }
0x76: {  	_ =	shalt  }
0x77: {  	_ =	shalt  }
0x78: {  	_ =	shalt  }
0x79: {  	_ =	shalt  }
0x7a: {  	_ =	shalt  }
0x7b: {  	_ =	shalt  }
0x7c: {  	_ =	shalt  }
0x7d: {  	_ =	shalt  }
0x7e: {  	_ =	shalt  }
0x7f: {  	_ =	shalt  }
0x80: {  	_ =	shalt  }
0x81: {  	_ =	shalt  }
0x82: {  	_ =	shalt  }
0x83: {  	_ =	shalt  }
0x84: {  	_ =	shalt  }
0x85: {  	_ =	shalt  }
0x86: {  	_ =	shalt  }
0x87: {  	_ =	shalt  }
.Lfunc_end0:
.L_simem_size_0:
called_computation.1_lowered:
.L_overlay_start_0:
0x88: {  	s2 =	sld [smem:$0x3FD9]  }
0x89: {  	s3 =	sld [smem:$0x3FFE];
	_ =	sdelay $0x1  }
0x8a: {  	s1 =	srdreg.scid  }
0x8b: {  	s0 =	sand.u32 $0x1, s1  }
0x8c: {  	s17 =	sshll.u32 s0, $0xA;
	s2 =	sadd.s32 s3, s2  }
0x8d: {  	s2 =	sadd.s32 s2, s17  }
0x8e: {  	[smem:$0x3FA4] =	sst s2  }
0x8f: {  	_ = 	snop  }
0x90: {  	s18 =	sld [smem:$0x3FC7]  }
0x91: {  	s4 =	sld [smem:$0x3FC6];
	(tm) =	ssettm $0x1  }
0x92: {  	s19 =	sld [smem:$0x3FFB];
	_ =	sdelay $0x3  }
0x93: {  	_ =	strace s19  }
0x94: {  	s2 =	sld [smem:$0x3FFC];
	_ =	sdelay $0x3  }
0x95: {  	_ =	strace s2  }
0x96: {  	s2 =	sld [smem:$0x3FFD];
	_ =	sdelay $0x3  }
0x97: {  	_ =	strace s2  }
0x98: {  	_ =	strace $0x8FFFFFFF  }
0x99: {  	s20 =	sld [smem:$0x3FDB];
	_ =	sdelay $0x1  }
0x9a: {  	s5 =	simm.s32 $_scs_section_size  }
0x9b: {  	s6 =	simm.s32 $_size__tile_overlayer_lowered;
	s7 =	simm.s32 $_tile_overlayer_lowered  }
0x9c: {  	s8 =	simm.s32 $0x1BFF;
	s21 =	sshll.u32 s7, $0x1;
	s5 =	sadd.s32 s5, s20  }
0x9d: {  	s22 =	simm.s32 $0x0;
	s6 =	sshll.u32 s6, $0x1;
	s7 =	sadd.s32 s21, s5  }
0x9e: {  	[timem:s22], [sflag:s8] =	dma.local [hbm:s7], s6  }
0x9f: {  	_ =	swait.ge [sflag:s8], s6  }
0xa0: {  	s6 =	ssub.s32 $0x0, s6;
	[sflag:s8] =	ssyncset.done $0x0  }
0xa1: {  	[sflag:s8] =	ssyncadd.s32 s6;
	_ =	sdelay $0x1  }
0xa2: {  	s23 =	simm.s32 $0x1B8B  }
0xa3: {  	_ =	swait.ge [sflag:s23], $0x1  }
0xa4: {  	[sflag:s23] =	ssyncset.done $0x0  }
0xa5: {  	[sflag:s23] =	ssyncadd.s32 $0xFFFFFFFF  }
0xa6: {  	s6 =	sld [smem:$0x0]  }
0xa7: {  	s7 =	sand.u32 $0xFFFFFFFE, s1  }
0xa8: {  	p0 =	sne.s32 s1, s7  }
0xa9: {  	s7 =	sshll.u32 @p0 s7, $0xE  }
0xaa: {  	s7 =	sadd.s32 @p0 $0x11B8D, s7;
	s8 =	sshll.u32 @p0 s6, $0x11  }
0xab: {  	s7 =	sor.u32 @p0 s8, s7  }
0xac: {  	[sflag:s7] =	ssyncadd.remote.s32 @p0 $0x1;
	_ =	sdelay $0x1  }
0xad: {  	s7 =	simm.s32 @p0 $0x1B8D  }
0xae: {  	_ =	swait.eq @p0 [sflag:s7], $0x1  }
0xaf: {  	[sflag:s7] =	ssyncadd.s32 @p0 $0xFFFFFFFF  }
0xb0: {  	s8 =	sshll.u32 @!p0 s1, $0xE  }
0xb1: {  	s8 =	sor.u32 @!p0 $0x4000, s8;
	s7 =	simm.s32 @!p0 $0x1B8D  }
0xb2: {  	s6 =	sshll.u32 @!p0 s6, $0x11;
	s8 =	sadd.s32 @!p0 $0x11B8D, s8;
	_ =	swait.eq @!p0 [sflag:s7], $0x1  }
0xb3: {  	s6 =	sor.u32 @!p0 s6, s8;
	[sflag:s7] =	ssyncadd.s32 @!p0 $0xFFFFFFFF  }
0xb4: {  	s25 =	simm.s32 $0x1B8E;
	s24 =	sld [smem:$0x3FFE];
	[sflag:s6] =	ssyncadd.remote.s32 @!p0 $0x1  }
0xb5: {  	s26 =	simm.s32 $execute0_lowered;
	[smem:$0x3FD2] =	sst s25  }
0xb6: {  	s7 =	sshll.u32 s26, $0x1;
	_ =	strace $0x80000049;
	[dreg:$0x1] =	wrdreg $0xFFFFFFFF  }
0xb7: {  	s28 =	simm.s32 $_size_execute0_lowered;
	s5 =	sadd.s32 s5, s7;
	[dreg:$0x0] =	wrdreg $0x0  }
0xb8: {  	s7 =	sshll.u32 s28, $0x1;
	[dreg:$0x2] =	wrdreg s5  }
0xb9: {  	[dreg:$0x3] =	wrdreg s7  }
0xba: {  	[dreg:$0x4] =	wrdreg $0xC0  }
0xbb: {  	_ =	task [dreg:s22], $0x5FFFF  }
0xbc: {  	[dreg:$0x1] =	wrdreg $0xFFFFFFFF  }
0xbd: {  	[dreg:$0x0] =	wrdreg $0x60  }
0xbe: {  	[dreg:$0x2] =	wrdreg s24  }
0xbf: {  	[dreg:$0x3] =	wrdreg s18  }
0xc0: {  	[dreg:$0x4] =	wrdreg s4  }
0xc1: {  	[dreg:$0x5] =	wrdreg $0xA  }
0xc2: {  	_ =	task.clear_ibuf [dreg:s22], $0x6FFFF;
	_ =	strace $0x90000049  }
0xc3: {  	s29 =	simm.s32 $0xA;
	_ =	strace $0x8000004B  }
0xc4: {  	_ =	swait.ge [sflag:s29], $0x1  }
0xc5: {  	[sflag:s29] =	ssyncadd.s32 $0xFFFFFFFF  }
0xc6: {  	_ =	strace $0x9000004B  }
0xc7: {  	_ =	sfence  }
0xc8: {  	s30 =	sld [smem:$0x0];
	_ =	sdelay $0x2  }
0xc9: {  	s31 =	sshll.u32 s1, $0xD;
	s1 =	sshrl.u32 s1, $0x2  }
0xca: {  	s4 =	sand.u32 $0x4000, s31;
	s1 =	sadd.s32 s1, s30  }
0xcb: {  	s0 =	sor.u32 s4, s0;
	s1 =	sshll.u32 s1, $0x11  }
0xcc: {  	s0 =	sor.u32 s1, s0  }
0xcd: {  	s0 =	sadd.s32 $0x8F2B, s0  }
0xce: {  	[sflag:s0] =	ssyncadd.remote.s32 $0x1  }
0xcf: {  	_ =	sfence.sel $0xFFFF  }
0xd0: {  	[dreg:$0x0] =	wrdreg $0xFFFFFFFF;
	(pc) =	sbr.abs _section_cstart, $3  }
0xd1: {  	[dreg:$0x1] =	wrdreg $0xFFFFFFFF  }
0xd2: {  	_ =	task.clear_ibuf [dreg:s22], $0x2FFFF;
	_ =	strace $0x9FFFFFFF  }
0xd3: {  	(tm) =	ssettm $0x7FFFFFFF  }
tec
execute0_lowered:
.L_overlay_start_1:
0x0: {  	(tag) =	ssettag $0x1  }
0x1: {  	s1 =	srdreg.scid;
	s0 =	stileid.u32  }
0x2: {  	s1 =	sand.u32 $0x1, s1;
	s4 =	sshll.u32 s0, $0x1  }
0x3: {  	s5 =	rddreg [dreg:$0x0];
	s6 =	sor.u32 s1, s4  }
0x4: {  	s2 =	rddreg [dreg:$0x1];
	s4 =	simm.s32 $0x0;
	s7 =	sshll.u32 s6, $0x8  }
0x5: {  	[smem:$0x7FF] =	sst s4;
	s6 =	smul.u32 $0x3200, s6;
	s7 =	sadd.s32 s7, s5  }
0x6: {  	s3 =	rddreg [dreg:$0x2];
	_ =	strace $0x8000004A;
	s8 =	sadd.s32 $0x6F400, s7  }
0x7: {  	s31 =	sadd.s32 s6, s5;
	s15 =	sadd.s32 $0x6D400, s7;
	[dreg:$0x4] =	wrdreg s8  }
0x8: {  	[dreg:$0x5] =	wrdreg s15;
	s16 =	sadd.s32 $0x71400, s31  }
0x9: {  	s17 =	sadd.s32 $0x71900, s31;
	[dreg:$0x6] =	wrdreg s16  }
0xa: {  	s18 =	sadd.s32 $0x71E00, s31;
	[dreg:$0x7] =	wrdreg s17  }
0xb: {  	s19 =	sadd.s32 $0x72300, s31;
	[dreg:$0x8] =	wrdreg s18  }
0xc: {  	s20 =	sadd.s32 $0x72800, s31;
	[dreg:$0x9] =	wrdreg s19  }
0xd: {  	s21 =	sadd.s32 $0x72D00, s31;
	[dreg:$0xa] =	wrdreg s20  }
0xe: {  	s22 =	sadd.s32 $0x73200, s31;
	[dreg:$0xb] =	wrdreg s21  }
0xf: {  	[dreg:$0xc] =	wrdreg s22  }
0x10: {  	s23 =	sadd.s32 $0x73700, s31;
	s24 =	rddreg [dreg:$0x4]  }
0x11: {  	s25 =	sadd.s32 $0x73C00, s31;
	[dreg:$0xd] =	wrdreg s23  }
0x12: {  	s5 =	simm.s32 $0x3;
	[dreg:$0xe] =	wrdreg s25  }
0x13: {  	[tilespmem:s4], [sflag:$0x3] =	stream.linear.gather [hbm4b:s24+s4], $0x500, $0x38;
	[tilespmem:$0x6000] =	vst v63  }
0x14: {  	_ =	swait.ge [sflag:s5], $0x500  }
0x15: {  	[sflag:s5] =	ssyncset.done $0x0  }
0x16: {  	s6 =	simm.s32 $0x800;
	s26 =	rddreg [dreg:$0x5];
	[sflag:s5] =	ssyncadd.s32 $0xFFFFFB00  }
0x17: {  	[tilespmem:s6], [sflag:$0x3] =	stream.linear.gather [hbm4b:s26+s4], $0x500, $0x38;
	[tilespmem:$0x6000] =	vst v63  }
0x18: {  	_ =	swait.ge [sflag:s5], $0x500  }
0x19: {  	s9 =	simm.s32 $0x1;
	[sflag:s5] =	ssyncset.done $0x0  }
0x1a: {  	s7 =	simm.s32 $0x50;
	s8 =	simm.s32 $0x1000;
	[sflag:s5] =	ssyncadd.s32 $0xFFFFFB00  }
0x1b: {  	[tilespmem:s8], [sflag:$0x1] =	stream.indirect.gather [hbm4b:s2+s7], $0x80, s4, s7, $0xb8;
	[tilespmem:$0x6000] =	vst v63  }
0x1c: {  	_ =	swait.ge [sflag:s9], $0x2800  }
0x1d: {  	[sflag:s9] =	ssyncset.done $0x0  }
0x1e: {  	[sflag:s9] =	ssyncadd.s32 $0xFFFFD800  }
0x1f: {  	[tilespmem:s8], [sflag:$0x1] =	stream.indirect.gather.add.f32 [hbm:s3], $0x80, s6, s7, $0xb8;
	[tilespmem:$0x6000] =	vst v63  }
0x20: {  	_ =	swait.ge [sflag:s9], $0x2800  }
0x21: {  	[sflag:s9] =	ssyncset.done $0x0  }
0x22: {  	s10 =	rddreg [dreg:$0x6];
	[sflag:s9] =	ssyncadd.s32 $0xFFFFD800  }
0x23: {  	[hbm4b:s10+s4] =	stream.linear.scatter [tilespmem:s8], [sflag:$0x1], $0x2800, $0x38;
	[tilespmem:$0x6000] =	vst v63  }
0x24: {  	s12 =	simm.s32 $0x3800;
	s11 =	simm.s32 $0x2;
	s10 =	simm.s32 $0x80  }
0x25: {  	[tilespmem:s12], [sflag:$0x2] =	stream.indirect.gather [hbm4b:s2+s7], $0x80, s10, s7, $0xb8;
	[tilespmem:$0x6000] =	vst v63  }
0x26: {  	_ =	swait.ge [sflag:s11], $0x2800  }
0x27: {  	[sflag:s11] =	ssyncset.done $0x0  }
0x28: {  	s13 =	simm.s32 $0x880;
	[sflag:s11] =	ssyncadd.s32 $0xFFFFD800  }
0x29: {  	[tilespmem:s12], [sflag:$0x2] =	stream.indirect.gather.add.f32 [hbm:s3], $0x80, s13, s7, $0xb8;
	[tilespmem:$0x6000] =	vst v63  }
0x2a: {  	_ =	swait.ge [sflag:s11], $0x2800  }
0x2b: {  	[sflag:s11] =	ssyncset.done $0x0  }
0x2c: {  	s14 =	rddreg [dreg:$0x7];
	[sflag:s11] =	ssyncadd.s32 $0xFFFFD800  }
0x2d: {  	[hbm4b:s14+s4] =	stream.linear.scatter [tilespmem:s12], [sflag:$0x2], $0x2800, $0x38;
	[tilespmem:$0x6000] =	vst v63  }
0x2e: {  	_ =	swait.ge [sflag:s9], $0x2800  }
0x2f: {  	[sflag:s9] =	ssyncset.done $0x0  }
0x30: {  	s14 =	simm.s32 $0x100;
	[sflag:s9] =	ssyncadd.s32 $0xFFFFD800  }
0x31: {  	[tilespmem:s8], [sflag:$0x1] =	stream.indirect.gather [hbm4b:s2+s7], $0x80, s14, s7, $0xb8;
	[tilespmem:$0x6000] =	vst v63  }
0x32: {  	_ =	swait.ge [sflag:s9], $0x2800  }
0x33: {  	[sflag:s9] =	ssyncset.done $0x0  }
0x34: {  	s15 =	simm.s32 $0x900;
	[sflag:s9] =	ssyncadd.s32 $0xFFFFD800  }
0x35: {  	[tilespmem:s8], [sflag:$0x1] =	stream.indirect.gather.add.f32 [hbm:s3], $0x80, s15, s7, $0xb8;
	[tilespmem:$0x6000] =	vst v63  }
0x36: {  	_ =	swait.ge [sflag:s9], $0x2800  }
0x37: {  	[sflag:s9] =	ssyncset.done $0x0  }
0x38: {  	s16 =	rddreg [dreg:$0x8];
	[sflag:s9] =	ssyncadd.s32 $0xFFFFD800  }
0x39: {  	[hbm4b:s16+s4] =	stream.linear.scatter [tilespmem:s8], [sflag:$0x1], $0x2800, $0x38;
	[tilespmem:$0x6000] =	vst v63  }
0x3a: {  	_ =	swait.ge [sflag:s11], $0x2800  }
0x3b: {  	[sflag:s11] =	ssyncset.done $0x0  }
0x3c: {  	s16 =	simm.s32 $0x180;
	[sflag:s11] =	ssyncadd.s32 $0xFFFFD800  }
0x3d: {  	[tilespmem:s12], [sflag:$0x2] =	stream.indirect.gather [hbm4b:s2+s7], $0x80, s16, s7, $0xb8;
	[tilespmem:$0x6000] =	vst v63  }
0x3e: {  	_ =	swait.ge [sflag:s11], $0x2800  }
0x3f: {  	[sflag:s11] =	ssyncset.done $0x0  }
0x40: {  	s17 =	simm.s32 $0x980;
	[sflag:s11] =	ssyncadd.s32 $0xFFFFD800  }
0x41: {  	[tilespmem:s12], [sflag:$0x2] =	stream.indirect.gather.add.f32 [hbm:s3], $0x80, s17, s7, $0xb8;
	[tilespmem:$0x6000] =	vst v63  }
0x42: {  	_ =	swait.ge [sflag:s11], $0x2800  }
0x43: {  	[sflag:s11] =	ssyncset.done $0x0  }
0x44: {  	s18 =	rddreg [dreg:$0x9];
	[sflag:s11] =	ssyncadd.s32 $0xFFFFD800  }
0x45: {  	[hbm4b:s18+s4] =	stream.linear.scatter [tilespmem:s12], [sflag:$0x2], $0x2800, $0x38;
	[tilespmem:$0x6000] =	vst v63  }
0x46: {  	_ =	swait.ge [sflag:s9], $0x2800  }
0x47: {  	[sflag:s9] =	ssyncset.done $0x0  }
0x48: {  	s18 =	simm.s32 $0x200;
	[sflag:s9] =	ssyncadd.s32 $0xFFFFD800  }
0x49: {  	[tilespmem:s8], [sflag:$0x1] =	stream.indirect.gather [hbm4b:s2+s7], $0x80, s18, s7, $0xb8;
	[tilespmem:$0x6000] =	vst v63  }
0x4a: {  	_ =	swait.ge [sflag:s9], $0x2800  }
0x4b: {  	[sflag:s9] =	ssyncset.done $0x0  }
0x4c: {  	s19 =	simm.s32 $0xA00;
	[sflag:s9] =	ssyncadd.s32 $0xFFFFD800  }
0x4d: {  	[tilespmem:s8], [sflag:$0x1] =	stream.indirect.gather.add.f32 [hbm:s3], $0x80, s19, s7, $0xb8;
	[tilespmem:$0x6000] =	vst v63  }
0x4e: {  	_ =	swait.ge [sflag:s9], $0x2800  }
0x4f: {  	[sflag:s9] =	ssyncset.done $0x0  }
0x50: {  	s20 =	rddreg [dreg:$0xa];
	[sflag:s9] =	ssyncadd.s32 $0xFFFFD800  }
0x51: {  	[hbm4b:s20+s4] =	stream.linear.scatter [tilespmem:s8], [sflag:$0x1], $0x2800, $0x38;
	[tilespmem:$0x6000] =	vst v63  }
0x52: {  	_ =	swait.ge [sflag:s11], $0x2800  }
0x53: {  	[sflag:s11] =	ssyncset.done $0x0  }
0x54: {  	s20 =	simm.s32 $0x280;
	[sflag:s11] =	ssyncadd.s32 $0xFFFFD800  }
0x55: {  	[tilespmem:s12], [sflag:$0x2] =	stream.indirect.gather [hbm4b:s2+s7], $0x80, s20, s7, $0xb8;
	[tilespmem:$0x6000] =	vst v63  }
0x56: {  	_ =	swait.ge [sflag:s11], $0x2800  }
0x57: {  	[sflag:s11] =	ssyncset.done $0x0  }
0x58: {  	s21 =	simm.s32 $0xA80;
	[sflag:s11] =	ssyncadd.s32 $0xFFFFD800  }
0x59: {  	[tilespmem:s12], [sflag:$0x2] =	stream.indirect.gather.add.f32 [hbm:s3], $0x80, s21, s7, $0xb8;
	[tilespmem:$0x6000] =	vst v63  }
0x5a: {  	_ =	swait.ge [sflag:s11], $0x2800  }
0x5b: {  	[sflag:s11] =	ssyncset.done $0x0  }
0x5c: {  	s22 =	rddreg [dreg:$0xb];
	[sflag:s11] =	ssyncadd.s32 $0xFFFFD800  }
0x5d: {  	[hbm4b:s22+s4] =	stream.linear.scatter [tilespmem:s12], [sflag:$0x2], $0x2800, $0x38;
	[tilespmem:$0x6000] =	vst v63  }
0x5e: {  	_ =	swait.ge [sflag:s9], $0x2800  }
0x5f: {  	[sflag:s9] =	ssyncset.done $0x0  }
0x60: {  	s22 =	simm.s32 $0x300;
	[sflag:s9] =	ssyncadd.s32 $0xFFFFD800  }
0x61: {  	[tilespmem:s8], [sflag:$0x1] =	stream.indirect.gather [hbm4b:s2+s7], $0x80, s22, s7, $0xb8;
	[tilespmem:$0x6000] =	vst v63  }
0x62: {  	_ =	swait.ge [sflag:s9], $0x2800  }
0x63: {  	[sflag:s9] =	ssyncset.done $0x0  }
0x64: {  	s23 =	simm.s32 $0xB00;
	[sflag:s9] =	ssyncadd.s32 $0xFFFFD800  }
0x65: {  	[tilespmem:s8], [sflag:$0x1] =	stream.indirect.gather.add.f32 [hbm:s3], $0x80, s23, s7, $0xb8;
	[tilespmem:$0x6000] =	vst v63  }
0x66: {  	_ =	swait.ge [sflag:s9], $0x2800  }
0x67: {  	[sflag:s9] =	ssyncset.done $0x0  }
0x68: {  	s24 =	rddreg [dreg:$0xc];
	[sflag:s9] =	ssyncadd.s32 $0xFFFFD800  }
0x69: {  	[hbm4b:s24+s4] =	stream.linear.scatter [tilespmem:s8], [sflag:$0x1], $0x2800, $0x38;
	[tilespmem:$0x6000] =	vst v63  }
0x6a: {  	_ =	swait.ge [sflag:s11], $0x2800  }
0x6b: {  	[sflag:s11] =	ssyncset.done $0x0  }
0x6c: {  	s24 =	simm.s32 $0x380;
	[sflag:s11] =	ssyncadd.s32 $0xFFFFD800  }
0x6d: {  	[tilespmem:s12], [sflag:$0x2] =	stream.indirect.gather [hbm4b:s2+s7], $0x80, s24, s7, $0xb8;
	[tilespmem:$0x6000] =	vst v63  }
0x6e: {  	_ =	swait.ge [sflag:s11], $0x2800  }
0x6f: {  	[sflag:s11] =	ssyncset.done $0x0  }
0x70: {  	s25 =	simm.s32 $0xB80;
	[sflag:s11] =	ssyncadd.s32 $0xFFFFD800  }
0x71: {  	[tilespmem:s12], [sflag:$0x2] =	stream.indirect.gather.add.f32 [hbm:s3], $0x80, s25, s7, $0xb8;
	[tilespmem:$0x6000] =	vst v63  }
0x72: {  	_ =	swait.ge [sflag:s11], $0x2800  }
0x73: {  	[sflag:s11] =	ssyncset.done $0x0  }
0x74: {  	s26 =	rddreg [dreg:$0xd];
	[sflag:s11] =	ssyncadd.s32 $0xFFFFD800  }
0x75: {  	[hbm4b:s26+s4] =	stream.linear.scatter [tilespmem:s12], [sflag:$0x2], $0x2800, $0x38;
	[tilespmem:$0x6000] =	vst v63  }
0x76: {  	_ =	swait.ge [sflag:s9], $0x2800  }
0x77: {  	[sflag:s9] =	ssyncset.done $0x0  }
0x78: {  	s26 =	simm.s32 $0x400;
	[sflag:s9] =	ssyncadd.s32 $0xFFFFD800  }
0x79: {  	[tilespmem:s8], [sflag:$0x1] =	stream.indirect.gather [hbm4b:s2+s7], $0x80, s26, s7, $0xb8;
	[tilespmem:$0x6000] =	vst v63  }
0x7a: {  	_ =	swait.ge [sflag:s9], $0x2800  }
0x7b: {  	[sflag:s9] =	ssyncset.done $0x0  }
0x7c: {  	s28 =	simm.s32 $0xC00;
	[sflag:s9] =	ssyncadd.s32 $0xFFFFD800  }
0x7d: {  	[tilespmem:s8], [sflag:$0x1] =	stream.indirect.gather.add.f32 [hbm:s3], $0x80, s28, s7, $0xb8;
	[tilespmem:$0x6000] =	vst v63  }
0x7e: {  	_ =	swait.ge [sflag:s9], $0x2800  }
0x7f: {  	[sflag:s9] =	ssyncset.done $0x0  }
0x80: {  	s29 =	rddreg [dreg:$0xe];
	[sflag:s9] =	ssyncadd.s32 $0xFFFFD800  }
0x81: {  	[hbm4b:s29+s4] =	stream.linear.scatter [tilespmem:s8], [sflag:$0x1], $0x2800, $0x38;
	[tilespmem:$0x6000] =	vst v63  }
0x82: {  	_ =	swait.ge [sflag:s11], $0x2800  }
0x83: {  	[sflag:s11] =	ssyncset.done $0x0  }
0x84: {  	s29 =	simm.s32 $0x480;
	[sflag:s11] =	ssyncadd.s32 $0xFFFFD800  }
0x85: {  	[tilespmem:s12], [sflag:$0x2] =	stream.indirect.gather [hbm4b:s2+s7], $0x80, s29, s7, $0xb8;
	[tilespmem:$0x6000] =	vst v63  }
0x86: {  	_ =	swait.ge [sflag:s11], $0x2800  }
0x87: {  	s1 =	ssub.s32 $0x2, s1;
	[sflag:s11] =	ssyncset.done $0x0  }
0x88: {  	s30 =	simm.s32 $0xC80;
	s0 =	sshrl.u32 s1, $0x1;
	[sflag:s11] =	ssyncadd.s32 $0xFFFFD800  }
0x89: {  	[tilespmem:s12], [sflag:$0x2] =	stream.indirect.gather.add.f32 [hbm:s3], $0x80, s30, s7, $0xb8;
	[tilespmem:$0x6000] =	vst v63  }
0x8a: {  	s0 =	ssub.s32 s1, s0;
	_ =	swait.ge [sflag:s11], $0x2800  }
0x8b: {  	s0 =	smax.u32 s0, $0x1;
	[sflag:s11] =	ssyncset.done $0x0  }
0x8c: {  	s31 =	sadd.s32 $0x74100, s31;
	p0 =	sne.s32 s0, $0x1;
	[sflag:s11] =	ssyncadd.s32 $0xFFFFD800  }
0x8d: {  	[hbm4b:s31+s4] =	stream.linear.scatter [tilespmem:s12], [sflag:$0x2], $0x2800, $0x38;
	[tilespmem:$0x6000] =	vst v63  }
.Ltmp0:
0x8e: {  	_ =	swait.ge [sflag:s9], $0x2800;
	(pc) =	sbr.rel @!p0 .LBB2_2-.Ltmp0, $4  }
0x8f: {  	[sflag:s9] =	ssyncset.done $0x0  }
0x90: {  	[sflag:s9] =	ssyncadd.s32 $0xFFFFD800  }
0x91: {  	_ =	swait.ge [sflag:s11], $0x2800  }
0x92: {  	s1 =	sadd.s32 $0xFFFFFFFF, s0;
	[sflag:s11] =	ssyncset.done $0x0  }
.LBB2_1:
0x93: {  	s0 =	rddreg [dreg:$0x4];
	[sflag:s11] =	ssyncadd.s32 $0xFFFFD800  }
0x94: {  	[tilespmem:s4], [sflag:$0x3] =	stream.linear.gather [hbm4b:s0+s4], $0x500, $0x38;
	[tilespmem:$0x6000] =	vst v63  }
0x95: {  	_ =	swait.ge [sflag:s5], $0x500  }
0x96: {  	[sflag:s5] =	ssyncset.done $0x0  }
0x97: {  	s0 =	rddreg [dreg:$0x5];
	[sflag:s5] =	ssyncadd.s32 $0xFFFFFB00  }
0x98: {  	[tilespmem:s6], [sflag:$0x3] =	stream.linear.gather [hbm4b:s0+s4], $0x500, $0x38;
	[tilespmem:$0x6000] =	vst v63  }
0x99: {  	_ =	swait.ge [sflag:s5], $0x500  }
0x9a: {  	[sflag:s5] =	ssyncset.done $0x0  }
0x9b: {  	[sflag:s5] =	ssyncadd.s32 $0xFFFFFB00  }
0x9c: {  	[tilespmem:s8], [sflag:$0x1] =	stream.indirect.gather [hbm4b:s2+s7], $0x80, s4, s7, $0xb8;
	[tilespmem:$0x6000] =	vst v63  }
0x9d: {  	_ =	swait.ge [sflag:s9], $0x2800  }
0x9e: {  	[sflag:s9] =	ssyncset.done $0x0  }
0x9f: {  	[sflag:s9] =	ssyncadd.s32 $0xFFFFD800  }
0xa0: {  	[tilespmem:s8], [sflag:$0x1] =	stream.indirect.gather.add.f32 [hbm:s3], $0x80, s6, s7, $0xb8;
	[tilespmem:$0x6000] =	vst v63  }
0xa1: {  	_ =	swait.ge [sflag:s9], $0x2800  }
0xa2: {  	[sflag:s9] =	ssyncset.done $0x0  }
0xa3: {  	s0 =	rddreg [dreg:$0x6];
	[sflag:s9] =	ssyncadd.s32 $0xFFFFD800  }
0xa4: {  	[hbm4b:s0+s4] =	stream.linear.scatter [tilespmem:s8], [sflag:$0x1], $0x2800, $0x38;
	[tilespmem:$0x6000] =	vst v63  }
0xa5: {  	_ = 	snop  }
0xa6: {  	[tilespmem:s12], [sflag:$0x2] =	stream.indirect.gather [hbm4b:s2+s7], $0x80, s10, s7, $0xb8;
	[tilespmem:$0x6000] =	vst v63  }
0xa7: {  	_ =	swait.ge [sflag:s11], $0x2800  }
0xa8: {  	[sflag:s11] =	ssyncset.done $0x0  }
0xa9: {  	[sflag:s11] =	ssyncadd.s32 $0xFFFFD800  }
0xaa: {  	[tilespmem:s12], [sflag:$0x2] =	stream.indirect.gather.add.f32 [hbm:s3], $0x80, s13, s7, $0xb8;
	[tilespmem:$0x6000] =	vst v63  }
0xab: {  	_ =	swait.ge [sflag:s11], $0x2800  }
0xac: {  	[sflag:s11] =	ssyncset.done $0x0  }
0xad: {  	s0 =	rddreg [dreg:$0x7];
	[sflag:s11] =	ssyncadd.s32 $0xFFFFD800  }
0xae: {  	[hbm4b:s0+s4] =	stream.linear.scatter [tilespmem:s12], [sflag:$0x2], $0x2800, $0x38;
	[tilespmem:$0x6000] =	vst v63  }
0xaf: {  	_ =	swait.ge [sflag:s9], $0x2800  }
0xb0: {  	[sflag:s9] =	ssyncset.done $0x0  }
0xb1: {  	[sflag:s9] =	ssyncadd.s32 $0xFFFFD800  }
0xb2: {  	[tilespmem:s8], [sflag:$0x1] =	stream.indirect.gather [hbm4b:s2+s7], $0x80, s14, s7, $0xb8;
	[tilespmem:$0x6000] =	vst v63  }
0xb3: {  	_ =	swait.ge [sflag:s9], $0x2800  }
0xb4: {  	[sflag:s9] =	ssyncset.done $0x0  }
0xb5: {  	[sflag:s9] =	ssyncadd.s32 $0xFFFFD800  }
0xb6: {  	[tilespmem:s8], [sflag:$0x1] =	stream.indirect.gather.add.f32 [hbm:s3], $0x80, s15, s7, $0xb8;
	[tilespmem:$0x6000] =	vst v63  }
0xb7: {  	_ =	swait.ge [sflag:s9], $0x2800  }
0xb8: {  	[sflag:s9] =	ssyncset.done $0x0  }
0xb9: {  	s0 =	rddreg [dreg:$0x8];
	[sflag:s9] =	ssyncadd.s32 $0xFFFFD800  }
0xba: {  	[hbm4b:s0+s4] =	stream.linear.scatter [tilespmem:s8], [sflag:$0x1], $0x2800, $0x38;
	[tilespmem:$0x6000] =	vst v63  }
0xbb: {  	_ =	swait.ge [sflag:s11], $0x2800  }
0xbc: {  	[sflag:s11] =	ssyncset.done $0x0  }
0xbd: {  	[sflag:s11] =	ssyncadd.s32 $0xFFFFD800  }
0xbe: {  	[tilespmem:s12], [sflag:$0x2] =	stream.indirect.gather [hbm4b:s2+s7], $0x80, s16, s7, $0xb8;
	[tilespmem:$0x6000] =	vst v63  }
0xbf: {  	_ =	swait.ge [sflag:s11], $0x2800  }
0xc0: {  	[sflag:s11] =	ssyncset.done $0x0  }
0xc1: {  	[sflag:s11] =	ssyncadd.s32 $0xFFFFD800  }
0xc2: {  	[tilespmem:s12], [sflag:$0x2] =	stream.indirect.gather.add.f32 [hbm:s3], $0x80, s17, s7, $0xb8;
	[tilespmem:$0x6000] =	vst v63  }
0xc3: {  	_ =	swait.ge [sflag:s11], $0x2800  }
0xc4: {  	[sflag:s11] =	ssyncset.done $0x0  }
0xc5: {  	s0 =	rddreg [dreg:$0x9];
	[sflag:s11] =	ssyncadd.s32 $0xFFFFD800  }
0xc6: {  	[hbm4b:s0+s4] =	stream.linear.scatter [tilespmem:s12], [sflag:$0x2], $0x2800, $0x38;
	[tilespmem:$0x6000] =	vst v63  }
0xc7: {  	_ =	swait.ge [sflag:s9], $0x2800  }
0xc8: {  	[sflag:s9] =	ssyncset.done $0x0  }
0xc9: {  	[sflag:s9] =	ssyncadd.s32 $0xFFFFD800  }
0xca: {  	[tilespmem:s8], [sflag:$0x1] =	stream.indirect.gather [hbm4b:s2+s7], $0x80, s18, s7, $0xb8;
	[tilespmem:$0x6000] =	vst v63  }
0xcb: {  	_ =	swait.ge [sflag:s9], $0x2800  }
0xcc: {  	[sflag:s9] =	ssyncset.done $0x0  }
0xcd: {  	[sflag:s9] =	ssyncadd.s32 $0xFFFFD800  }
0xce: {  	[tilespmem:s8], [sflag:$0x1] =	stream.indirect.gather.add.f32 [hbm:s3], $0x80, s19, s7, $0xb8;
	[tilespmem:$0x6000] =	vst v63  }
0xcf: {  	_ =	swait.ge [sflag:s9], $0x2800  }
0xd0: {  	[sflag:s9] =	ssyncset.done $0x0  }
0xd1: {  	s0 =	rddreg [dreg:$0xa];
	[sflag:s9] =	ssyncadd.s32 $0xFFFFD800  }
0xd2: {  	[hbm4b:s0+s4] =	stream.linear.scatter [tilespmem:s8], [sflag:$0x1], $0x2800, $0x38;
	[tilespmem:$0x6000] =	vst v63  }
0xd3: {  	_ =	swait.ge [sflag:s11], $0x2800  }
0xd4: {  	[sflag:s11] =	ssyncset.done $0x0  }
0xd5: {  	[sflag:s11] =	ssyncadd.s32 $0xFFFFD800  }
0xd6: {  	[tilespmem:s12], [sflag:$0x2] =	stream.indirect.gather [hbm4b:s2+s7], $0x80, s20, s7, $0xb8;
	[tilespmem:$0x6000] =	vst v63  }
0xd7: {  	_ =	swait.ge [sflag:s11], $0x2800  }
0xd8: {  	[sflag:s11] =	ssyncset.done $0x0  }
0xd9: {  	[sflag:s11] =	ssyncadd.s32 $0xFFFFD800  }
0xda: {  	[tilespmem:s12], [sflag:$0x2] =	stream.indirect.gather.add.f32 [hbm:s3], $0x80, s21, s7, $0xb8;
	[tilespmem:$0x6000] =	vst v63  }
0xdb: {  	_ =	swait.ge [sflag:s11], $0x2800  }
0xdc: {  	[sflag:s11] =	ssyncset.done $0x0  }
0xdd: {  	s0 =	rddreg [dreg:$0xb];
	[sflag:s11] =	ssyncadd.s32 $0xFFFFD800  }
0xde: {  	[hbm4b:s0+s4] =	stream.linear.scatter [tilespmem:s12], [sflag:$0x2], $0x2800, $0x38;
	[tilespmem:$0x6000] =	vst v63  }
0xdf: {  	_ =	swait.ge [sflag:s9], $0x2800  }
0xe0: {  	[sflag:s9] =	ssyncset.done $0x0  }
0xe1: {  	[sflag:s9] =	ssyncadd.s32 $0xFFFFD800  }
0xe2: {  	[tilespmem:s8], [sflag:$0x1] =	stream.indirect.gather [hbm4b:s2+s7], $0x80, s22, s7, $0xb8;
	[tilespmem:$0x6000] =	vst v63  }
0xe3: {  	_ =	swait.ge [sflag:s9], $0x2800  }
0xe4: {  	[sflag:s9] =	ssyncset.done $0x0  }
0xe5: {  	[sflag:s9] =	ssyncadd.s32 $0xFFFFD800  }
0xe6: {  	[tilespmem:s8], [sflag:$0x1] =	stream.indirect.gather.add.f32 [hbm:s3], $0x80, s23, s7, $0xb8;
	[tilespmem:$0x6000] =	vst v63  }
0xe7: {  	_ =	swait.ge [sflag:s9], $0x2800  }
0xe8: {  	[sflag:s9] =	ssyncset.done $0x0  }
0xe9: {  	s0 =	rddreg [dreg:$0xc];
	[sflag:s9] =	ssyncadd.s32 $0xFFFFD800  }
0xea: {  	[hbm4b:s0+s4] =	stream.linear.scatter [tilespmem:s8], [sflag:$0x1], $0x2800, $0x38;
	[tilespmem:$0x6000] =	vst v63  }
0xeb: {  	_ =	swait.ge [sflag:s11], $0x2800  }
0xec: {  	[sflag:s11] =	ssyncset.done $0x0  }
0xed: {  	[sflag:s11] =	ssyncadd.s32 $0xFFFFD800  }
0xee: {  	[tilespmem:s12], [sflag:$0x2] =	stream.indirect.gather [hbm4b:s2+s7], $0x80, s24, s7, $0xb8;
	[tilespmem:$0x6000] =	vst v63  }
0xef: {  	_ =	swait.ge [sflag:s11], $0x2800  }
0xf0: {  	[sflag:s11] =	ssyncset.done $0x0  }
0xf1: {  	[sflag:s11] =	ssyncadd.s32 $0xFFFFD800  }
0xf2: {  	[tilespmem:s12], [sflag:$0x2] =	stream.indirect.gather.add.f32 [hbm:s3], $0x80, s25, s7, $0xb8;
	[tilespmem:$0x6000] =	vst v63  }
0xf3: {  	_ =	swait.ge [sflag:s11], $0x2800  }
0xf4: {  	[sflag:s11] =	ssyncset.done $0x0  }
0xf5: {  	s0 =	rddreg [dreg:$0xd];
	[sflag:s11] =	ssyncadd.s32 $0xFFFFD800  }
0xf6: {  	[hbm4b:s0+s4] =	stream.linear.scatter [tilespmem:s12], [sflag:$0x2], $0x2800, $0x38;
	[tilespmem:$0x6000] =	vst v63  }
0xf7: {  	_ =	swait.ge [sflag:s9], $0x2800  }
0xf8: {  	[sflag:s9] =	ssyncset.done $0x0  }
0xf9: {  	[sflag:s9] =	ssyncadd.s32 $0xFFFFD800  }
0xfa: {  	[tilespmem:s8], [sflag:$0x1] =	stream.indirect.gather [hbm4b:s2+s7], $0x80, s26, s7, $0xb8;
	[tilespmem:$0x6000] =	vst v63  }
0xfb: {  	_ =	swait.ge [sflag:s9], $0x2800  }
0xfc: {  	[sflag:s9] =	ssyncset.done $0x0  }
0xfd: {  	[sflag:s9] =	ssyncadd.s32 $0xFFFFD800  }
0xfe: {  	[tilespmem:s8], [sflag:$0x1] =	stream.indirect.gather.add.f32 [hbm:s3], $0x80, s28, s7, $0xb8;
	[tilespmem:$0x6000] =	vst v63  }
0xff: {  	_ =	swait.ge [sflag:s9], $0x2800  }
0x100: {  	[sflag:s9] =	ssyncset.done $0x0  }
0x101: {  	s0 =	rddreg [dreg:$0xe];
	[sflag:s9] =	ssyncadd.s32 $0xFFFFD800  }
0x102: {  	[hbm4b:s0+s4] =	stream.linear.scatter [tilespmem:s8], [sflag:$0x1], $0x2800, $0x38;
	[tilespmem:$0x6000] =	vst v63  }
0x103: {  	_ =	swait.ge [sflag:s11], $0x2800  }
0x104: {  	[sflag:s11] =	ssyncset.done $0x0  }
0x105: {  	[sflag:s11] =	ssyncadd.s32 $0xFFFFD800  }
0x106: {  	[tilespmem:s12], [sflag:$0x2] =	stream.indirect.gather [hbm4b:s2+s7], $0x80, s29, s7, $0xb8;
	[tilespmem:$0x6000] =	vst v63  }
0x107: {  	_ =	swait.ge [sflag:s11], $0x2800  }
0x108: {  	[sflag:s11] =	ssyncset.done $0x0  }
0x109: {  	[sflag:s11] =	ssyncadd.s32 $0xFFFFD800  }
0x10a: {  	[tilespmem:s12], [sflag:$0x2] =	stream.indirect.gather.add.f32 [hbm:s3], $0x80, s30, s7, $0xb8;
	[tilespmem:$0x6000] =	vst v63  }
0x10b: {  	_ =	swait.ge [sflag:s11], $0x2800  }
0x10c: {  	[sflag:s11] =	ssyncset.done $0x0  }
0x10d: {  	p0 =	sne.s32 s1, $0x1;
	[sflag:s11] =	ssyncadd.s32 $0xFFFFD800  }
0x10e: {  	[hbm4b:s31+s4] =	stream.linear.scatter [tilespmem:s12], [sflag:$0x2], $0x2800, $0x38;
	[tilespmem:$0x6000] =	vst v63  }
.Ltmp1:
0x10f: {  	_ =	swait.ge [sflag:s9], $0x2800;
	(pc) =	sbr.rel @p0 .LBB2_1-.Ltmp1, $4  }
0x110: {  	[sflag:s9] =	ssyncset.done $0x0  }
0x111: {  	[sflag:s9] =	ssyncadd.s32 $0xFFFFD800  }
0x112: {  	_ =	swait.ge [sflag:s11], $0x2800  }
0x113: {  	s1 =	sadd.s32 $0xFFFFFFFF, s1;
	[sflag:s11] =	ssyncset.done $0x0  }
.LBB2_2:
0x114: {  	[sflag:s11] =	ssyncadd.s32 $0xFFFFD800  }
0x115: {  	_ =	sfence.sel $0x180000  }
0x116: {  	[bflag:$0x0] =	sbarrier.arrive $0xFFFF  }
0x117: {  	_ =	strace $0x9000004A  }
0x118: {  	s0 =	stileid.u32;
	[bflag:$0x2] =	sbarrier.arrive $0xFFFF  }
0x119: {  	p0 =	sne.s32 s0, $0x0;
	s0 =	rddreg [dreg:$0x3]  }
0x11a: {  	s0 =	sadd.s32 @!p0 $0x100000, s0  }
0x11b: {  	[sflag:s0] =	ssyncadd.tile.s32 @!p0 $0x1;
	_ =	shalt  }
.Lfunc_end2:
_tile_overlayer_lowered:
.L_overlay_start_2:
0x11c: {  	(tag) =	ssettag $0x2  }
0x11d: {  	s0 =	rddreg [dreg:$0x0];
	s2 =	stileid.u32  }
0x11e: {  	s1 =	rddreg [dreg:$0x1];
	p0 =	sne.s32 s2, $0x0  }
0x11f: {  	s3 =	rddreg [dreg:$0x2];
	[bflag:$0x3] =	sbarrier.arrive $0xFFFF;
	s2 =	simm.s32 @!p0 $0x1C03  }
0x120: {  	[timem:s3], [sflag:s2] =	dma.local @!p0 [hbm:s0], s1  }
0x121: {  	s0 =	simm.s32 @!p0 $0x3  }
0x122: {  	_ =	swait.ge @!p0 [sflag:s0], s1  }
0x123: {  	s1 =	ssub.s32 @!p0 $0x0, s1;
	[sflag:s0] =	ssyncset.done @!p0 $0x0  }
0x124: {  	[sflag:s0] =	ssyncadd.s32 @!p0 s1  }
0x125: {  	[bflag:$0x3] =	sbarrier.arrive $0xFFFF  }
0x126: {  	_ =	shalt  }

</sc_bundles>
